<compile_context>
chip_gen: v7x
topology: tpu7x:2x2x1
jax: 0.10.2.dev20260603
libtpu: 0.0.44.dev20260713+nightly
codegen_flags: <defaults>
</compile_context>

<pallas_src>
import functools
import math

import jax
import jax.numpy as jnp
from jax import lax
from jax.experimental import pallas as pl
from jax.experimental.pallas import tpu as pltpu
from jax.experimental.pallas import tpu_sc as plsc

N = 50000
E = 800000
F_IN = 128
DIM = 64
K1 = 25000
K2 = 12500
P1 = 25600
P2 = 12800
M2 = 25600
NP = 50176
ECH1 = 400
ESUB = E // 16

_mesh = plsc.VectorSubcoreMesh(core_axis_name="c", subcore_axis_name="s")
_sc_params = pltpu.CompilerParams(use_tc_tiling_on_sc=False)


def _mm_body(x_ref, w_ref, o_ref):
    o_ref[...] = jnp.dot(x_ref[...], w_ref[...],
                         preferred_element_type=jnp.float32)


def _mm(x, w, bm=400):
    m = x.shape[0]
    k = x.shape[1]
    nb = m // bm
    return pl.pallas_call(
        _mm_body,
        grid=(nb,),
        in_specs=[
            pl.BlockSpec((bm, k), lambda i: (i, 0)),
            pl.BlockSpec((k, DIM), lambda i: (0, 0)),
        ],
        out_specs=pl.BlockSpec((bm, DIM), lambda i: (i, 0)),
        out_shape=jax.ShapeDtypeStruct((m, DIM), jnp.float32),
    )(x, w)


def _bias_score_body(sa_ref, sb_ref, b_ref, p_ref, h_ref, sc_ref):
    hh = jnp.concatenate([sa_ref[...], sb_ref[...]], axis=1) + b_ref[...]
    hh = jnp.maximum(hh, 0.0)
    h_ref[...] = hh
    pv = p_ref[...]
    inv = lax.rsqrt(jnp.sum(pv * pv))
    sv = jnp.dot(hh, pv.reshape(DIM, 1), preferred_element_type=jnp.float32)
    sc_ref[...] = jnp.tanh(sv * inv)


def _bias_score(sa, sb, b, p, bm=1024):
    m = sa.shape[0]
    nb = m // bm
    return pl.pallas_call(
        _bias_score_body,
        grid=(nb,),
        in_specs=[
            pl.BlockSpec((bm, 32), lambda i: (i, 0)),
            pl.BlockSpec((bm, 32), lambda i: (i, 0)),
            pl.BlockSpec((1, DIM), lambda i: (0, 0)),
            pl.BlockSpec((1, DIM), lambda i: (0, 0)),
        ],
        out_specs=[
            pl.BlockSpec((bm, DIM), lambda i: (i, 0)),
            pl.BlockSpec((bm, 1), lambda i: (i, 0)),
        ],
        out_shape=[
            jax.ShapeDtypeStruct((m, DIM), jnp.float32),
            jax.ShapeDtypeStruct((m, 1), jnp.float32),
        ],
    )(sa, sb, b.reshape(1, DIM), p.reshape(1, DIM))


def _seg1_body(src_hbm, dst_hbm, hcat_hbm, z_hbm, o_hbm,
               eidx_v, didx_v, rows_v, acc_sh, sem):
    c = lax.axis_index("c")
    s = lax.axis_index("s")
    pltpu.sync_copy(z_hbm.at[pl.ds(0, 3136)], acc_sh.at[pl.ds(s * 3136, 3136)])
    plsc.subcore_barrier()
    coff = c * N

    def chunk(j, carry):
        off = s * ESUB + j * ECH1
        pltpu.sync_copy(src_hbm.at[pl.ds(off, ECH1)], eidx_v)
        pltpu.sync_copy(dst_hbm.at[pl.ds(off, ECH1)], didx_v)

        def adj(g, cc):
            eidx_v[pl.ds(g * 16, 16)] = eidx_v[pl.ds(g * 16, 16)] + coff
            return cc

        lax.fori_loop(0, ECH1 // 16, adj, 0)
        pltpu.async_copy(hcat_hbm.at[eidx_v], rows_v, sem).wait()
        pltpu.sync_copy(rows_v, acc_sh.at[didx_v], add=True)
        return carry

    lax.fori_loop(0, ESUB // ECH1, chunk, 0)
    plsc.subcore_barrier()
    r0 = s * 3136
    pltpu.sync_copy(acc_sh.at[pl.ds(r0, 3136)],
                    o_hbm.at[pl.ds(c * NP + r0, 3136)])


_seg1 = pl.kernel(
    _seg1_body,
    out_type=jax.ShapeDtypeStruct((2 * NP, 32), jnp.float32),
    mesh=_mesh,
    compiler_params=_sc_params,
    scratch_types=[
        pltpu.VMEM((ECH1,), jnp.int32),
        pltpu.VMEM((ECH1,), jnp.int32),
        pltpu.VMEM((ECH1, 32), jnp.float32),
        pltpu.VMEM_SHARED((NP, 32), jnp.float32),
        pltpu.SemaphoreType.DMA,
    ],
)


def _gather_body(pw, perm_hbm, h_hbm, xg_hbm, pidx_v, rows_v, sem):
    c = lax.axis_index("c")
    s = lax.axis_index("s")
    w = s * 2 + c
    base = w * pw
    pltpu.sync_copy(perm_hbm.at[pl.ds(base, pw)], pidx_v)
    pltpu.async_copy(h_hbm.at[pidx_v], rows_v, sem).wait()
    pltpu.sync_copy(rows_v, xg_hbm.at[pl.ds(base, pw)])


def _make_gather(total, pw):
    return pl.kernel(
        functools.partial(_gather_body, pw),
        out_type=jax.ShapeDtypeStruct((total, DIM), jnp.float32),
        mesh=_mesh,
        compiler_params=_sc_params,
        scratch_types=[
            pltpu.VMEM((pw,), jnp.int32),
            pltpu.VMEM((pw, DIM), jnp.float32),
            pltpu.SemaphoreType.DMA,
        ],
    )


_gather1 = _make_gather(P1, P1 // 32)
_gather2 = _make_gather(P2, P2 // 32)


def _rowscatter_body(perm_hbm, hc_hbm, z_hbm, o_hbm,
                     pidx_v, rows_v, acc_sh, sem):
    c = lax.axis_index("c")
    s = lax.axis_index("s")
    pltpu.sync_copy(z_hbm.at[pl.ds(0, 3136)], acc_sh.at[pl.ds(s * 3136, 3136)])
    plsc.subcore_barrier()

    def chunk(j, carry):
        off = s * (P1 // 16) + j * 400
        pltpu.sync_copy(perm_hbm.at[pl.ds(off, 400)], pidx_v)
        pltpu.sync_copy(hc_hbm.at[pl.ds(c * P1 + off, 400)], rows_v)
        pltpu.sync_copy(rows_v, acc_sh.at[pidx_v], add=True)
        return carry

    lax.fori_loop(0, P1 // 16 // 400, chunk, 0)
    plsc.subcore_barrier()
    r0 = s * 3136
    pltpu.sync_copy(acc_sh.at[pl.ds(r0, 3136)],
                    o_hbm.at[pl.ds(c * NP + r0, 3136)])


_rowscatter = pl.kernel(
    _rowscatter_body,
    out_type=jax.ShapeDtypeStruct((2 * NP, 32), jnp.float32),
    mesh=_mesh,
    compiler_params=_sc_params,
    scratch_types=[
        pltpu.VMEM((400,), jnp.int32),
        pltpu.VMEM((400, 32), jnp.float32),
        pltpu.VMEM_SHARED((NP, 32), jnp.float32),
        pltpu.SemaphoreType.DMA,
    ],
)


def _gatherh_body(perm_hbm, o2_hbm, sa_hbm, sb_hbm,
                  pidx_v, pidx2_v, rowsa_v, rowsb_v, sem):
    c = lax.axis_index("c")
    s = lax.axis_index("s")
    w = s * 2 + c
    base = w * (P1 // 32)
    pw = P1 // 32
    pltpu.sync_copy(perm_hbm.at[pl.ds(base, pw)], pidx_v)

    def adj(g, cc):
        pidx2_v[pl.ds(g * 16, 16)] = pidx_v[pl.ds(g * 16, 16)] + NP
        return cc

    lax.fori_loop(0, pw // 16, adj, 0)
    pltpu.async_copy(o2_hbm.at[pidx_v], rowsa_v, sem).wait()
    pltpu.async_copy(o2_hbm.at[pidx2_v], rowsb_v, sem).wait()
    pltpu.sync_copy(rowsa_v, sa_hbm.at[pl.ds(base, pw)])
    pltpu.sync_copy(rowsb_v, sb_hbm.at[pl.ds(base, pw)])


_gather_halves = pl.kernel(
    _gatherh_body,
    out_type=[
        jax.ShapeDtypeStruct((P1, 32), jnp.float32),
        jax.ShapeDtypeStruct((P1, 32), jnp.float32),
    ],
    mesh=_mesh,
    compiler_params=_sc_params,
    scratch_types=[
        pltpu.VMEM((P1 // 32,), jnp.int32),
        pltpu.VMEM((P1 // 32,), jnp.int32),
        pltpu.VMEM((P1 // 32, 32), jnp.float32),
        pltpu.VMEM((P1 // 32, 32), jnp.float32),
        pltpu.SemaphoreType.DMA,
    ],
)


def _seg2_body(src_hbm, dst_hbm, gcat_hbm, z_hbm, o_hbm,
               eidx_v, didx_v, rows_v, acc_sh, sem):
    c = lax.axis_index("c")
    s = lax.axis_index("s")
    pltpu.sync_copy(z_hbm.at[pl.ds(0, 3136)], acc_sh.at[pl.ds(s * 3136, 3136)])
    plsc.subcore_barrier()
    coff = c * NP

    def chunk(j, carry):
        off = s * ESUB + j * ECH1
        pltpu.sync_copy(src_hbm.at[pl.ds(off, ECH1)], eidx_v)
        pltpu.sync_copy(dst_hbm.at[pl.ds(off, ECH1)], didx_v)

        def adj(g, cc):
            eidx_v[pl.ds(g * 16, 16)] = eidx_v[pl.ds(g * 16, 16)] + coff
            return cc

        lax.fori_loop(0, ECH1 // 16, adj, 0)
        pltpu.async_copy(gcat_hbm.at[eidx_v], rows_v, sem).wait()
        pltpu.sync_copy(rows_v, acc_sh.at[didx_v], add=True)
        return carry

    lax.fori_loop(0, ESUB // ECH1, chunk, 0)
    plsc.subcore_barrier()
    r0 = s * 3136
    pltpu.sync_copy(acc_sh.at[pl.ds(r0, 3136)],
                    o_hbm.at[pl.ds(c * NP + r0, 3136)])


_seg2 = pl.kernel(
    _seg2_body,
    out_type=jax.ShapeDtypeStruct((2 * NP, 32), jnp.float32),
    mesh=_mesh,
    compiler_params=_sc_params,
    scratch_types=[
        pltpu.VMEM((ECH1,), jnp.int32),
        pltpu.VMEM((ECH1,), jnp.int32),
        pltpu.VMEM((ECH1, 32), jnp.float32),
        pltpu.VMEM_SHARED((NP, 32), jnp.float32),
        pltpu.SemaphoreType.DMA,
    ],
)


def _scale_reduce_body(kvalid, with_mm, nb, *refs):
    if with_mm:
        (xg_ref, at_ref, w_ref, ha_ref, hb_ref, xr_ref, a_ref,
         amax, asum) = refs
    else:
        (xg_ref, at_ref, xr_ref, a_ref, amax, asum) = refs
    i = pl.program_id(0)
    bm = xg_ref.shape[0]
    at = at_ref[...]
    x = xg_ref[...] * at
    rows = i * bm + lax.broadcasted_iota(jnp.int32, (bm, DIM), 0)
    valid = rows < kvalid
    xm = jnp.where(valid, x, -jnp.inf)
    xs_ = jnp.where(valid, x, 0.0)

    @pl.when(i == 0)
    def _():
        amax[...] = jnp.full((1, DIM), -jnp.inf, jnp.float32)
        asum[...] = jnp.zeros((1, DIM), jnp.float32)

    amax[...] = jnp.maximum(amax[...], jnp.max(xm, axis=0, keepdims=True))
    asum[...] = asum[...] + jnp.sum(xs_, axis=0, keepdims=True)
    a_ref[...] = 1.0 / (1.0 + jnp.exp(-at))
    if with_mm:
        h2 = jnp.dot(x, w_ref[...], preferred_element_type=jnp.float32)
        ha_ref[...] = h2[:, :32]
        hb_ref[...] = h2[:, 32:]

    @pl.when(i == nb - 1)
    def _():
        xr_ref[...] = jnp.concatenate(
            [amax[...], asum[...] * (1.0 / kvalid)], axis=1)


def _scale_reduce(xg, at2d, kvalid, w=None, bm=400):
    m = xg.shape[0]
    nb = m // bm
    with_mm = w is not None
    in_specs = [
        pl.BlockSpec((bm, DIM), lambda i: (i, 0)),
        pl.BlockSpec((bm, 1), lambda i: (i, 0)),
    ]
    args = [xg, at2d]
    out_specs = []
    out_shape = []
    if with_mm:
        in_specs.append(pl.BlockSpec((DIM, DIM), lambda i: (0, 0)))
        args.append(w)
        out_specs += [pl.BlockSpec((bm, 32), lambda i: (i, 0)),
                      pl.BlockSpec((bm, 32), lambda i: (i, 0))]
        out_shape += [jax.ShapeDtypeStruct((m, 32), jnp.float32),
                      jax.ShapeDtypeStruct((m, 32), jnp.float32)]
    out_specs += [pl.BlockSpec((1, 2 * DIM), lambda i: (0, 0)),
                  pl.BlockSpec((bm, 1), lambda i: (i, 0))]
    out_shape += [jax.ShapeDtypeStruct((1, 2 * DIM), jnp.float32),
                  jax.ShapeDtypeStruct((m, 1), jnp.float32)]
    return pl.pallas_call(
        functools.partial(_scale_reduce_body, kvalid, with_mm, nb),
        grid=(nb,),
        in_specs=in_specs,
        out_specs=out_specs,
        out_shape=out_shape,
        scratch_shapes=[
            pltpu.VMEM((1, DIM), jnp.float32),
            pltpu.VMEM((1, DIM), jnp.float32),
        ],
    )(*args)


def _logsm(z):
    m = jnp.max(z, axis=1, keepdims=True)
    e = jnp.exp(z - m)
    return z - m - jnp.log(jnp.sum(e, axis=1, keepdims=True))


def _head_body(x1r_ref, x2r_ref, wf1_ref, bf1_ref, g1_ref, be1_ref,
               wf2_ref, bf2_ref, g2_ref, be2_ref, wf3_ref, bf3_ref,
               ws_ref, bs_ref, xy_ref, xs_ref):
    inv_bn = 1.0 / math.sqrt(1.0 + 1e-5)
    xc = x1r_ref[...] + x2r_ref[...]
    y = jnp.maximum(
        jnp.dot(xc, wf1_ref[...], preferred_element_type=jnp.float32)
        + bf1_ref[...], 0.0)
    y = g1_ref[...] * y * inv_bn + be1_ref[...]
    y = jnp.maximum(
        jnp.dot(y, wf2_ref[...], preferred_element_type=jnp.float32)
        + bf2_ref[...], 0.0)
    y = g2_ref[...] * y * inv_bn + be2_ref[...]
    z = jnp.dot(y, wf3_ref[...], preferred_element_type=jnp.float32) \
        + bf3_ref[...]
    xy_ref[...] = _logsm(z)
    zs = jnp.dot(xc, ws_ref[...], preferred_element_type=jnp.float32) \
        + bs_ref[...]
    xs_ref[...] = _logsm(zs)


def _head(x1r, x2r, wf1, bf1, g1, be1, wf2, bf2, g2, be2, wf3p, bf3p,
          wsp, bsp):
    return pl.pallas_call(
        _head_body,
        out_shape=[
            jax.ShapeDtypeStruct((1, 128), jnp.float32),
            jax.ShapeDtypeStruct((1, 128), jnp.float32),
        ],
    )(x1r, x2r, wf1, bf1.reshape(1, -1), g1.reshape(1, -1),
      be1.reshape(1, -1), wf2, bf2.reshape(1, -1), g2.reshape(1, -1),
      be2.reshape(1, -1), wf3p, bf3p, wsp, bsp)


def kernel(x, edge_index, edge_attr, batch, W1, b1, p1, W2, b2, p2,
           Wf1, bf1, g1, be1, Wf2, bf2, g2, be2, Wf3, bf3, Ws, bs):
    src = edge_index[0]
    dst = edge_index[1]
    zrows = jnp.zeros((3136, 32), jnp.float32)

    h_lin = _mm(x, W1)
    hcat = jnp.concatenate([h_lin[:, :32], h_lin[:, 32:]], axis=0)
    o1 = _seg1(src, dst, hcat, zrows)
    h, score = _bias_score(o1[:NP], o1[NP:], b1, p1)

    attn1, perm1 = lax.top_k(score[:N, 0], K1)
    perm1p = jnp.concatenate(
        [perm1, jnp.zeros((P1 - K1,), jnp.int32)])
    attn1p = jnp.concatenate(
        [attn1, jnp.zeros((P1 - K1,), jnp.float32)])
    xg = _gather1(perm1p, h)
    h2aa, h2ab, x1r, a1col = _scale_reduce(
        xg, attn1p.reshape(P1, 1), K1, w=W2)

    h2cat = jnp.concatenate([h2aa, h2ab], axis=0)
    gcat = _rowscatter(perm1p, h2cat, zrows)
    o2 = _seg2(src, dst, gcat, zrows)
    s2a, s2b = _gather_halves(perm1p, o2)
    h2, score2 = _bias_score(s2a, s2b, b2, p2)

    attn2, perm2 = lax.top_k(score2[:K1, 0], K2)
    perm2p = jnp.concatenate(
        [perm2, jnp.zeros((P2 - K2,), jnp.int32)])
    attn2p = jnp.concatenate(
        [attn2, jnp.zeros((P2 - K2,), jnp.float32)])
    x2g = _gather2(perm2p, h2)
    x2r, a2col = _scale_reduce(x2g, attn2p.reshape(P2, 1), K2)

    wf3p = jnp.pad(Wf3, ((0, 0), (0, 126)))
    bf3p = jnp.pad(bf3, (0, 126), constant_values=-1e30).reshape(1, 128)
    wsp = jnp.pad(Ws, ((0, 0), (0, 124)))
    bsp = jnp.pad(bs, (0, 124), constant_values=-1e30).reshape(1, 128)
    xy_full, xs_full = _head(x1r, x2r, Wf1, bf1, g1, be1, Wf2, bf2,
                             g2, be2, wf3p, bf3p, wsp, bsp)
    xy = xy_full[:, :2]
    xs = xs_full[:, :4]
    a1 = a1col[:K1, 0].reshape(K2, 2)
    a2 = a2col[:K2, 0].reshape(K2, 1)
    return (xy, xs, a1, a2)

# --- scband reference (transcript-rebuilt; emitter-appended) ---
"""Pipeline reference for scband-graph-classifier-44624710205918 (READ-ONLY COPY).

The authoritative reference and input builder live on the scoring server;
editing this copy changes nothing except your own understanding.
"""

import jax, jax.numpy as jnp
import numpy as np
import math

def setup_inputs(seed: int = 0) -> dict:
    key = jax.random.key(seed)
    ks = jax.random.split(key, 24)
    N, E, F_in, dim = 50000, 800000, 128, 64
    n_site, n_cls = 4, 2
    inp = {}
    inp['x'] = jax.random.normal(ks[0], (N, F_in), jnp.float32)
    inp['edge_index'] = jax.random.randint(ks[1], (2, E), 0, N, dtype=jnp.int32)
    inp['edge_attr'] = jax.random.normal(ks[2], (E, 4), jnp.float32)
    inp['batch'] = jnp.zeros((N,), jnp.int32)
    def w(k, shape):
        return jax.random.normal(k, shape, jnp.float32) * 0.05
    inp['W1'] = w(ks[3], (F_in, dim)); inp['b1'] = jnp.zeros((dim,), jnp.float32)
    inp['p1'] = w(ks[4], (dim,))
    inp['W2'] = w(ks[5], (dim, dim)); inp['b2'] = jnp.zeros((dim,), jnp.float32)
    inp['p2'] = w(ks[6], (dim,))
    inp['Wf1'] = w(ks[7], (2 * dim, 4 * dim)); inp['bf1'] = jnp.zeros((4 * dim,), jnp.float32)
    inp['g1'] = jnp.ones((4 * dim,), jnp.float32); inp['be1'] = jnp.zeros((4 * dim,), jnp.float32)
    inp['Wf2'] = w(ks[8], (4 * dim, 8 * dim)); inp['bf2'] = jnp.zeros((8 * dim,), jnp.float32)
    inp['g2'] = jnp.ones((8 * dim,), jnp.float32); inp['be2'] = jnp.zeros((8 * dim,), jnp.float32)
    inp['Wf3'] = w(ks[9], (8 * dim, n_cls)); inp['bf3'] = jnp.zeros((n_cls,), jnp.float32)
    inp['Ws'] = w(ks[10], (2 * dim, n_site)); inp['bs'] = jnp.zeros((n_site,), jnp.float32)
    return inp

def reference(x, edge_index, edge_attr, batch, W1, b1, p1, W2, b2, p2, Wf1, bf1, g1, be1, Wf2, bf2, g2, be2, Wf3, bf3, Ws, bs):
    ratio = 0.5
    eps = 1e-5
    N = x.shape[0]
    src, dst = edge_index[0], edge_index[1]
    # conv1: GCNConv(normalize=False, edge_weight=None) = linear -> sum-aggregate msgs at dst -> bias
    h = x @ W1
    h = jax.ops.segment_sum(h[src], dst, num_segments=N) + b1
    h = jax.nn.relu(h)
    # pool1: TopKPooling (score = tanh(x.p/||p||), keep top ceil(ratio*N), gate kept x by score)
    score1 = jnp.tanh((h @ p1) / jnp.sqrt(jnp.sum(p1 * p1)))
    k1 = int(math.ceil(ratio * N))
    attn1, perm1 = jax.lax.top_k(score1, k1)
    x1 = h[perm1] * attn1[:, None]
    # global max pool + global mean pool (single graph: batch all zeros)
    x1r = jnp.concatenate([jnp.max(x1, axis=0, keepdims=True), jnp.mean(x1, axis=0, keepdims=True)], axis=1)
    # filter_adj: remap surviving edges to new node ids; dropped edges masked to zero contribution
    node_map = jnp.zeros((N,), jnp.int32).at[perm1].set(jnp.arange(k1, dtype=jnp.int32))
    keep = jnp.zeros((N,), bool).at[perm1].set(True)
    emask = keep[src] & keep[dst]
    s1 = jnp.where(emask, node_map[src], 0)
    d1 = jnp.where(emask, node_map[dst], 0)
    # conv2
    h2 = x1 @ W2
    msg = jnp.where(emask[:, None], h2[s1], 0.0)
    h2 = jax.ops.segment_sum(msg, d1, num_segments=k1) + b2
    h2 = jax.nn.relu(h2)
    # pool2
    score2 = jnp.tanh((h2 @ p2) / jnp.sqrt(jnp.sum(p2 * p2)))
    k2 = int(math.ceil(ratio * k1))
    attn2, perm2 = jax.lax.top_k(score2, k2)
    x2 = h2[perm2] * attn2[:, None]
    x2r = jnp.concatenate([jnp.max(x2, axis=0, keepdims=True), jnp.mean(x2, axis=0, keepdims=True)], axis=1)
    xcat = x1r + x2r
    # MLP head; BatchNorm1d in eval mode (running_mean=0, running_var=1); dropout is identity in eval
    xy = jax.nn.relu(xcat @ Wf1 + bf1)
    xy = g1 * xy / jnp.sqrt(1.0 + eps) + be1
    xy = jax.nn.relu(xy @ Wf2 + bf2)
    xy = g2 * xy / jnp.sqrt(1.0 + eps) + be2
    xy = jax.nn.log_softmax(xy @ Wf3 + bf3, axis=-1)
    # site classifier (assumed Linear + log_softmax classifier head)
    xs = jax.nn.log_softmax(xcat @ Ws + bs, axis=-1)
    a1 = jax.nn.sigmoid(attn1.reshape(k2, -1))
    a2 = jax.nn.sigmoid(attn2.reshape(k2, -1))
    return (xy, xs, a1, a2)

if __name__ == "__main__":
    import jax
    _d = setup_inputs()
    print(jax.jit(kernel)(*tuple(_d.values())))

</pallas_src>

<mosaic_0001>
#map = affine_map<(d0, d1) -> (0)>
#map1 = affine_map<(d0, d1) -> (0, 0)>
module attributes {stable_mosaic.version = 14 : i64} {
  func.func @_seg1_body(%arg0: i32, %arg1: i32, %arg2: memref<800000xi32, #tpu.memory_space<hbm>>, %arg3: memref<800000xi32, #tpu.memory_space<hbm>>, %arg4: memref<100000x32xf32, #tpu.memory_space<hbm>>, %arg5: memref<3136x32xf32, #tpu.memory_space<hbm>>, %arg6: memref<100352x32xf32, #tpu.memory_space<hbm>>, %arg7: memref<400xi32, #tpu.memory_space<vmem>>, %arg8: memref<400xi32, #tpu.memory_space<vmem>>, %arg9: memref<400x32xf32, #tpu.memory_space<vmem>>, %arg10: memref<50176x32xf32, #tpu.memory_space<vmem_shared>>, %arg11: memref<!tpu.dma_semaphore, #tpu.memory_space<semaphore_mem>>) attributes {dimension_semantics = [#tpu.dimension_semantics<core_parallel>, #tpu.dimension_semantics<subcore_parallel>], iteration_bounds = array<i64: 2, 16>, scalar_prefetch = 0 : i64, scratch_operands = 5 : i64, tpu.core_type = #tpu.core_type<sc_vector_subcore>, window_params = [{transform_indices = #map}, {transform_indices = #map}, {transform_indices = #map1}, {transform_indices = #map1}, {transform_indices = #map1}]} {
    %mul3A = arith.constant 3136 : i32
    %mul3A_0 = arith.muli %arg1, %mul3A : i32
    "tpu.region"() ({
      %run_scoped3A = tpu.sem_alloc : memref<!tpu.dma_semaphore, #tpu.memory_space<semaphore_mem>>
      %dma_start3A = arith.constant 0 : i32
      %dma_start3A_13 = tpu.memref_slice %arg10[%mul3A_0, %dma_start3A] : memref<50176x32xf32, #tpu.memory_space<vmem_shared>> -> memref<3136x32xf32, #tpu.memory_space<vmem_shared>>
      %dma_start3A_14 = arith.constant 0 : i32
      %dma_start3A_15 = arith.constant 0 : i32
      %dma_start3A_16 = tpu.memref_slice %arg5[%dma_start3A_14, %dma_start3A_15] : memref<3136x32xf32, #tpu.memory_space<hbm>> -> memref<3136x32xf32, #tpu.memory_space<hbm>>
      tpu.enqueue_dma source(%dma_start3A_16 : memref<3136x32xf32, #tpu.memory_space<hbm>>) target(%dma_start3A_13 : memref<3136x32xf32, #tpu.memory_space<vmem_shared>>) target_semaphore(%run_scoped3A : memref<!tpu.dma_semaphore, #tpu.memory_space<semaphore_mem>>)
      %dma_wait3A = arith.constant 0 : i32
      %dma_wait3A_17 = tpu.memref_slice %arg10[%mul3A_0, %dma_wait3A] : memref<50176x32xf32, #tpu.memory_space<vmem_shared>> -> memref<3136x32xf32, #tpu.memory_space<vmem_shared>>
      %dma_wait3A_18 = arith.constant 0 : i32
      %dma_wait3A_19 = arith.constant 0 : i32
      %dma_wait3A_20 = tpu.memref_slice %arg5[%dma_wait3A_18, %dma_wait3A_19] : memref<3136x32xf32, #tpu.memory_space<hbm>> -> memref<3136x32xf32, #tpu.memory_space<hbm>>
      tpu.wait_dma2 semaphore(%run_scoped3A : memref<!tpu.dma_semaphore, #tpu.memory_space<semaphore_mem>>) src(%dma_wait3A_20 : memref<3136x32xf32, #tpu.memory_space<hbm>>) dst(%dma_wait3A_17 : memref<3136x32xf32, #tpu.memory_space<vmem_shared>>)
      tpu.yield
    }) : () -> ()
    %barrier3A = arith.constant 0 : index
    tpu.barrier barrier_id(%barrier3A)
    %mul3A_1 = arith.constant 50000 : i32
    %mul3A_2 = arith.muli %arg0, %mul3A_1 : i32
    %scan3A = arith.constant 0 : i32
    %scan3A_3 = arith.constant 0 : i32
    %scan3A_4 = arith.constant 125 : i32
    %scan3A_5 = arith.addi %scan3A_3, %scan3A_4 : i32
    %scan3A_6 = arith.constant 1 : i32
    scf.for %scan3A_13 = %scan3A_3 to %scan3A_5 step %scan3A_6  : i32 {
      %mul3A_14 = arith.constant 50000 : i32
      %mul3A_15 = arith.muli %arg1, %mul3A_14 : i32
      %mul3A_16 = arith.constant 400 : i32
      %mul3A_17 = arith.muli %scan3A_13, %mul3A_16 : i32
      %add3A_18 = arith.addi %mul3A_15, %mul3A_17 : i32
      "tpu.region"() ({
        %run_scoped3A = tpu.sem_alloc : memref<!tpu.dma_semaphore, #tpu.memory_space<semaphore_mem>>
        %dma_start3A_29 = tpu.memref_slice %arg2[%add3A_18] : memref<800000xi32, #tpu.memory_space<hbm>> -> memref<400xi32, #tpu.memory_space<hbm>>
        %dma_start3A_30 = tpu.memref_slice %arg2[%add3A_18] : memref<800000xi32, #tpu.memory_space<hbm>> -> memref<400xi32, #tpu.memory_space<hbm>>
        tpu.enqueue_dma source(%dma_start3A_30 : memref<400xi32, #tpu.memory_space<hbm>>) target(%arg7 : memref<400xi32, #tpu.memory_space<vmem>>) target_semaphore(%run_scoped3A : memref<!tpu.dma_semaphore, #tpu.memory_space<semaphore_mem>>)
        %dma_wait3A_31 = tpu.memref_slice %arg2[%add3A_18] : memref<800000xi32, #tpu.memory_space<hbm>> -> memref<400xi32, #tpu.memory_space<hbm>>
        %dma_wait3A_32 = tpu.memref_slice %arg2[%add3A_18] : memref<800000xi32, #tpu.memory_space<hbm>> -> memref<400xi32, #tpu.memory_space<hbm>>
        tpu.wait_dma2 semaphore(%run_scoped3A : memref<!tpu.dma_semaphore, #tpu.memory_space<semaphore_mem>>) src(%dma_wait3A_32 : memref<400xi32, #tpu.memory_space<hbm>>) dst(%arg7 : memref<400xi32, #tpu.memory_space<vmem>>)
        tpu.yield
      }) : () -> ()
      "tpu.region"() ({
        %run_scoped3A = tpu.sem_alloc : memref<!tpu.dma_semaphore, #tpu.memory_space<semaphore_mem>>
        %dma_start3A_29 = tpu.memref_slice %arg3[%add3A_18] : memref<800000xi32, #tpu.memory_space<hbm>> -> memref<400xi32, #tpu.memory_space<hbm>>
        %dma_start3A_30 = tpu.memref_slice %arg3[%add3A_18] : memref<800000xi32, #tpu.memory_space<hbm>> -> memref<400xi32, #tpu.memory_space<hbm>>
        tpu.enqueue_dma source(%dma_start3A_30 : memref<400xi32, #tpu.memory_space<hbm>>) target(%arg8 : memref<400xi32, #tpu.memory_space<vmem>>) target_semaphore(%run_scoped3A : memref<!tpu.dma_semaphore, #tpu.memory_space<semaphore_mem>>)
        %dma_wait3A_31 = tpu.memref_slice %arg3[%add3A_18] : memref<800000xi32, #tpu.memory_space<hbm>> -> memref<400xi32, #tpu.memory_space<hbm>>
        %dma_wait3A_32 = tpu.memref_slice %arg3[%add3A_18] : memref<800000xi32, #tpu.memory_space<hbm>> -> memref<400xi32, #tpu.memory_space<hbm>>
        tpu.wait_dma2 semaphore(%run_scoped3A : memref<!tpu.dma_semaphore, #tpu.memory_space<semaphore_mem>>) src(%dma_wait3A_32 : memref<400xi32, #tpu.memory_space<hbm>>) dst(%arg8 : memref<400xi32, #tpu.memory_space<vmem>>)
        tpu.yield
      }) : () -> ()
      %scan3A_19 = arith.constant 0 : i32
      %scan3A_20 = arith.constant 0 : i32
      %scan3A_21 = arith.constant 25 : i32
      %scan3A_22 = arith.addi %scan3A_20, %scan3A_21 : i32
      %scan3A_23 = arith.constant 1 : i32
      scf.for %scan3A_29 = %scan3A_20 to %scan3A_22 step %scan3A_23  : i32 {
        %mul3A_30 = arith.constant 16 : i32
        %mul3A_31 = arith.muli %scan3A_29, %mul3A_30 : i32
        %get3A = arith.index_cast %mul3A_31 : i32 to index
        %get3A_32 = tpu.vector_load %arg7[%get3A] {strides = array<i32>} : memref<400xi32, #tpu.memory_space<vmem>>, vector<16xi32>,
        %get3A_33 = vector.shape_cast %get3A_32 : vector<16xi32> to vector<16xi32>
        %add3A_34 = vector.broadcast %mul3A_2 : i32 to vector<16xi32>
        %add3A_35 = arith.addi %get3A_33, %add3A_34 : vector<16xi32>
        %mul3A_36 = arith.constant 16 : i32
        %mul3A_37 = arith.muli %scan3A_29, %mul3A_36 : i32
        %swap3A = arith.index_cast %mul3A_37 : i32 to index
        %swap3A_38 = tpu.vector_load %arg7[%swap3A] {strides = array<i32>} : memref<400xi32, #tpu.memory_space<vmem>>, vector<16xi32>,
        %swap3A_39 = vector.shape_cast %swap3A_38 : vector<16xi32> to vector<16xi32>
        %swap3A_40 = vector.shape_cast %add3A_35 : vector<16xi32> to vector<16xi32>
        tpu.vector_store %arg7[%swap3A], %swap3A_40 {strides = array<i32>} : memref<400xi32, #tpu.memory_space<vmem>>, vector<16xi32>,
      }
      %scan3A_24 = arith.constant 25 : i32
      %dma_start3A = arith.constant 0 : i32
      %dma_start3A_25 = arith.constant 0 : i32
      %dma_start3A_26 = tpu.memref_slice %arg4[%dma_start3A, %dma_start3A_25] : memref<100000x32xf32, #tpu.memory_space<hbm>> -> memref<100000x32xf32, #tpu.memory_space<hbm>>
      tpu.enqueue_indirect_dma source(%dma_start3A_26 : memref<100000x32xf32, #tpu.memory_space<hbm>>) target(%arg9 : memref<400x32xf32, #tpu.memory_space<vmem>>) offsets(%arg7 : memref<400xi32, #tpu.memory_space<vmem>>) semaphore(%arg11 : memref<!tpu.dma_semaphore, #tpu.memory_space<semaphore_mem>>)
      %dma_wait3A = arith.constant 0 : i32
      %dma_wait3A_27 = arith.constant 0 : i32
      %dma_wait3A_28 = tpu.memref_slice %arg4[%dma_wait3A, %dma_wait3A_27] : memref<100000x32xf32, #tpu.memory_space<hbm>> -> memref<100000x32xf32, #tpu.memory_space<hbm>>
      tpu.wait_indirect_dma semaphore(%arg11 : memref<!tpu.dma_semaphore, #tpu.memory_space<semaphore_mem>>) src(%dma_wait3A_28 : memref<100000x32xf32, #tpu.memory_space<hbm>>) dst(%arg9 : memref<400x32xf32, #tpu.memory_space<vmem>>)
      "tpu.region"() ({
        %run_scoped3A = tpu.sem_alloc : memref<!tpu.dma_semaphore, #tpu.memory_space<semaphore_mem>>
        %dma_start3A_29 = arith.constant 0 : i32
        %dma_start3A_30 = arith.constant 0 : i32
        %dma_start3A_31 = tpu.memref_slice %arg10[%dma_start3A_29, %dma_start3A_30] : memref<50176x32xf32, #tpu.memory_space<vmem_shared>> -> memref<50176x32xf32, #tpu.memory_space<vmem_shared>>
        tpu.enqueue_indirect_dma source(%arg9 : memref<400x32xf32, #tpu.memory_space<vmem>>) target(%dma_start3A_31 : memref<50176x32xf32, #tpu.memory_space<vmem_shared>>) offsets(%arg8 : memref<400xi32, #tpu.memory_space<vmem>>) semaphore(%run_scoped3A : memref<!tpu.dma_semaphore, #tpu.memory_space<semaphore_mem>>) {add = true}
        %dma_wait3A_32 = arith.constant 0 : i32
        %dma_wait3A_33 = arith.constant 0 : i32
        %dma_wait3A_34 = tpu.memref_slice %arg10[%dma_wait3A_32, %dma_wait3A_33] : memref<50176x32xf32, #tpu.memory_space<vmem_shared>> -> memref<50176x32xf32, #tpu.memory_space<vmem_shared>>
        tpu.wait_indirect_dma semaphore(%run_scoped3A : memref<!tpu.dma_semaphore, #tpu.memory_space<semaphore_mem>>) src(%arg9 : memref<400x32xf32, #tpu.memory_space<vmem>>) dst(%dma_wait3A_34 : memref<50176x32xf32, #tpu.memory_space<vmem_shared>>)
        tpu.yield
      }) : () -> ()
    }
    %scan3A_7 = arith.constant 125 : i32
    %barrier3A_8 = arith.constant 0 : index
    tpu.barrier barrier_id(%barrier3A_8)
    %mul3A_9 = arith.constant 3136 : i32
    %mul3A_10 = arith.muli %arg1, %mul3A_9 : i32
    %mul3A_11 = arith.constant 50176 : i32
    %mul3A_12 = arith.muli %arg0, %mul3A_11 : i32
    %add3A = arith.addi %mul3A_12, %mul3A_10 : i32
    "tpu.region"() ({
      %run_scoped3A = tpu.sem_alloc : memref<!tpu.dma_semaphore, #tpu.memory_space<semaphore_mem>>
      %dma_start3A = arith.constant 0 : i32
      %dma_start3A_13 = tpu.memref_slice %arg6[%add3A, %dma_start3A] : memref<100352x32xf32, #tpu.memory_space<hbm>> -> memref<3136x32xf32, #tpu.memory_space<hbm>>
      %dma_start3A_14 = arith.constant 0 : i32
      %dma_start3A_15 = tpu.memref_slice %arg10[%mul3A_10, %dma_start3A_14] : memref<50176x32xf32, #tpu.memory_space<vmem_shared>> -> memref<3136x32xf32, #tpu.memory_space<vmem_shared>>
      tpu.enqueue_dma source(%dma_start3A_15 : memref<3136x32xf32, #tpu.memory_space<vmem_shared>>) target(%dma_start3A_13 : memref<3136x32xf32, #tpu.memory_space<hbm>>) target_semaphore(%run_scoped3A : memref<!tpu.dma_semaphore, #tpu.memory_space<semaphore_mem>>)
      %dma_wait3A = arith.constant 0 : i32
      %dma_wait3A_16 = tpu.memref_slice %arg6[%add3A, %dma_wait3A] : memref<100352x32xf32, #tpu.memory_space<hbm>> -> memref<3136x32xf32, #tpu.memory_space<hbm>>
      %dma_wait3A_17 = arith.constant 0 : i32
      %dma_wait3A_18 = tpu.memref_slice %arg10[%mul3A_10, %dma_wait3A_17] : memref<50176x32xf32, #tpu.memory_space<vmem_shared>> -> memref<3136x32xf32, #tpu.memory_space<vmem_shared>>
      tpu.wait_dma2 semaphore(%run_scoped3A : memref<!tpu.dma_semaphore, #tpu.memory_space<semaphore_mem>>) src(%dma_wait3A_18 : memref<3136x32xf32, #tpu.memory_space<vmem_shared>>) dst(%dma_wait3A_16 : memref<3136x32xf32, #tpu.memory_space<hbm>>)
      tpu.yield
    }) : () -> ()
    return
  }
}

#map = affine_map<(d0, d1) -> (0)>
#map1 = affine_map<(d0, d1) -> (0, 0)>
module attributes {stable_mosaic.version = 14 : i64} {
  func.func @_seg2_body(%arg0: i32, %arg1: i32, %arg2: memref<800000xi32, #tpu.memory_space<hbm>>, %arg3: memref<800000xi32, #tpu.memory_space<hbm>>, %arg4: memref<100352x32xf32, #tpu.memory_space<hbm>>, %arg5: memref<3136x32xf32, #tpu.memory_space<hbm>>, %arg6: memref<100352x32xf32, #tpu.memory_space<hbm>>, %arg7: memref<400xi32, #tpu.memory_space<vmem>>, %arg8: memref<400xi32, #tpu.memory_space<vmem>>, %arg9: memref<400x32xf32, #tpu.memory_space<vmem>>, %arg10: memref<50176x32xf32, #tpu.memory_space<vmem_shared>>, %arg11: memref<!tpu.dma_semaphore, #tpu.memory_space<semaphore_mem>>) attributes {dimension_semantics = [#tpu.dimension_semantics<core_parallel>, #tpu.dimension_semantics<subcore_parallel>], iteration_bounds = array<i64: 2, 16>, scalar_prefetch = 0 : i64, scratch_operands = 5 : i64, tpu.core_type = #tpu.core_type<sc_vector_subcore>, window_params = [{transform_indices = #map}, {transform_indices = #map}, {transform_indices = #map1}, {transform_indices = #map1}, {transform_indices = #map1}]} {
    %mul3A = arith.constant 3136 : i32
    %mul3A_0 = arith.muli %arg1, %mul3A : i32
    "tpu.region"() ({
      %run_scoped3A = tpu.sem_alloc : memref<!tpu.dma_semaphore, #tpu.memory_space<semaphore_mem>>
      %dma_start3A = arith.constant 0 : i32
      %dma_start3A_13 = tpu.memref_slice %arg10[%mul3A_0, %dma_start3A] : memref<50176x32xf32, #tpu.memory_space<vmem_shared>> -> memref<3136x32xf32, #tpu.memory_space<vmem_shared>>
      %dma_start3A_14 = arith.constant 0 : i32
      %dma_start3A_15 = arith.constant 0 : i32
      %dma_start3A_16 = tpu.memref_slice %arg5[%dma_start3A_14, %dma_start3A_15] : memref<3136x32xf32, #tpu.memory_space<hbm>> -> memref<3136x32xf32, #tpu.memory_space<hbm>>
      tpu.enqueue_dma source(%dma_start3A_16 : memref<3136x32xf32, #tpu.memory_space<hbm>>) target(%dma_start3A_13 : memref<3136x32xf32, #tpu.memory_space<vmem_shared>>) target_semaphore(%run_scoped3A : memref<!tpu.dma_semaphore, #tpu.memory_space<semaphore_mem>>)
      %dma_wait3A = arith.constant 0 : i32
      %dma_wait3A_17 = tpu.memref_slice %arg10[%mul3A_0, %dma_wait3A] : memref<50176x32xf32, #tpu.memory_space<vmem_shared>> -> memref<3136x32xf32, #tpu.memory_space<vmem_shared>>
      %dma_wait3A_18 = arith.constant 0 : i32
      %dma_wait3A_19 = arith.constant 0 : i32
      %dma_wait3A_20 = tpu.memref_slice %arg5[%dma_wait3A_18, %dma_wait3A_19] : memref<3136x32xf32, #tpu.memory_space<hbm>> -> memref<3136x32xf32, #tpu.memory_space<hbm>>
      tpu.wait_dma2 semaphore(%run_scoped3A : memref<!tpu.dma_semaphore, #tpu.memory_space<semaphore_mem>>) src(%dma_wait3A_20 : memref<3136x32xf32, #tpu.memory_space<hbm>>) dst(%dma_wait3A_17 : memref<3136x32xf32, #tpu.memory_space<vmem_shared>>)
      tpu.yield
    }) : () -> ()
    %barrier3A = arith.constant 0 : index
    tpu.barrier barrier_id(%barrier3A)
    %mul3A_1 = arith.constant 50176 : i32
    %mul3A_2 = arith.muli %arg0, %mul3A_1 : i32
    %scan3A = arith.constant 0 : i32
    %scan3A_3 = arith.constant 0 : i32
    %scan3A_4 = arith.constant 125 : i32
    %scan3A_5 = arith.addi %scan3A_3, %scan3A_4 : i32
    %scan3A_6 = arith.constant 1 : i32
    scf.for %scan3A_13 = %scan3A_3 to %scan3A_5 step %scan3A_6  : i32 {
      %mul3A_14 = arith.constant 50000 : i32
      %mul3A_15 = arith.muli %arg1, %mul3A_14 : i32
      %mul3A_16 = arith.constant 400 : i32
      %mul3A_17 = arith.muli %scan3A_13, %mul3A_16 : i32
      %add3A_18 = arith.addi %mul3A_15, %mul3A_17 : i32
      "tpu.region"() ({
        %run_scoped3A = tpu.sem_alloc : memref<!tpu.dma_semaphore, #tpu.memory_space<semaphore_mem>>
        %dma_start3A_29 = tpu.memref_slice %arg2[%add3A_18] : memref<800000xi32, #tpu.memory_space<hbm>> -> memref<400xi32, #tpu.memory_space<hbm>>
        %dma_start3A_30 = tpu.memref_slice %arg2[%add3A_18] : memref<800000xi32, #tpu.memory_space<hbm>> -> memref<400xi32, #tpu.memory_space<hbm>>
        tpu.enqueue_dma source(%dma_start3A_30 : memref<400xi32, #tpu.memory_space<hbm>>) target(%arg7 : memref<400xi32, #tpu.memory_space<vmem>>) target_semaphore(%run_scoped3A : memref<!tpu.dma_semaphore, #tpu.memory_space<semaphore_mem>>)
        %dma_wait3A_31 = tpu.memref_slice %arg2[%add3A_18] : memref<800000xi32, #tpu.memory_space<hbm>> -> memref<400xi32, #tpu.memory_space<hbm>>
        %dma_wait3A_32 = tpu.memref_slice %arg2[%add3A_18] : memref<800000xi32, #tpu.memory_space<hbm>> -> memref<400xi32, #tpu.memory_space<hbm>>
        tpu.wait_dma2 semaphore(%run_scoped3A : memref<!tpu.dma_semaphore, #tpu.memory_space<semaphore_mem>>) src(%dma_wait3A_32 : memref<400xi32, #tpu.memory_space<hbm>>) dst(%arg7 : memref<400xi32, #tpu.memory_space<vmem>>)
        tpu.yield
      }) : () -> ()
      "tpu.region"() ({
        %run_scoped3A = tpu.sem_alloc : memref<!tpu.dma_semaphore, #tpu.memory_space<semaphore_mem>>
        %dma_start3A_29 = tpu.memref_slice %arg3[%add3A_18] : memref<800000xi32, #tpu.memory_space<hbm>> -> memref<400xi32, #tpu.memory_space<hbm>>
        %dma_start3A_30 = tpu.memref_slice %arg3[%add3A_18] : memref<800000xi32, #tpu.memory_space<hbm>> -> memref<400xi32, #tpu.memory_space<hbm>>
        tpu.enqueue_dma source(%dma_start3A_30 : memref<400xi32, #tpu.memory_space<hbm>>) target(%arg8 : memref<400xi32, #tpu.memory_space<vmem>>) target_semaphore(%run_scoped3A : memref<!tpu.dma_semaphore, #tpu.memory_space<semaphore_mem>>)
        %dma_wait3A_31 = tpu.memref_slice %arg3[%add3A_18] : memref<800000xi32, #tpu.memory_space<hbm>> -> memref<400xi32, #tpu.memory_space<hbm>>
        %dma_wait3A_32 = tpu.memref_slice %arg3[%add3A_18] : memref<800000xi32, #tpu.memory_space<hbm>> -> memref<400xi32, #tpu.memory_space<hbm>>
        tpu.wait_dma2 semaphore(%run_scoped3A : memref<!tpu.dma_semaphore, #tpu.memory_space<semaphore_mem>>) src(%dma_wait3A_32 : memref<400xi32, #tpu.memory_space<hbm>>) dst(%arg8 : memref<400xi32, #tpu.memory_space<vmem>>)
        tpu.yield
      }) : () -> ()
      %scan3A_19 = arith.constant 0 : i32
      %scan3A_20 = arith.constant 0 : i32
      %scan3A_21 = arith.constant 25 : i32
      %scan3A_22 = arith.addi %scan3A_20, %scan3A_21 : i32
      %scan3A_23 = arith.constant 1 : i32
      scf.for %scan3A_29 = %scan3A_20 to %scan3A_22 step %scan3A_23  : i32 {
        %mul3A_30 = arith.constant 16 : i32
        %mul3A_31 = arith.muli %scan3A_29, %mul3A_30 : i32
        %get3A = arith.index_cast %mul3A_31 : i32 to index
        %get3A_32 = tpu.vector_load %arg7[%get3A] {strides = array<i32>} : memref<400xi32, #tpu.memory_space<vmem>>, vector<16xi32>,
        %get3A_33 = vector.shape_cast %get3A_32 : vector<16xi32> to vector<16xi32>
        %add3A_34 = vector.broadcast %mul3A_2 : i32 to vector<16xi32>
        %add3A_35 = arith.addi %get3A_33, %add3A_34 : vector<16xi32>
        %mul3A_36 = arith.constant 16 : i32
        %mul3A_37 = arith.muli %scan3A_29, %mul3A_36 : i32
        %swap3A = arith.index_cast %mul3A_37 : i32 to index
        %swap3A_38 = tpu.vector_load %arg7[%swap3A] {strides = array<i32>} : memref<400xi32, #tpu.memory_space<vmem>>, vector<16xi32>,
        %swap3A_39 = vector.shape_cast %swap3A_38 : vector<16xi32> to vector<16xi32>
        %swap3A_40 = vector.shape_cast %add3A_35 : vector<16xi32> to vector<16xi32>
        tpu.vector_store %arg7[%swap3A], %swap3A_40 {strides = array<i32>} : memref<400xi32, #tpu.memory_space<vmem>>, vector<16xi32>,
      }
      %scan3A_24 = arith.constant 25 : i32
      %dma_start3A = arith.constant 0 : i32
      %dma_start3A_25 = arith.constant 0 : i32
      %dma_start3A_26 = tpu.memref_slice %arg4[%dma_start3A, %dma_start3A_25] : memref<100352x32xf32, #tpu.memory_space<hbm>> -> memref<100352x32xf32, #tpu.memory_space<hbm>>
      tpu.enqueue_indirect_dma source(%dma_start3A_26 : memref<100352x32xf32, #tpu.memory_space<hbm>>) target(%arg9 : memref<400x32xf32, #tpu.memory_space<vmem>>) offsets(%arg7 : memref<400xi32, #tpu.memory_space<vmem>>) semaphore(%arg11 : memref<!tpu.dma_semaphore, #tpu.memory_space<semaphore_mem>>)
      %dma_wait3A = arith.constant 0 : i32
      %dma_wait3A_27 = arith.constant 0 : i32
      %dma_wait3A_28 = tpu.memref_slice %arg4[%dma_wait3A, %dma_wait3A_27] : memref<100352x32xf32, #tpu.memory_space<hbm>> -> memref<100352x32xf32, #tpu.memory_space<hbm>>
      tpu.wait_indirect_dma semaphore(%arg11 : memref<!tpu.dma_semaphore, #tpu.memory_space<semaphore_mem>>) src(%dma_wait3A_28 : memref<100352x32xf32, #tpu.memory_space<hbm>>) dst(%arg9 : memref<400x32xf32, #tpu.memory_space<vmem>>)
      "tpu.region"() ({
        %run_scoped3A = tpu.sem_alloc : memref<!tpu.dma_semaphore, #tpu.memory_space<semaphore_mem>>
        %dma_start3A_29 = arith.constant 0 : i32
        %dma_start3A_30 = arith.constant 0 : i32
        %dma_start3A_31 = tpu.memref_slice %arg10[%dma_start3A_29, %dma_start3A_30] : memref<50176x32xf32, #tpu.memory_space<vmem_shared>> -> memref<50176x32xf32, #tpu.memory_space<vmem_shared>>
        tpu.enqueue_indirect_dma source(%arg9 : memref<400x32xf32, #tpu.memory_space<vmem>>) target(%dma_start3A_31 : memref<50176x32xf32, #tpu.memory_space<vmem_shared>>) offsets(%arg8 : memref<400xi32, #tpu.memory_space<vmem>>) semaphore(%run_scoped3A : memref<!tpu.dma_semaphore, #tpu.memory_space<semaphore_mem>>) {add = true}
        %dma_wait3A_32 = arith.constant 0 : i32
        %dma_wait3A_33 = arith.constant 0 : i32
        %dma_wait3A_34 = tpu.memref_slice %arg10[%dma_wait3A_32, %dma_wait3A_33] : memref<50176x32xf32, #tpu.memory_space<vmem_shared>> -> memref<50176x32xf32, #tpu.memory_space<vmem_shared>>
        tpu.wait_indirect_dma semaphore(%run_scoped3A : memref<!tpu.dma_semaphore, #tpu.memory_space<semaphore_mem>>) src(%arg9 : memref<400x32xf32, #tpu.memory_space<vmem>>) dst(%dma_wait3A_34 : memref<50176x32xf32, #tpu.memory_space<vmem_shared>>)
        tpu.yield
      }) : () -> ()
    }
    %scan3A_7 = arith.constant 125 : i32
    %barrier3A_8 = arith.constant 0 : index
    tpu.barrier barrier_id(%barrier3A_8)
    %mul3A_9 = arith.constant 3136 : i32
    %mul3A_10 = arith.muli %arg1, %mul3A_9 : i32
    %mul3A_11 = arith.constant 50176 : i32
    %mul3A_12 = arith.muli %arg0, %mul3A_11 : i32
    %add3A = arith.addi %mul3A_12, %mul3A_10 : i32
    "tpu.region"() ({
      %run_scoped3A = tpu.sem_alloc : memref<!tpu.dma_semaphore, #tpu.memory_space<semaphore_mem>>
      %dma_start3A = arith.constant 0 : i32
      %dma_start3A_13 = tpu.memref_slice %arg6[%add3A, %dma_start3A] : memref<100352x32xf32, #tpu.memory_space<hbm>> -> memref<3136x32xf32, #tpu.memory_space<hbm>>
      %dma_start3A_14 = arith.constant 0 : i32
      %dma_start3A_15 = tpu.memref_slice %arg10[%mul3A_10, %dma_start3A_14] : memref<50176x32xf32, #tpu.memory_space<vmem_shared>> -> memref<3136x32xf32, #tpu.memory_space<vmem_shared>>
      tpu.enqueue_dma source(%dma_start3A_15 : memref<3136x32xf32, #tpu.memory_space<vmem_shared>>) target(%dma_start3A_13 : memref<3136x32xf32, #tpu.memory_space<hbm>>) target_semaphore(%run_scoped3A : memref<!tpu.dma_semaphore, #tpu.memory_space<semaphore_mem>>)
      %dma_wait3A = arith.constant 0 : i32
      %dma_wait3A_16 = tpu.memref_slice %arg6[%add3A, %dma_wait3A] : memref<100352x32xf32, #tpu.memory_space<hbm>> -> memref<3136x32xf32, #tpu.memory_space<hbm>>
      %dma_wait3A_17 = arith.constant 0 : i32
      %dma_wait3A_18 = tpu.memref_slice %arg10[%mul3A_10, %dma_wait3A_17] : memref<50176x32xf32, #tpu.memory_space<vmem_shared>> -> memref<3136x32xf32, #tpu.memory_space<vmem_shared>>
      tpu.wait_dma2 semaphore(%run_scoped3A : memref<!tpu.dma_semaphore, #tpu.memory_space<semaphore_mem>>) src(%dma_wait3A_18 : memref<3136x32xf32, #tpu.memory_space<vmem_shared>>) dst(%dma_wait3A_16 : memref<3136x32xf32, #tpu.memory_space<hbm>>)
      tpu.yield
    }) : () -> ()
    return
  }
}

#map = affine_map<(d0, d1) -> (0)>
#map1 = affine_map<(d0, d1) -> (0, 0)>
module attributes {stable_mosaic.version = 14 : i64} {
  func.func @_gather_body(%arg0: i32, %arg1: i32, %arg2: memref<25600xi32, #tpu.memory_space<hbm>>, %arg3: memref<50176x64xf32, #tpu.memory_space<hbm>>, %arg4: memref<25600x64xf32, #tpu.memory_space<hbm>>, %arg5: memref<800xi32, #tpu.memory_space<vmem>>, %arg6: memref<800x64xf32, #tpu.memory_space<vmem>>, %arg7: memref<!tpu.dma_semaphore, #tpu.memory_space<semaphore_mem>>) attributes {dimension_semantics = [#tpu.dimension_semantics<core_parallel>, #tpu.dimension_semantics<subcore_parallel>], iteration_bounds = array<i64: 2, 16>, scalar_prefetch = 0 : i64, scratch_operands = 3 : i64, tpu.core_type = #tpu.core_type<sc_vector_subcore>, window_params = [{transform_indices = #map}, {transform_indices = #map1}, {transform_indices = #map1}]} {
    %mul3A = arith.constant 2 : i32
    %mul3A_0 = arith.muli %arg1, %mul3A : i32
    %add3A = arith.addi %mul3A_0, %arg0 : i32
    %mul3A_1 = arith.constant 800 : i32
    %mul3A_2 = arith.muli %add3A, %mul3A_1 : i32
    "tpu.region"() ({
      %run_scoped3A = tpu.sem_alloc : memref<!tpu.dma_semaphore, #tpu.memory_space<semaphore_mem>>
      %dma_start3A_7 = tpu.memref_slice %arg2[%mul3A_2] : memref<25600xi32, #tpu.memory_space<hbm>> -> memref<800xi32, #tpu.memory_space<hbm>>
      %dma_start3A_8 = tpu.memref_slice %arg2[%mul3A_2] : memref<25600xi32, #tpu.memory_space<hbm>> -> memref<800xi32, #tpu.memory_space<hbm>>
      tpu.enqueue_dma source(%dma_start3A_8 : memref<800xi32, #tpu.memory_space<hbm>>) target(%arg5 : memref<800xi32, #tpu.memory_space<vmem>>) target_semaphore(%run_scoped3A : memref<!tpu.dma_semaphore, #tpu.memory_space<semaphore_mem>>)
      %dma_wait3A_9 = tpu.memref_slice %arg2[%mul3A_2] : memref<25600xi32, #tpu.memory_space<hbm>> -> memref<800xi32, #tpu.memory_space<hbm>>
      %dma_wait3A_10 = tpu.memref_slice %arg2[%mul3A_2] : memref<25600xi32, #tpu.memory_space<hbm>> -> memref<800xi32, #tpu.memory_space<hbm>>
      tpu.wait_dma2 semaphore(%run_scoped3A : memref<!tpu.dma_semaphore, #tpu.memory_space<semaphore_mem>>) src(%dma_wait3A_10 : memref<800xi32, #tpu.memory_space<hbm>>) dst(%arg5 : memref<800xi32, #tpu.memory_space<vmem>>)
      tpu.yield
    }) : () -> ()
    %dma_start3A = arith.constant 0 : i32
    %dma_start3A_3 = arith.constant 0 : i32
    %dma_start3A_4 = tpu.memref_slice %arg3[%dma_start3A, %dma_start3A_3] : memref<50176x64xf32, #tpu.memory_space<hbm>> -> memref<50176x64xf32, #tpu.memory_space<hbm>>
    tpu.enqueue_indirect_dma source(%dma_start3A_4 : memref<50176x64xf32, #tpu.memory_space<hbm>>) target(%arg6 : memref<800x64xf32, #tpu.memory_space<vmem>>) offsets(%arg5 : memref<800xi32, #tpu.memory_space<vmem>>) semaphore(%arg7 : memref<!tpu.dma_semaphore, #tpu.memory_space<semaphore_mem>>)
    %dma_wait3A = arith.constant 0 : i32
    %dma_wait3A_5 = arith.constant 0 : i32
    %dma_wait3A_6 = tpu.memref_slice %arg3[%dma_wait3A, %dma_wait3A_5] : memref<50176x64xf32, #tpu.memory_space<hbm>> -> memref<50176x64xf32, #tpu.memory_space<hbm>>
    tpu.wait_indirect_dma semaphore(%arg7 : memref<!tpu.dma_semaphore, #tpu.memory_space<semaphore_mem>>) src(%dma_wait3A_6 : memref<50176x64xf32, #tpu.memory_space<hbm>>) dst(%arg6 : memref<800x64xf32, #tpu.memory_space<vmem>>)
    "tpu.region"() ({
      %run_scoped3A = tpu.sem_alloc : memref<!tpu.dma_semaphore, #tpu.memory_space<semaphore_mem>>
      %dma_start3A_7 = arith.constant 0 : i32
      %dma_start3A_8 = tpu.memref_slice %arg4[%mul3A_2, %dma_start3A_7] : memref<25600x64xf32, #tpu.memory_space<hbm>> -> memref<800x64xf32, #tpu.memory_space<hbm>>
      %dma_start3A_9 = arith.constant 0 : i32
      %dma_start3A_10 = tpu.memref_slice %arg4[%mul3A_2, %dma_start3A_9] : memref<25600x64xf32, #tpu.memory_space<hbm>> -> memref<800x64xf32, #tpu.memory_space<hbm>>
      tpu.enqueue_dma source(%arg6 : memref<800x64xf32, #tpu.memory_space<vmem>>) target(%dma_start3A_10 : memref<800x64xf32, #tpu.memory_space<hbm>>) target_semaphore(%run_scoped3A : memref<!tpu.dma_semaphore, #tpu.memory_space<semaphore_mem>>)
      %dma_wait3A_11 = arith.constant 0 : i32
      %dma_wait3A_12 = tpu.memref_slice %arg4[%mul3A_2, %dma_wait3A_11] : memref<25600x64xf32, #tpu.memory_space<hbm>> -> memref<800x64xf32, #tpu.memory_space<hbm>>
      %dma_wait3A_13 = arith.constant 0 : i32
      %dma_wait3A_14 = tpu.memref_slice %arg4[%mul3A_2, %dma_wait3A_13] : memref<25600x64xf32, #tpu.memory_space<hbm>> -> memref<800x64xf32, #tpu.memory_space<hbm>>
      tpu.wait_dma2 semaphore(%run_scoped3A : memref<!tpu.dma_semaphore, #tpu.memory_space<semaphore_mem>>) src(%arg6 : memref<800x64xf32, #tpu.memory_space<vmem>>) dst(%dma_wait3A_14 : memref<800x64xf32, #tpu.memory_space<hbm>>)
      tpu.yield
    }) : () -> ()
    return
  }
}

#map = affine_map<(d0, d1) -> (0)>
#map1 = affine_map<(d0, d1) -> (0, 0)>
module attributes {stable_mosaic.version = 14 : i64} {
  func.func @_rowscatter_body(%arg0: i32, %arg1: i32, %arg2: memref<25600xi32, #tpu.memory_space<hbm>>, %arg3: memref<51200x32xf32, #tpu.memory_space<hbm>>, %arg4: memref<3136x32xf32, #tpu.memory_space<hbm>>, %arg5: memref<100352x32xf32, #tpu.memory_space<hbm>>, %arg6: memref<400xi32, #tpu.memory_space<vmem>>, %arg7: memref<400x32xf32, #tpu.memory_space<vmem>>, %arg8: memref<50176x32xf32, #tpu.memory_space<vmem_shared>>, %arg9: memref<!tpu.dma_semaphore, #tpu.memory_space<semaphore_mem>>) attributes {dimension_semantics = [#tpu.dimension_semantics<core_parallel>, #tpu.dimension_semantics<subcore_parallel>], iteration_bounds = array<i64: 2, 16>, scalar_prefetch = 0 : i64, scratch_operands = 4 : i64, tpu.core_type = #tpu.core_type<sc_vector_subcore>, window_params = [{transform_indices = #map}, {transform_indices = #map1}, {transform_indices = #map1}, {transform_indices = #map1}]} {
    %mul3A = arith.constant 3136 : i32
    %mul3A_0 = arith.muli %arg1, %mul3A : i32
    "tpu.region"() ({
      %run_scoped3A = tpu.sem_alloc : memref<!tpu.dma_semaphore, #tpu.memory_space<semaphore_mem>>
      %dma_start3A = arith.constant 0 : i32
      %dma_start3A_11 = tpu.memref_slice %arg8[%mul3A_0, %dma_start3A] : memref<50176x32xf32, #tpu.memory_space<vmem_shared>> -> memref<3136x32xf32, #tpu.memory_space<vmem_shared>>
      %dma_start3A_12 = arith.constant 0 : i32
      %dma_start3A_13 = arith.constant 0 : i32
      %dma_start3A_14 = tpu.memref_slice %arg4[%dma_start3A_12, %dma_start3A_13] : memref<3136x32xf32, #tpu.memory_space<hbm>> -> memref<3136x32xf32, #tpu.memory_space<hbm>>
      tpu.enqueue_dma source(%dma_start3A_14 : memref<3136x32xf32, #tpu.memory_space<hbm>>) target(%dma_start3A_11 : memref<3136x32xf32, #tpu.memory_space<vmem_shared>>) target_semaphore(%run_scoped3A : memref<!tpu.dma_semaphore, #tpu.memory_space<semaphore_mem>>)
      %dma_wait3A = arith.constant 0 : i32
      %dma_wait3A_15 = tpu.memref_slice %arg8[%mul3A_0, %dma_wait3A] : memref<50176x32xf32, #tpu.memory_space<vmem_shared>> -> memref<3136x32xf32, #tpu.memory_space<vmem_shared>>
      %dma_wait3A_16 = arith.constant 0 : i32
      %dma_wait3A_17 = arith.constant 0 : i32
      %dma_wait3A_18 = tpu.memref_slice %arg4[%dma_wait3A_16, %dma_wait3A_17] : memref<3136x32xf32, #tpu.memory_space<hbm>> -> memref<3136x32xf32, #tpu.memory_space<hbm>>
      tpu.wait_dma2 semaphore(%run_scoped3A : memref<!tpu.dma_semaphore, #tpu.memory_space<semaphore_mem>>) src(%dma_wait3A_18 : memref<3136x32xf32, #tpu.memory_space<hbm>>) dst(%dma_wait3A_15 : memref<3136x32xf32, #tpu.memory_space<vmem_shared>>)
      tpu.yield
    }) : () -> ()
    %barrier3A = arith.constant 0 : index
    tpu.barrier barrier_id(%barrier3A)
    %scan3A = arith.constant 0 : i32
    %scan3A_1 = arith.constant 0 : i32
    %scan3A_2 = arith.constant 4 : i32
    %scan3A_3 = arith.addi %scan3A_1, %scan3A_2 : i32
    %scan3A_4 = arith.constant 1 : i32
    scf.for %scan3A_11 = %scan3A_1 to %scan3A_3 step %scan3A_4  : i32 {
      %mul3A_12 = arith.constant 1600 : i32
      %mul3A_13 = arith.muli %arg1, %mul3A_12 : i32
      %mul3A_14 = arith.constant 400 : i32
      %mul3A_15 = arith.muli %scan3A_11, %mul3A_14 : i32
      %add3A_16 = arith.addi %mul3A_13, %mul3A_15 : i32
      "tpu.region"() ({
        %run_scoped3A = tpu.sem_alloc : memref<!tpu.dma_semaphore, #tpu.memory_space<semaphore_mem>>
        %dma_start3A = tpu.memref_slice %arg2[%add3A_16] : memref<25600xi32, #tpu.memory_space<hbm>> -> memref<400xi32, #tpu.memory_space<hbm>>
        %dma_start3A_20 = tpu.memref_slice %arg2[%add3A_16] : memref<25600xi32, #tpu.memory_space<hbm>> -> memref<400xi32, #tpu.memory_space<hbm>>
        tpu.enqueue_dma source(%dma_start3A_20 : memref<400xi32, #tpu.memory_space<hbm>>) target(%arg6 : memref<400xi32, #tpu.memory_space<vmem>>) target_semaphore(%run_scoped3A : memref<!tpu.dma_semaphore, #tpu.memory_space<semaphore_mem>>)
        %dma_wait3A = tpu.memref_slice %arg2[%add3A_16] : memref<25600xi32, #tpu.memory_space<hbm>> -> memref<400xi32, #tpu.memory_space<hbm>>
        %dma_wait3A_21 = tpu.memref_slice %arg2[%add3A_16] : memref<25600xi32, #tpu.memory_space<hbm>> -> memref<400xi32, #tpu.memory_space<hbm>>
        tpu.wait_dma2 semaphore(%run_scoped3A : memref<!tpu.dma_semaphore, #tpu.memory_space<semaphore_mem>>) src(%dma_wait3A_21 : memref<400xi32, #tpu.memory_space<hbm>>) dst(%arg6 : memref<400xi32, #tpu.memory_space<vmem>>)
        tpu.yield
      }) : () -> ()
      %mul3A_17 = arith.constant 25600 : i32
      %mul3A_18 = arith.muli %arg0, %mul3A_17 : i32
      %add3A_19 = arith.addi %mul3A_18, %add3A_16 : i32
      "tpu.region"() ({
        %run_scoped3A = tpu.sem_alloc : memref<!tpu.dma_semaphore, #tpu.memory_space<semaphore_mem>>
        %dma_start3A = arith.constant 0 : i32
        %dma_start3A_20 = tpu.memref_slice %arg3[%add3A_19, %dma_start3A] : memref<51200x32xf32, #tpu.memory_space<hbm>> -> memref<400x32xf32, #tpu.memory_space<hbm>>
        %dma_start3A_21 = arith.constant 0 : i32
        %dma_start3A_22 = tpu.memref_slice %arg3[%add3A_19, %dma_start3A_21] : memref<51200x32xf32, #tpu.memory_space<hbm>> -> memref<400x32xf32, #tpu.memory_space<hbm>>
        tpu.enqueue_dma source(%dma_start3A_22 : memref<400x32xf32, #tpu.memory_space<hbm>>) target(%arg7 : memref<400x32xf32, #tpu.memory_space<vmem>>) target_semaphore(%run_scoped3A : memref<!tpu.dma_semaphore, #tpu.memory_space<semaphore_mem>>)
        %dma_wait3A = arith.constant 0 : i32
        %dma_wait3A_23 = tpu.memref_slice %arg3[%add3A_19, %dma_wait3A] : memref<51200x32xf32, #tpu.memory_space<hbm>> -> memref<400x32xf32, #tpu.memory_space<hbm>>
        %dma_wait3A_24 = arith.constant 0 : i32
        %dma_wait3A_25 = tpu.memref_slice %arg3[%add3A_19, %dma_wait3A_24] : memref<51200x32xf32, #tpu.memory_space<hbm>> -> memref<400x32xf32, #tpu.memory_space<hbm>>
        tpu.wait_dma2 semaphore(%run_scoped3A : memref<!tpu.dma_semaphore, #tpu.memory_space<semaphore_mem>>) src(%dma_wait3A_25 : memref<400x32xf32, #tpu.memory_space<hbm>>) dst(%arg7 : memref<400x32xf32, #tpu.memory_space<vmem>>)
        tpu.yield
      }) : () -> ()
      "tpu.region"() ({
        %run_scoped3A = tpu.sem_alloc : memref<!tpu.dma_semaphore, #tpu.memory_space<semaphore_mem>>
        %dma_start3A = arith.constant 0 : i32
        %dma_start3A_20 = arith.constant 0 : i32
        %dma_start3A_21 = tpu.memref_slice %arg8[%dma_start3A, %dma_start3A_20] : memref<50176x32xf32, #tpu.memory_space<vmem_shared>> -> memref<50176x32xf32, #tpu.memory_space<vmem_shared>>
        tpu.enqueue_indirect_dma source(%arg7 : memref<400x32xf32, #tpu.memory_space<vmem>>) target(%dma_start3A_21 : memref<50176x32xf32, #tpu.memory_space<vmem_shared>>) offsets(%arg6 : memref<400xi32, #tpu.memory_space<vmem>>) semaphore(%run_scoped3A : memref<!tpu.dma_semaphore, #tpu.memory_space<semaphore_mem>>) {add = true}
        %dma_wait3A = arith.constant 0 : i32
        %dma_wait3A_22 = arith.constant 0 : i32
        %dma_wait3A_23 = tpu.memref_slice %arg8[%dma_wait3A, %dma_wait3A_22] : memref<50176x32xf32, #tpu.memory_space<vmem_shared>> -> memref<50176x32xf32, #tpu.memory_space<vmem_shared>>
        tpu.wait_indirect_dma semaphore(%run_scoped3A : memref<!tpu.dma_semaphore, #tpu.memory_space<semaphore_mem>>) src(%arg7 : memref<400x32xf32, #tpu.memory_space<vmem>>) dst(%dma_wait3A_23 : memref<50176x32xf32, #tpu.memory_space<vmem_shared>>)
        tpu.yield
      }) : () -> ()
    }
    %scan3A_5 = arith.constant 4 : i32
    %barrier3A_6 = arith.constant 0 : index
    tpu.barrier barrier_id(%barrier3A_6)
    %mul3A_7 = arith.constant 3136 : i32
    %mul3A_8 = arith.muli %arg1, %mul3A_7 : i32
    %mul3A_9 = arith.constant 50176 : i32
    %mul3A_10 = arith.muli %arg0, %mul3A_9 : i32
    %add3A = arith.addi %mul3A_10, %mul3A_8 : i32
    "tpu.region"() ({
      %run_scoped3A = tpu.sem_alloc : memref<!tpu.dma_semaphore, #tpu.memory_space<semaphore_mem>>
      %dma_start3A = arith.constant 0 : i32
      %dma_start3A_11 = tpu.memref_slice %arg5[%add3A, %dma_start3A] : memref<100352x32xf32, #tpu.memory_space<hbm>> -> memref<3136x32xf32, #tpu.memory_space<hbm>>
      %dma_start3A_12 = arith.constant 0 : i32
      %dma_start3A_13 = tpu.memref_slice %arg8[%mul3A_8, %dma_start3A_12] : memref<50176x32xf32, #tpu.memory_space<vmem_shared>> -> memref<3136x32xf32, #tpu.memory_space<vmem_shared>>
      tpu.enqueue_dma source(%dma_start3A_13 : memref<3136x32xf32, #tpu.memory_space<vmem_shared>>) target(%dma_start3A_11 : memref<3136x32xf32, #tpu.memory_space<hbm>>) target_semaphore(%run_scoped3A : memref<!tpu.dma_semaphore, #tpu.memory_space<semaphore_mem>>)
      %dma_wait3A = arith.constant 0 : i32
      %dma_wait3A_14 = tpu.memref_slice %arg5[%add3A, %dma_wait3A] : memref<100352x32xf32, #tpu.memory_space<hbm>> -> memref<3136x32xf32, #tpu.memory_space<hbm>>
      %dma_wait3A_15 = arith.constant 0 : i32
      %dma_wait3A_16 = tpu.memref_slice %arg8[%mul3A_8, %dma_wait3A_15] : memref<50176x32xf32, #tpu.memory_space<vmem_shared>> -> memref<3136x32xf32, #tpu.memory_space<vmem_shared>>
      tpu.wait_dma2 semaphore(%run_scoped3A : memref<!tpu.dma_semaphore, #tpu.memory_space<semaphore_mem>>) src(%dma_wait3A_16 : memref<3136x32xf32, #tpu.memory_space<vmem_shared>>) dst(%dma_wait3A_14 : memref<3136x32xf32, #tpu.memory_space<hbm>>)
      tpu.yield
    }) : () -> ()
    return
  }
}

#map = affine_map<(d0, d1) -> (0)>
#map1 = affine_map<(d0, d1) -> (0, 0)>
module attributes {stable_mosaic.version = 14 : i64} {
  func.func @_gatherh_body(%arg0: i32, %arg1: i32, %arg2: memref<25600xi32, #tpu.memory_space<hbm>>, %arg3: memref<100352x32xf32, #tpu.memory_space<hbm>>, %arg4: memref<25600x32xf32, #tpu.memory_space<hbm>>, %arg5: memref<25600x32xf32, #tpu.memory_space<hbm>>, %arg6: memref<800xi32, #tpu.memory_space<vmem>>, %arg7: memref<800xi32, #tpu.memory_space<vmem>>, %arg8: memref<800x32xf32, #tpu.memory_space<vmem>>, %arg9: memref<800x32xf32, #tpu.memory_space<vmem>>, %arg10: memref<!tpu.dma_semaphore, #tpu.memory_space<semaphore_mem>>) attributes {dimension_semantics = [#tpu.dimension_semantics<core_parallel>, #tpu.dimension_semantics<subcore_parallel>], iteration_bounds = array<i64: 2, 16>, scalar_prefetch = 0 : i64, scratch_operands = 5 : i64, tpu.core_type = #tpu.core_type<sc_vector_subcore>, window_params = [{transform_indices = #map}, {transform_indices = #map1}, {transform_indices = #map1}, {transform_indices = #map1}]} {
    %mul3A = arith.constant 2 : i32
    %mul3A_0 = arith.muli %arg1, %mul3A : i32
    %add3A = arith.addi %mul3A_0, %arg0 : i32
    %mul3A_1 = arith.constant 800 : i32
    %mul3A_2 = arith.muli %add3A, %mul3A_1 : i32
    "tpu.region"() ({
      %run_scoped3A = tpu.sem_alloc : memref<!tpu.dma_semaphore, #tpu.memory_space<semaphore_mem>>
      %dma_start3A_18 = tpu.memref_slice %arg2[%mul3A_2] : memref<25600xi32, #tpu.memory_space<hbm>> -> memref<800xi32, #tpu.memory_space<hbm>>
      %dma_start3A_19 = tpu.memref_slice %arg2[%mul3A_2] : memref<25600xi32, #tpu.memory_space<hbm>> -> memref<800xi32, #tpu.memory_space<hbm>>
      tpu.enqueue_dma source(%dma_start3A_19 : memref<800xi32, #tpu.memory_space<hbm>>) target(%arg6 : memref<800xi32, #tpu.memory_space<vmem>>) target_semaphore(%run_scoped3A : memref<!tpu.dma_semaphore, #tpu.memory_space<semaphore_mem>>)
      %dma_wait3A_20 = tpu.memref_slice %arg2[%mul3A_2] : memref<25600xi32, #tpu.memory_space<hbm>> -> memref<800xi32, #tpu.memory_space<hbm>>
      %dma_wait3A_21 = tpu.memref_slice %arg2[%mul3A_2] : memref<25600xi32, #tpu.memory_space<hbm>> -> memref<800xi32, #tpu.memory_space<hbm>>
      tpu.wait_dma2 semaphore(%run_scoped3A : memref<!tpu.dma_semaphore, #tpu.memory_space<semaphore_mem>>) src(%dma_wait3A_21 : memref<800xi32, #tpu.memory_space<hbm>>) dst(%arg6 : memref<800xi32, #tpu.memory_space<vmem>>)
      tpu.yield
    }) : () -> ()
    %scan3A = arith.constant 0 : i32
    %scan3A_3 = arith.constant 0 : i32
    %scan3A_4 = arith.constant 50 : i32
    %scan3A_5 = arith.addi %scan3A_3, %scan3A_4 : i32
    %scan3A_6 = arith.constant 1 : i32
    scf.for %scan3A_18 = %scan3A_3 to %scan3A_5 step %scan3A_6  : i32 {
      %mul3A_19 = arith.constant 16 : i32
      %mul3A_20 = arith.muli %scan3A_18, %mul3A_19 : i32
      %get3A = arith.index_cast %mul3A_20 : i32 to index
      %get3A_21 = tpu.vector_load %arg6[%get3A] {strides = array<i32>} : memref<800xi32, #tpu.memory_space<vmem>>, vector<16xi32>,
      %get3A_22 = vector.shape_cast %get3A_21 : vector<16xi32> to vector<16xi32>
      %add3A_23 = arith.constant 50176 : i32
      %add3A_24 = vector.broadcast %add3A_23 : i32 to vector<16xi32>
      %add3A_25 = arith.addi %get3A_22, %add3A_24 : vector<16xi32>
      %mul3A_26 = arith.constant 16 : i32
      %mul3A_27 = arith.muli %scan3A_18, %mul3A_26 : i32
      %swap3A = arith.index_cast %mul3A_27 : i32 to index
      %swap3A_28 = tpu.vector_load %arg7[%swap3A] {strides = array<i32>} : memref<800xi32, #tpu.memory_space<vmem>>, vector<16xi32>,
      %swap3A_29 = vector.shape_cast %swap3A_28 : vector<16xi32> to vector<16xi32>
      %swap3A_30 = vector.shape_cast %add3A_25 : vector<16xi32> to vector<16xi32>
      tpu.vector_store %arg7[%swap3A], %swap3A_30 {strides = array<i32>} : memref<800xi32, #tpu.memory_space<vmem>>, vector<16xi32>,
    }
    %scan3A_7 = arith.constant 50 : i32
    %dma_start3A = arith.constant 0 : i32
    %dma_start3A_8 = arith.constant 0 : i32
    %dma_start3A_9 = tpu.memref_slice %arg3[%dma_start3A, %dma_start3A_8] : memref<100352x32xf32, #tpu.memory_space<hbm>> -> memref<100352x32xf32, #tpu.memory_space<hbm>>
    tpu.enqueue_indirect_dma source(%dma_start3A_9 : memref<100352x32xf32, #tpu.memory_space<hbm>>) target(%arg8 : memref<800x32xf32, #tpu.memory_space<vmem>>) offsets(%arg6 : memref<800xi32, #tpu.memory_space<vmem>>) semaphore(%arg10 : memref<!tpu.dma_semaphore, #tpu.memory_space<semaphore_mem>>)
    %dma_wait3A = arith.constant 0 : i32
    %dma_wait3A_10 = arith.constant 0 : i32
    %dma_wait3A_11 = tpu.memref_slice %arg3[%dma_wait3A, %dma_wait3A_10] : memref<100352x32xf32, #tpu.memory_space<hbm>> -> memref<100352x32xf32, #tpu.memory_space<hbm>>
    tpu.wait_indirect_dma semaphore(%arg10 : memref<!tpu.dma_semaphore, #tpu.memory_space<semaphore_mem>>) src(%dma_wait3A_11 : memref<100352x32xf32, #tpu.memory_space<hbm>>) dst(%arg8 : memref<800x32xf32, #tpu.memory_space<vmem>>)
    %dma_start3A_12 = arith.constant 0 : i32
    %dma_start3A_13 = arith.constant 0 : i32
    %dma_start3A_14 = tpu.memref_slice %arg3[%dma_start3A_12, %dma_start3A_13] : memref<100352x32xf32, #tpu.memory_space<hbm>> -> memref<100352x32xf32, #tpu.memory_space<hbm>>
    tpu.enqueue_indirect_dma source(%dma_start3A_14 : memref<100352x32xf32, #tpu.memory_space<hbm>>) target(%arg9 : memref<800x32xf32, #tpu.memory_space<vmem>>) offsets(%arg7 : memref<800xi32, #tpu.memory_space<vmem>>) semaphore(%arg10 : memref<!tpu.dma_semaphore, #tpu.memory_space<semaphore_mem>>)
    %dma_wait3A_15 = arith.constant 0 : i32
    %dma_wait3A_16 = arith.constant 0 : i32
    %dma_wait3A_17 = tpu.memref_slice %arg3[%dma_wait3A_15, %dma_wait3A_16] : memref<100352x32xf32, #tpu.memory_space<hbm>> -> memref<100352x32xf32, #tpu.memory_space<hbm>>
    tpu.wait_indirect_dma semaphore(%arg10 : memref<!tpu.dma_semaphore, #tpu.memory_space<semaphore_mem>>) src(%dma_wait3A_17 : memref<100352x32xf32, #tpu.memory_space<hbm>>) dst(%arg9 : memref<800x32xf32, #tpu.memory_space<vmem>>)
    "tpu.region"() ({
      %run_scoped3A = tpu.sem_alloc : memref<!tpu.dma_semaphore, #tpu.memory_space<semaphore_mem>>
      %dma_start3A_18 = arith.constant 0 : i32
      %dma_start3A_19 = tpu.memref_slice %arg4[%mul3A_2, %dma_start3A_18] : memref<25600x32xf32, #tpu.memory_space<hbm>> -> memref<800x32xf32, #tpu.memory_space<hbm>>
      %dma_start3A_20 = arith.constant 0 : i32
      %dma_start3A_21 = tpu.memref_slice %arg4[%mul3A_2, %dma_start3A_20] : memref<25600x32xf32, #tpu.memory_space<hbm>> -> memref<800x32xf32, #tpu.memory_space<hbm>>
      tpu.enqueue_dma source(%arg8 : memref<800x32xf32, #tpu.memory_space<vmem>>) target(%dma_start3A_21 : memref<800x32xf32, #tpu.memory_space<hbm>>) target_semaphore(%run_scoped3A : memref<!tpu.dma_semaphore, #tpu.memory_space<semaphore_mem>>)
      %dma_wait3A_22 = arith.constant 0 : i32
      %dma_wait3A_23 = tpu.memref_slice %arg4[%mul3A_2, %dma_wait3A_22] : memref<25600x32xf32, #tpu.memory_space<hbm>> -> memref<800x32xf32, #tpu.memory_space<hbm>>
      %dma_wait3A_24 = arith.constant 0 : i32
      %dma_wait3A_25 = tpu.memref_slice %arg4[%mul3A_2, %dma_wait3A_24] : memref<25600x32xf32, #tpu.memory_space<hbm>> -> memref<800x32xf32, #tpu.memory_space<hbm>>
      tpu.wait_dma2 semaphore(%run_scoped3A : memref<!tpu.dma_semaphore, #tpu.memory_space<semaphore_mem>>) src(%arg8 : memref<800x32xf32, #tpu.memory_space<vmem>>) dst(%dma_wait3A_25 : memref<800x32xf32, #tpu.memory_space<hbm>>)
      tpu.yield
    }) : () -> ()
    "tpu.region"() ({
      %run_scoped3A = tpu.sem_alloc : memref<!tpu.dma_semaphore, #tpu.memory_space<semaphore_mem>>
      %dma_start3A_18 = arith.constant 0 : i32
      %dma_start3A_19 = tpu.memref_slice %arg5[%mul3A_2, %dma_start3A_18] : memref<25600x32xf32, #tpu.memory_space<hbm>> -> memref<800x32xf32, #tpu.memory_space<hbm>>
      %dma_start3A_20 = arith.constant 0 : i32
      %dma_start3A_21 = tpu.memref_slice %arg5[%mul3A_2, %dma_start3A_20] : memref<25600x32xf32, #tpu.memory_space<hbm>> -> memref<800x32xf32, #tpu.memory_space<hbm>>
      tpu.enqueue_dma source(%arg9 : memref<800x32xf32, #tpu.memory_space<vmem>>) target(%dma_start3A_21 : memref<800x32xf32, #tpu.memory_space<hbm>>) target_semaphore(%run_scoped3A : memref<!tpu.dma_semaphore, #tpu.memory_space<semaphore_mem>>)
      %dma_wait3A_22 = arith.constant 0 : i32
      %dma_wait3A_23 = tpu.memref_slice %arg5[%mul3A_2, %dma_wait3A_22] : memref<25600x32xf32, #tpu.memory_space<hbm>> -> memref<800x32xf32, #tpu.memory_space<hbm>>
      %dma_wait3A_24 = arith.constant 0 : i32
      %dma_wait3A_25 = tpu.memref_slice %arg5[%mul3A_2, %dma_wait3A_24] : memref<25600x32xf32, #tpu.memory_space<hbm>> -> memref<800x32xf32, #tpu.memory_space<hbm>>
      tpu.wait_dma2 semaphore(%run_scoped3A : memref<!tpu.dma_semaphore, #tpu.memory_space<semaphore_mem>>) src(%arg9 : memref<800x32xf32, #tpu.memory_space<vmem>>) dst(%dma_wait3A_25 : memref<800x32xf32, #tpu.memory_space<hbm>>)
      tpu.yield
    }) : () -> ()
    return
  }
}

#map = affine_map<(d0, d1) -> (0)>
#map1 = affine_map<(d0, d1) -> (0, 0)>
module attributes {stable_mosaic.version = 14 : i64} {
  func.func @_gather_body(%arg0: i32, %arg1: i32, %arg2: memref<12800xi32, #tpu.memory_space<hbm>>, %arg3: memref<25600x64xf32, #tpu.memory_space<hbm>>, %arg4: memref<12800x64xf32, #tpu.memory_space<hbm>>, %arg5: memref<400xi32, #tpu.memory_space<vmem>>, %arg6: memref<400x64xf32, #tpu.memory_space<vmem>>, %arg7: memref<!tpu.dma_semaphore, #tpu.memory_space<semaphore_mem>>) attributes {dimension_semantics = [#tpu.dimension_semantics<core_parallel>, #tpu.dimension_semantics<subcore_parallel>], iteration_bounds = array<i64: 2, 16>, scalar_prefetch = 0 : i64, scratch_operands = 3 : i64, tpu.core_type = #tpu.core_type<sc_vector_subcore>, window_params = [{transform_indices = #map}, {transform_indices = #map1}, {transform_indices = #map1}]} {
    %mul3A = arith.constant 2 : i32
    %mul3A_0 = arith.muli %arg1, %mul3A : i32
    %add3A = arith.addi %mul3A_0, %arg0 : i32
    %mul3A_1 = arith.constant 400 : i32
    %mul3A_2 = arith.muli %add3A, %mul3A_1 : i32
    "tpu.region"() ({
      %run_scoped3A = tpu.sem_alloc : memref<!tpu.dma_semaphore, #tpu.memory_space<semaphore_mem>>
      %dma_start3A_7 = tpu.memref_slice %arg2[%mul3A_2] : memref<12800xi32, #tpu.memory_space<hbm>> -> memref<400xi32, #tpu.memory_space<hbm>>
      %dma_start3A_8 = tpu.memref_slice %arg2[%mul3A_2] : memref<12800xi32, #tpu.memory_space<hbm>> -> memref<400xi32, #tpu.memory_space<hbm>>
      tpu.enqueue_dma source(%dma_start3A_8 : memref<400xi32, #tpu.memory_space<hbm>>) target(%arg5 : memref<400xi32, #tpu.memory_space<vmem>>) target_semaphore(%run_scoped3A : memref<!tpu.dma_semaphore, #tpu.memory_space<semaphore_mem>>)
      %dma_wait3A_9 = tpu.memref_slice %arg2[%mul3A_2] : memref<12800xi32, #tpu.memory_space<hbm>> -> memref<400xi32, #tpu.memory_space<hbm>>
      %dma_wait3A_10 = tpu.memref_slice %arg2[%mul3A_2] : memref<12800xi32, #tpu.memory_space<hbm>> -> memref<400xi32, #tpu.memory_space<hbm>>
      tpu.wait_dma2 semaphore(%run_scoped3A : memref<!tpu.dma_semaphore, #tpu.memory_space<semaphore_mem>>) src(%dma_wait3A_10 : memref<400xi32, #tpu.memory_space<hbm>>) dst(%arg5 : memref<400xi32, #tpu.memory_space<vmem>>)
      tpu.yield
    }) : () -> ()
    %dma_start3A = arith.constant 0 : i32
    %dma_start3A_3 = arith.constant 0 : i32
    %dma_start3A_4 = tpu.memref_slice %arg3[%dma_start3A, %dma_start3A_3] : memref<25600x64xf32, #tpu.memory_space<hbm>> -> memref<25600x64xf32, #tpu.memory_space<hbm>>
    tpu.enqueue_indirect_dma source(%dma_start3A_4 : memref<25600x64xf32, #tpu.memory_space<hbm>>) target(%arg6 : memref<400x64xf32, #tpu.memory_space<vmem>>) offsets(%arg5 : memref<400xi32, #tpu.memory_space<vmem>>) semaphore(%arg7 : memref<!tpu.dma_semaphore, #tpu.memory_space<semaphore_mem>>)
    %dma_wait3A = arith.constant 0 : i32
    %dma_wait3A_5 = arith.constant 0 : i32
    %dma_wait3A_6 = tpu.memref_slice %arg3[%dma_wait3A, %dma_wait3A_5] : memref<25600x64xf32, #tpu.memory_space<hbm>> -> memref<25600x64xf32, #tpu.memory_space<hbm>>
    tpu.wait_indirect_dma semaphore(%arg7 : memref<!tpu.dma_semaphore, #tpu.memory_space<semaphore_mem>>) src(%dma_wait3A_6 : memref<25600x64xf32, #tpu.memory_space<hbm>>) dst(%arg6 : memref<400x64xf32, #tpu.memory_space<vmem>>)
    "tpu.region"() ({
      %run_scoped3A = tpu.sem_alloc : memref<!tpu.dma_semaphore, #tpu.memory_space<semaphore_mem>>
      %dma_start3A_7 = arith.constant 0 : i32
      %dma_start3A_8 = tpu.memref_slice %arg4[%mul3A_2, %dma_start3A_7] : memref<12800x64xf32, #tpu.memory_space<hbm>> -> memref<400x64xf32, #tpu.memory_space<hbm>>
      %dma_start3A_9 = arith.constant 0 : i32
      %dma_start3A_10 = tpu.memref_slice %arg4[%mul3A_2, %dma_start3A_9] : memref<12800x64xf32, #tpu.memory_space<hbm>> -> memref<400x64xf32, #tpu.memory_space<hbm>>
      tpu.enqueue_dma source(%arg6 : memref<400x64xf32, #tpu.memory_space<vmem>>) target(%dma_start3A_10 : memref<400x64xf32, #tpu.memory_space<hbm>>) target_semaphore(%run_scoped3A : memref<!tpu.dma_semaphore, #tpu.memory_space<semaphore_mem>>)
      %dma_wait3A_11 = arith.constant 0 : i32
      %dma_wait3A_12 = tpu.memref_slice %arg4[%mul3A_2, %dma_wait3A_11] : memref<12800x64xf32, #tpu.memory_space<hbm>> -> memref<400x64xf32, #tpu.memory_space<hbm>>
      %dma_wait3A_13 = arith.constant 0 : i32
      %dma_wait3A_14 = tpu.memref_slice %arg4[%mul3A_2, %dma_wait3A_13] : memref<12800x64xf32, #tpu.memory_space<hbm>> -> memref<400x64xf32, #tpu.memory_space<hbm>>
      tpu.wait_dma2 semaphore(%run_scoped3A : memref<!tpu.dma_semaphore, #tpu.memory_space<semaphore_mem>>) src(%arg6 : memref<400x64xf32, #tpu.memory_space<vmem>>) dst(%dma_wait3A_14 : memref<400x64xf32, #tpu.memory_space<hbm>>)
      tpu.yield
    }) : () -> ()
    return
  }
}

module attributes {stable_mosaic.version = 14 : i64} {
  func.func @_mm_body(%arg0: i32, %arg1: memref<400x128xf32, #tpu.memory_space<vmem>>, %arg2: memref<128x64xf32, #tpu.memory_space<vmem>>, %arg3: memref<400x64xf32, #tpu.memory_space<vmem>>) attributes {dimension_semantics = [#tpu.dimension_semantics<arbitrary>], iteration_bounds = array<i64: 125>, scalar_prefetch = 0 : i64, scratch_operands = 0 : i64, tpu.core_type = #tpu.core_type<tc>, window_params = [{transform_indices = @transform_0, window_bounds = array<i64: 400, 128>}, {pipeline_mode = #tpu.pipeline_mode<synchronous>, transform_indices = @transform_1, window_bounds = array<i64: 128, 64>}, {transform_indices = @transform_2, window_bounds = array<i64: 400, 64>}]} {
    %get3A = arith.constant 0 : index
    %get3A_0 = arith.constant 0 : index
    %get3A_1 = vector.load %arg1[%get3A, %get3A_0] : memref<400x128xf32, #tpu.memory_space<vmem>>, vector<400x128xf32>
    %get3A_2 = arith.constant 0 : index
    %get3A_3 = arith.constant 0 : index
    %get3A_4 = vector.load %arg2[%get3A_2, %get3A_3] : memref<128x64xf32, #tpu.memory_space<vmem>>, vector<128x64xf32>
    %dot_general3A = arith.constant dense<0.000000e+00> : vector<400x64xf32>
    %dot_general3A_5 = tpu.matmul %get3A_1, %get3A_4, %dot_general3A {dimension_numbers = #tpu.dot_dimension_numbers<[1], [0], [0], [1], [0, 0, 1, 1], [], []>, transpose_lhs_hint = false} : vector<400x128xf32>, vector<128x64xf32>, vector<400x64xf32> -> vector<400x64xf32>
    %swap3A = arith.constant 0 : index
    %swap3A_6 = arith.constant 0 : index
    %swap3A_7 = vector.load %arg3[%swap3A, %swap3A_6] : memref<400x64xf32, #tpu.memory_space<vmem>>, vector<400x64xf32>
    tpu.vector_store %arg3[%swap3A, %swap3A_6], %dot_general3A_5 {strides = array<i32>} : memref<400x64xf32, #tpu.memory_space<vmem>>, vector<400x64xf32>,
    return
  }
  func.func @transform_0(%arg0: i32) -> (i32, i32) {
    %c0_i32 = arith.constant 0 : i32
    %c0_i32_0 = arith.constant 0 : i32
    return %arg0, %c0_i32 : i32, i32
  }
  func.func @transform_1(%arg0: i32) -> (i32, i32) {
    %c0_i32 = arith.constant 0 : i32
    %c0_i32_0 = arith.constant 0 : i32
    %c0_i32_1 = arith.constant 0 : i32
    return %c0_i32, %c0_i32_0 : i32, i32
  }
  func.func @transform_2(%arg0: i32) -> (i32, i32) {
    %c0_i32 = arith.constant 0 : i32
    %c0_i32_0 = arith.constant 0 : i32
    return %arg0, %c0_i32 : i32, i32
  }
}

module attributes {stable_mosaic.version = 14 : i64} {
  func.func @_bias_score_body(%arg0: i32, %arg1: memref<1024x32xf32, #tpu.memory_space<vmem>>, %arg2: memref<1024x32xf32, #tpu.memory_space<vmem>>, %arg3: memref<1x64xf32, #tpu.memory_space<vmem>>, %arg4: memref<1x64xf32, #tpu.memory_space<vmem>>, %arg5: memref<1024x64xf32, #tpu.memory_space<vmem>>, %arg6: memref<1024x1xf32, #tpu.memory_space<vmem>>) attributes {dimension_semantics = [#tpu.dimension_semantics<arbitrary>], iteration_bounds = array<i64: 49>, scalar_prefetch = 0 : i64, scratch_operands = 0 : i64, tpu.core_type = #tpu.core_type<tc>, window_params = [{transform_indices = @transform_0, window_bounds = array<i64: 1024, 32>}, {transform_indices = @transform_1, window_bounds = array<i64: 1024, 32>}, {pipeline_mode = #tpu.pipeline_mode<synchronous>, transform_indices = @transform_2, window_bounds = array<i64: 1, 64>}, {pipeline_mode = #tpu.pipeline_mode<synchronous>, transform_indices = @transform_3, window_bounds = array<i64: 1, 64>}, {transform_indices = @transform_4, window_bounds = array<i64: 1024, 64>}, {transform_indices = @transform_5, window_bounds = array<i64: 1024, 1>}]} {
    %get3A = arith.constant 0 : index
    %get3A_0 = arith.constant 0 : index
    %get3A_1 = vector.load %arg1[%get3A, %get3A_0] : memref<1024x32xf32, #tpu.memory_space<vmem>>, vector<1024x32xf32>
    %get3A_2 = arith.constant 0 : index
    %get3A_3 = arith.constant 0 : index
    %get3A_4 = vector.load %arg2[%get3A_2, %get3A_3] : memref<1024x32xf32, #tpu.memory_space<vmem>>, vector<1024x32xf32>
    %concatenate3A = tpu.concatenate %get3A_1, %get3A_4 in 1 : vector<1024x32xf32>, vector<1024x32xf32> -> vector<1024x64xf32>
    %get3A_5 = arith.constant 0 : index
    %get3A_6 = arith.constant 0 : index
    %get3A_7 = vector.load %arg3[%get3A_5, %get3A_6] : memref<1x64xf32, #tpu.memory_space<vmem>>, vector<1x64xf32>
    %add3A = vector.broadcast %get3A_7 : vector<1x64xf32> to vector<1024x64xf32>
    %add3A_8 = arith.addf %concatenate3A, %add3A : vector<1024x64xf32>
    %max3A = arith.constant 0.000000e+00 : f32
    %max3A_9 = vector.broadcast %max3A : f32 to vector<1024x64xf32>
    %max3A_10 = arith.maximumf %add3A_8, %max3A_9 : vector<1024x64xf32>
    %swap3A = arith.constant 0 : index
    %swap3A_11 = arith.constant 0 : index
    %swap3A_12 = vector.load %arg5[%swap3A, %swap3A_11] : memref<1024x64xf32, #tpu.memory_space<vmem>>, vector<1024x64xf32>
    tpu.vector_store %arg5[%swap3A, %swap3A_11], %max3A_10 {strides = array<i32>} : memref<1024x64xf32, #tpu.memory_space<vmem>>, vector<1024x64xf32>,
    %get3A_13 = arith.constant 0 : index
    %get3A_14 = arith.constant 0 : index
    %get3A_15 = vector.load %arg4[%get3A_13, %get3A_14] : memref<1x64xf32, #tpu.memory_space<vmem>>, vector<1x64xf32>
    %mul3A = arith.mulf %get3A_15, %get3A_15 : vector<1x64xf32>
    %reduce_sum3A = vector.shape_cast %mul3A : vector<1x64xf32> to vector<1x1x64xf32>
    %reduce_sum3A_16 = arith.constant dense<0.000000e+00> : vector<1xf32>
    %reduce_sum3A_17 = vector.multi_reduction <add>, %reduce_sum3A, %reduce_sum3A_16 [1, 2] : vector<1x1x64xf32> to vector<1xf32>
    %reduce_sum3A_18 = vector.shape_cast %reduce_sum3A_17 : vector<1xf32> to vector<1x1x1xf32>
    %reduce_sum3A_19 = vector.extract %reduce_sum3A_18[0, 0, 0] : f32 from vector<1x1x1xf32>
    %rsqrt3A = math.rsqrt %reduce_sum3A_19 : f32
    %reshape3A = vector.shape_cast %get3A_15 : vector<1x64xf32> to vector<64x1xf32>
    %dot_general3A = arith.constant dense<0.000000e+00> : vector<1024x1xf32>
    %dot_general3A_20 = tpu.matmul %max3A_10, %reshape3A, %dot_general3A {dimension_numbers = #tpu.dot_dimension_numbers<[1], [0], [0], [1], [0, 0, 1, 1], [], []>, transpose_lhs_hint = false} : vector<1024x64xf32>, vector<64x1xf32>, vector<1024x1xf32> -> vector<1024x1xf32>
    %mul3A_21 = vector.broadcast %rsqrt3A : f32 to vector<1024x1xf32>
    %mul3A_22 = arith.mulf %dot_general3A_20, %mul3A_21 : vector<1024x1xf32>
    %tanh3A = math.tanh %mul3A_22 : vector<1024x1xf32>
    %swap3A_23 = arith.constant 0 : index
    %swap3A_24 = arith.constant 0 : index
    %swap3A_25 = vector.load %arg6[%swap3A_23, %swap3A_24] : memref<1024x1xf32, #tpu.memory_space<vmem>>, vector<1024x1xf32>
    tpu.vector_store %arg6[%swap3A_23, %swap3A_24], %tanh3A {strides = array<i32>} : memref<1024x1xf32, #tpu.memory_space<vmem>>, vector<1024x1xf32>,
    return
  }
  func.func @transform_0(%arg0: i32) -> (i32, i32) {
    %c0_i32 = arith.constant 0 : i32
    %c0_i32_0 = arith.constant 0 : i32
    return %arg0, %c0_i32 : i32, i32
  }
  func.func @transform_1(%arg0: i32) -> (i32, i32) {
    %c0_i32 = arith.constant 0 : i32
    %c0_i32_0 = arith.constant 0 : i32
    return %arg0, %c0_i32 : i32, i32
  }
  func.func @transform_2(%arg0: i32) -> (i32, i32) {
    %c0_i32 = arith.constant 0 : i32
    %c0_i32_0 = arith.constant 0 : i32
    %c0_i32_1 = arith.constant 0 : i32
    return %c0_i32, %c0_i32_0 : i32, i32
  }
  func.func @transform_3(%arg0: i32) -> (i32, i32) {
    %c0_i32 = arith.constant 0 : i32
    %c0_i32_0 = arith.constant 0 : i32
    %c0_i32_1 = arith.constant 0 : i32
    return %c0_i32, %c0_i32_0 : i32, i32
  }
  func.func @transform_4(%arg0: i32) -> (i32, i32) {
    %c0_i32 = arith.constant 0 : i32
    %c0_i32_0 = arith.constant 0 : i32
    return %arg0, %c0_i32 : i32, i32
  }
  func.func @transform_5(%arg0: i32) -> (i32, i32) {
    %c0_i32 = arith.constant 0 : i32
    %c0_i32_0 = arith.constant 0 : i32
    return %arg0, %c0_i32 : i32, i32
  }
}

module attributes {stable_mosaic.version = 14 : i64} {
  func.func @_scale_reduce_body(%arg0: i32, %arg1: memref<400x64xf32, #tpu.memory_space<vmem>>, %arg2: memref<400x1xf32, #tpu.memory_space<vmem>>, %arg3: memref<64x64xf32, #tpu.memory_space<vmem>>, %arg4: memref<400x32xf32, #tpu.memory_space<vmem>>, %arg5: memref<400x32xf32, #tpu.memory_space<vmem>>, %arg6: memref<1x128xf32, #tpu.memory_space<vmem>>, %arg7: memref<400x1xf32, #tpu.memory_space<vmem>>, %arg8: memref<1x64xf32, #tpu.memory_space<vmem>>, %arg9: memref<1x64xf32, #tpu.memory_space<vmem>>) attributes {dimension_semantics = [#tpu.dimension_semantics<arbitrary>], iteration_bounds = array<i64: 64>, scalar_prefetch = 0 : i64, scratch_operands = 2 : i64, tpu.core_type = #tpu.core_type<tc>, window_params = [{transform_indices = @transform_0, window_bounds = array<i64: 400, 64>}, {transform_indices = @transform_1, window_bounds = array<i64: 400, 1>}, {pipeline_mode = #tpu.pipeline_mode<synchronous>, transform_indices = @transform_2, window_bounds = array<i64: 64, 64>}, {transform_indices = @transform_3, window_bounds = array<i64: 400, 32>}, {transform_indices = @transform_4, window_bounds = array<i64: 400, 32>}, {pipeline_mode = #tpu.pipeline_mode<synchronous>, transform_indices = @transform_5, window_bounds = array<i64: 1, 128>}, {transform_indices = @transform_6, window_bounds = array<i64: 400, 1>}]} {
    %get3A = arith.constant 0 : index
    %get3A_0 = arith.constant 0 : index
    %get3A_1 = vector.load %arg2[%get3A, %get3A_0] : memref<400x1xf32, #tpu.memory_space<vmem>>, vector<400x1xf32>
    %get3A_2 = arith.constant 0 : index
    %get3A_3 = arith.constant 0 : index
    %get3A_4 = vector.load %arg1[%get3A_2, %get3A_3] : memref<400x64xf32, #tpu.memory_space<vmem>>, vector<400x64xf32>
    %mul3A = vector.broadcast %get3A_1 : vector<400x1xf32> to vector<400x64xf32>
    %mul3A_5 = arith.mulf %get3A_4, %mul3A : vector<400x64xf32>
    %mul3A_6 = arith.constant 400 : i32
    %mul3A_7 = arith.muli %arg0, %mul3A_6 : i32
    %iota3A = tpu.iota {dimensions = array<i32: 0>} : vector<400x64xi32>
    %add3A = vector.broadcast %mul3A_7 : i32 to vector<400x64xi32>
    %add3A_8 = arith.addi %add3A, %iota3A : vector<400x64xi32>
    %lt3A = arith.constant 25000 : i32
    %lt3A_9 = vector.broadcast %lt3A : i32 to vector<400x64xi32>
    %lt3A_10 = arith.cmpi slt, %add3A_8, %lt3A_9 : vector<400x64xi32>
    %jit3A = arith.constant 0xFF800000 : f32
    %broadcast_in_dim3A = vector.broadcast %jit3A : f32 to vector<400x64xf32>
    %select_n3A = arith.select %lt3A_10, %mul3A_5, %broadcast_in_dim3A : vector<400x64xi1>, vector<400x64xf32>
    %jit3A_11 = arith.constant 0.000000e+00 : f32
    %broadcast_in_dim3A_12 = vector.broadcast %jit3A_11 : f32 to vector<400x64xf32>
    %select_n3A_13 = arith.select %lt3A_10, %mul3A_5, %broadcast_in_dim3A_12 : vector<400x64xi1>, vector<400x64xf32>
    %eq3A = arith.constant 0 : i32
    %eq3A_14 = arith.cmpi eq, %arg0, %eq3A : i32
    %convert_element_type3A = arith.extui %eq3A_14 : i1 to i32
    %cond3A = arith.constant 0 : i32
    %cond3A_15 = arith.cmpi ne, %convert_element_type3A, %cond3A : i32
    scf.if %cond3A_15 {
      %broadcast_in_dim3A_58 = arith.constant 0xFF800000 : f32
      %broadcast_in_dim3A_59 = vector.broadcast %broadcast_in_dim3A_58 : f32 to vector<1x64xf32>
      %swap3A_60 = arith.constant 0 : index
      %swap3A_61 = arith.constant 0 : index
      %swap3A_62 = vector.load %arg8[%swap3A_60, %swap3A_61] : memref<1x64xf32, #tpu.memory_space<vmem>>, vector<1x64xf32>
      tpu.vector_store %arg8[%swap3A_60, %swap3A_61], %broadcast_in_dim3A_59 {strides = array<i32>} : memref<1x64xf32, #tpu.memory_space<vmem>>, vector<1x64xf32>,
      %broadcast_in_dim3A_63 = arith.constant 0.000000e+00 : f32
      %broadcast_in_dim3A_64 = vector.broadcast %broadcast_in_dim3A_63 : f32 to vector<1x64xf32>
      %swap3A_65 = arith.constant 0 : index
      %swap3A_66 = arith.constant 0 : index
      %swap3A_67 = vector.load %arg9[%swap3A_65, %swap3A_66] : memref<1x64xf32, #tpu.memory_space<vmem>>, vector<1x64xf32>
      tpu.vector_store %arg9[%swap3A_65, %swap3A_66], %broadcast_in_dim3A_64 {strides = array<i32>} : memref<1x64xf32, #tpu.memory_space<vmem>>, vector<1x64xf32>,
    } else {
    }
    %get3A_16 = arith.constant 0 : index
    %get3A_17 = arith.constant 0 : index
    %get3A_18 = vector.load %arg8[%get3A_16, %get3A_17] : memref<1x64xf32, #tpu.memory_space<vmem>>, vector<1x64xf32>
    %reduce_max3A = arith.constant dense<0xFF800000> : vector<64xf32>
    %reduce_max3A_19 = vector.multi_reduction <maximumf>, %select_n3A, %reduce_max3A [0] : vector<400x64xf32> to vector<64xf32>
    %broadcast_in_dim3A_20 = vector.shape_cast %reduce_max3A_19 : vector<64xf32> to vector<1x64xf32>
    %max3A = arith.maximumf %get3A_18, %broadcast_in_dim3A_20 : vector<1x64xf32>
    %swap3A = arith.constant 0 : index
    %swap3A_21 = arith.constant 0 : index
    %swap3A_22 = vector.load %arg8[%swap3A, %swap3A_21] : memref<1x64xf32, #tpu.memory_space<vmem>>, vector<1x64xf32>
    tpu.vector_store %arg8[%swap3A, %swap3A_21], %max3A {strides = array<i32>} : memref<1x64xf32, #tpu.memory_space<vmem>>, vector<1x64xf32>,
    %get3A_23 = arith.constant 0 : index
    %get3A_24 = arith.constant 0 : index
    %get3A_25 = vector.load %arg9[%get3A_23, %get3A_24] : memref<1x64xf32, #tpu.memory_space<vmem>>, vector<1x64xf32>
    %reduce_sum3A = arith.constant dense<0.000000e+00> : vector<64xf32>
    %reduce_sum3A_26 = vector.multi_reduction <add>, %select_n3A_13, %reduce_sum3A [0] : vector<400x64xf32> to vector<64xf32>
    %broadcast_in_dim3A_27 = vector.shape_cast %reduce_sum3A_26 : vector<64xf32> to vector<1x64xf32>
    %add3A_28 = arith.addf %get3A_25, %broadcast_in_dim3A_27 : vector<1x64xf32>
    %swap3A_29 = arith.constant 0 : index
    %swap3A_30 = arith.constant 0 : index
    %swap3A_31 = vector.load %arg9[%swap3A_29, %swap3A_30] : memref<1x64xf32, #tpu.memory_space<vmem>>, vector<1x64xf32>
    tpu.vector_store %arg9[%swap3A_29, %swap3A_30], %add3A_28 {strides = array<i32>} : memref<1x64xf32, #tpu.memory_space<vmem>>, vector<1x64xf32>,
    %neg3A = arith.constant 0.000000e+00 : f32
    %neg3A_32 = vector.broadcast %neg3A : f32 to vector<400x1xf32>
    %neg3A_33 = arith.subf %neg3A_32, %get3A_1 : vector<400x1xf32>
    %exp3A = math.exp %neg3A_33 : vector<400x1xf32>
    %add3A_34 = arith.constant 1.000000e+00 : f32
    %add3A_35 = vector.broadcast %add3A_34 : f32 to vector<400x1xf32>
    %add3A_36 = arith.addf %add3A_35, %exp3A : vector<400x1xf32>
    %div3A = arith.constant 1.000000e+00 : f32
    %div3A_37 = vector.broadcast %div3A : f32 to vector<400x1xf32>
    %div3A_38 = arith.divf %div3A_37, %add3A_36 : vector<400x1xf32>
    %swap3A_39 = arith.constant 0 : index
    %swap3A_40 = arith.constant 0 : index
    %swap3A_41 = vector.load %arg7[%swap3A_39, %swap3A_40] : memref<400x1xf32, #tpu.memory_space<vmem>>, vector<400x1xf32>
    tpu.vector_store %arg7[%swap3A_39, %swap3A_40], %div3A_38 {strides = array<i32>} : memref<400x1xf32, #tpu.memory_space<vmem>>, vector<400x1xf32>,
    %get3A_42 = arith.constant 0 : index
    %get3A_43 = arith.constant 0 : index
    %get3A_44 = vector.load %arg3[%get3A_42, %get3A_43] : memref<64x64xf32, #tpu.memory_space<vmem>>, vector<64x64xf32>
    %dot_general3A = arith.constant dense<0.000000e+00> : vector<400x64xf32>
    %dot_general3A_45 = tpu.matmul %mul3A_5, %get3A_44, %dot_general3A {dimension_numbers = #tpu.dot_dimension_numbers<[1], [0], [0], [1], [0, 0, 1, 1], [], []>, transpose_lhs_hint = false} : vector<400x64xf32>, vector<64x64xf32>, vector<400x64xf32> -> vector<400x64xf32>
    %slice3A = vector.extract_strided_slice %dot_general3A_45 {offsets = [0, 0], sizes = [400, 32], strides = [1, 1]} : vector<400x64xf32> to vector<400x32xf32>
    %swap3A_46 = arith.constant 0 : index
    %swap3A_47 = arith.constant 0 : index
    %swap3A_48 = vector.load %arg4[%swap3A_46, %swap3A_47] : memref<400x32xf32, #tpu.memory_space<vmem>>, vector<400x32xf32>
    tpu.vector_store %arg4[%swap3A_46, %swap3A_47], %slice3A {strides = array<i32>} : memref<400x32xf32, #tpu.memory_space<vmem>>, vector<400x32xf32>,
    %slice3A_49 = vector.extract_strided_slice %dot_general3A_45 {offsets = [0, 32], sizes = [400, 32], strides = [1, 1]} : vector<400x64xf32> to vector<400x32xf32>
    %swap3A_50 = arith.constant 0 : index
    %swap3A_51 = arith.constant 0 : index
    %swap3A_52 = vector.load %arg5[%swap3A_50, %swap3A_51] : memref<400x32xf32, #tpu.memory_space<vmem>>, vector<400x32xf32>
    tpu.vector_store %arg5[%swap3A_50, %swap3A_51], %slice3A_49 {strides = array<i32>} : memref<400x32xf32, #tpu.memory_space<vmem>>, vector<400x32xf32>,
    %eq3A_53 = arith.constant 63 : i32
    %eq3A_54 = arith.cmpi eq, %arg0, %eq3A_53 : i32
    %convert_element_type3A_55 = arith.extui %eq3A_54 : i1 to i32
    %cond3A_56 = arith.constant 0 : i32
    %cond3A_57 = arith.cmpi ne, %convert_element_type3A_55, %cond3A_56 : i32
    scf.if %cond3A_57 {
      %get3A_58 = arith.constant 0 : index
      %get3A_59 = arith.constant 0 : index
      %get3A_60 = vector.load %arg8[%get3A_58, %get3A_59] : memref<1x64xf32, #tpu.memory_space<vmem>>, vector<1x64xf32>
      %get3A_61 = arith.constant 0 : index
      %get3A_62 = arith.constant 0 : index
      %get3A_63 = vector.load %arg9[%get3A_61, %get3A_62] : memref<1x64xf32, #tpu.memory_space<vmem>>, vector<1x64xf32>
      %mul3A_64 = arith.constant 4.000000e-05 : f32
      %mul3A_65 = vector.broadcast %mul3A_64 : f32 to vector<1x64xf32>
      %mul3A_66 = arith.mulf %get3A_63, %mul3A_65 : vector<1x64xf32>
      %concatenate3A = tpu.concatenate %get3A_60, %mul3A_66 in 1 : vector<1x64xf32>, vector<1x64xf32> -> vector<1x128xf32>
      %swap3A_67 = arith.constant 0 : index
      %swap3A_68 = arith.constant 0 : index
      %swap3A_69 = vector.load %arg6[%swap3A_67, %swap3A_68] : memref<1x128xf32, #tpu.memory_space<vmem>>, vector<1x128xf32>
      tpu.vector_store %arg6[%swap3A_67, %swap3A_68], %concatenate3A {strides = array<i32>} : memref<1x128xf32, #tpu.memory_space<vmem>>, vector<1x128xf32>,
    } else {
    }
    return
  }
  func.func @transform_0(%arg0: i32) -> (i32, i32) {
    %c0_i32 = arith.constant 0 : i32
    %c0_i32_0 = arith.constant 0 : i32
    return %arg0, %c0_i32 : i32, i32
  }
  func.func @transform_1(%arg0: i32) -> (i32, i32) {
    %c0_i32 = arith.constant 0 : i32
    %c0_i32_0 = arith.constant 0 : i32
    return %arg0, %c0_i32 : i32, i32
  }
  func.func @transform_2(%arg0: i32) -> (i32, i32) {
    %c0_i32 = arith.constant 0 : i32
    %c0_i32_0 = arith.constant 0 : i32
    %c0_i32_1 = arith.constant 0 : i32
    return %c0_i32, %c0_i32_0 : i32, i32
  }
  func.func @transform_3(%arg0: i32) -> (i32, i32) {
    %c0_i32 = arith.constant 0 : i32
    %c0_i32_0 = arith.constant 0 : i32
    return %arg0, %c0_i32 : i32, i32
  }
  func.func @transform_4(%arg0: i32) -> (i32, i32) {
    %c0_i32 = arith.constant 0 : i32
    %c0_i32_0 = arith.constant 0 : i32
    return %arg0, %c0_i32 : i32, i32
  }
  func.func @transform_5(%arg0: i32) -> (i32, i32) {
    %c0_i32 = arith.constant 0 : i32
    %c0_i32_0 = arith.constant 0 : i32
    %c0_i32_1 = arith.constant 0 : i32
    return %c0_i32, %c0_i32_0 : i32, i32
  }
  func.func @transform_6(%arg0: i32) -> (i32, i32) {
    %c0_i32 = arith.constant 0 : i32
    %c0_i32_0 = arith.constant 0 : i32
    return %arg0, %c0_i32 : i32, i32
  }
}

module attributes {stable_mosaic.version = 14 : i64} {
  func.func @_bias_score_body(%arg0: i32, %arg1: memref<1024x32xf32, #tpu.memory_space<vmem>>, %arg2: memref<1024x32xf32, #tpu.memory_space<vmem>>, %arg3: memref<1x64xf32, #tpu.memory_space<vmem>>, %arg4: memref<1x64xf32, #tpu.memory_space<vmem>>, %arg5: memref<1024x64xf32, #tpu.memory_space<vmem>>, %arg6: memref<1024x1xf32, #tpu.memory_space<vmem>>) attributes {dimension_semantics = [#tpu.dimension_semantics<arbitrary>], iteration_bounds = array<i64: 25>, scalar_prefetch = 0 : i64, scratch_operands = 0 : i64, tpu.core_type = #tpu.core_type<tc>, window_params = [{transform_indices = @transform_0, window_bounds = array<i64: 1024, 32>}, {transform_indices = @transform_1, window_bounds = array<i64: 1024, 32>}, {pipeline_mode = #tpu.pipeline_mode<synchronous>, transform_indices = @transform_2, window_bounds = array<i64: 1, 64>}, {pipeline_mode = #tpu.pipeline_mode<synchronous>, transform_indices = @transform_3, window_bounds = array<i64: 1, 64>}, {transform_indices = @transform_4, window_bounds = array<i64: 1024, 64>}, {transform_indices = @transform_5, window_bounds = array<i64: 1024, 1>}]} {
    %get3A = arith.constant 0 : index
    %get3A_0 = arith.constant 0 : index
    %get3A_1 = vector.load %arg1[%get3A, %get3A_0] : memref<1024x32xf32, #tpu.memory_space<vmem>>, vector<1024x32xf32>
    %get3A_2 = arith.constant 0 : index
    %get3A_3 = arith.constant 0 : index
    %get3A_4 = vector.load %arg2[%get3A_2, %get3A_3] : memref<1024x32xf32, #tpu.memory_space<vmem>>, vector<1024x32xf32>
    %concatenate3A = tpu.concatenate %get3A_1, %get3A_4 in 1 : vector<1024x32xf32>, vector<1024x32xf32> -> vector<1024x64xf32>
    %get3A_5 = arith.constant 0 : index
    %get3A_6 = arith.constant 0 : index
    %get3A_7 = vector.load %arg3[%get3A_5, %get3A_6] : memref<1x64xf32, #tpu.memory_space<vmem>>, vector<1x64xf32>
    %add3A = vector.broadcast %get3A_7 : vector<1x64xf32> to vector<1024x64xf32>
    %add3A_8 = arith.addf %concatenate3A, %add3A : vector<1024x64xf32>
    %max3A = arith.constant 0.000000e+00 : f32
    %max3A_9 = vector.broadcast %max3A : f32 to vector<1024x64xf32>
    %max3A_10 = arith.maximumf %add3A_8, %max3A_9 : vector<1024x64xf32>
    %swap3A = arith.constant 0 : index
    %swap3A_11 = arith.constant 0 : index
    %swap3A_12 = vector.load %arg5[%swap3A, %swap3A_11] : memref<1024x64xf32, #tpu.memory_space<vmem>>, vector<1024x64xf32>
    tpu.vector_store %arg5[%swap3A, %swap3A_11], %max3A_10 {strides = array<i32>} : memref<1024x64xf32, #tpu.memory_space<vmem>>, vector<1024x64xf32>,
    %get3A_13 = arith.constant 0 : index
    %get3A_14 = arith.constant 0 : index
    %get3A_15 = vector.load %arg4[%get3A_13, %get3A_14] : memref<1x64xf32, #tpu.memory_space<vmem>>, vector<1x64xf32>
    %mul3A = arith.mulf %get3A_15, %get3A_15 : vector<1x64xf32>
    %reduce_sum3A = vector.shape_cast %mul3A : vector<1x64xf32> to vector<1x1x64xf32>
    %reduce_sum3A_16 = arith.constant dense<0.000000e+00> : vector<1xf32>
    %reduce_sum3A_17 = vector.multi_reduction <add>, %reduce_sum3A, %reduce_sum3A_16 [1, 2] : vector<1x1x64xf32> to vector<1xf32>
    %reduce_sum3A_18 = vector.shape_cast %reduce_sum3A_17 : vector<1xf32> to vector<1x1x1xf32>
    %reduce_sum3A_19 = vector.extract %reduce_sum3A_18[0, 0, 0] : f32 from vector<1x1x1xf32>
    %rsqrt3A = math.rsqrt %reduce_sum3A_19 : f32
    %reshape3A = vector.shape_cast %get3A_15 : vector<1x64xf32> to vector<64x1xf32>
    %dot_general3A = arith.constant dense<0.000000e+00> : vector<1024x1xf32>
    %dot_general3A_20 = tpu.matmul %max3A_10, %reshape3A, %dot_general3A {dimension_numbers = #tpu.dot_dimension_numbers<[1], [0], [0], [1], [0, 0, 1, 1], [], []>, transpose_lhs_hint = false} : vector<1024x64xf32>, vector<64x1xf32>, vector<1024x1xf32> -> vector<1024x1xf32>
    %mul3A_21 = vector.broadcast %rsqrt3A : f32 to vector<1024x1xf32>
    %mul3A_22 = arith.mulf %dot_general3A_20, %mul3A_21 : vector<1024x1xf32>
    %tanh3A = math.tanh %mul3A_22 : vector<1024x1xf32>
    %swap3A_23 = arith.constant 0 : index
    %swap3A_24 = arith.constant 0 : index
    %swap3A_25 = vector.load %arg6[%swap3A_23, %swap3A_24] : memref<1024x1xf32, #tpu.memory_space<vmem>>, vector<1024x1xf32>
    tpu.vector_store %arg6[%swap3A_23, %swap3A_24], %tanh3A {strides = array<i32>} : memref<1024x1xf32, #tpu.memory_space<vmem>>, vector<1024x1xf32>,
    return
  }
  func.func @transform_0(%arg0: i32) -> (i32, i32) {
    %c0_i32 = arith.constant 0 : i32
    %c0_i32_0 = arith.constant 0 : i32
    return %arg0, %c0_i32 : i32, i32
  }
  func.func @transform_1(%arg0: i32) -> (i32, i32) {
    %c0_i32 = arith.constant 0 : i32
    %c0_i32_0 = arith.constant 0 : i32
    return %arg0, %c0_i32 : i32, i32
  }
  func.func @transform_2(%arg0: i32) -> (i32, i32) {
    %c0_i32 = arith.constant 0 : i32
    %c0_i32_0 = arith.constant 0 : i32
    %c0_i32_1 = arith.constant 0 : i32
    return %c0_i32, %c0_i32_0 : i32, i32
  }
  func.func @transform_3(%arg0: i32) -> (i32, i32) {
    %c0_i32 = arith.constant 0 : i32
    %c0_i32_0 = arith.constant 0 : i32
    %c0_i32_1 = arith.constant 0 : i32
    return %c0_i32, %c0_i32_0 : i32, i32
  }
  func.func @transform_4(%arg0: i32) -> (i32, i32) {
    %c0_i32 = arith.constant 0 : i32
    %c0_i32_0 = arith.constant 0 : i32
    return %arg0, %c0_i32 : i32, i32
  }
  func.func @transform_5(%arg0: i32) -> (i32, i32) {
    %c0_i32 = arith.constant 0 : i32
    %c0_i32_0 = arith.constant 0 : i32
    return %arg0, %c0_i32 : i32, i32
  }
}

module attributes {stable_mosaic.version = 14 : i64} {
  func.func @_scale_reduce_body(%arg0: i32, %arg1: memref<400x64xf32, #tpu.memory_space<vmem>>, %arg2: memref<400x1xf32, #tpu.memory_space<vmem>>, %arg3: memref<1x128xf32, #tpu.memory_space<vmem>>, %arg4: memref<400x1xf32, #tpu.memory_space<vmem>>, %arg5: memref<1x64xf32, #tpu.memory_space<vmem>>, %arg6: memref<1x64xf32, #tpu.memory_space<vmem>>) attributes {dimension_semantics = [#tpu.dimension_semantics<arbitrary>], iteration_bounds = array<i64: 32>, scalar_prefetch = 0 : i64, scratch_operands = 2 : i64, tpu.core_type = #tpu.core_type<tc>, window_params = [{transform_indices = @transform_0, window_bounds = array<i64: 400, 64>}, {transform_indices = @transform_1, window_bounds = array<i64: 400, 1>}, {pipeline_mode = #tpu.pipeline_mode<synchronous>, transform_indices = @transform_2, window_bounds = array<i64: 1, 128>}, {transform_indices = @transform_3, window_bounds = array<i64: 400, 1>}]} {
    %get3A = arith.constant 0 : index
    %get3A_0 = arith.constant 0 : index
    %get3A_1 = vector.load %arg2[%get3A, %get3A_0] : memref<400x1xf32, #tpu.memory_space<vmem>>, vector<400x1xf32>
    %get3A_2 = arith.constant 0 : index
    %get3A_3 = arith.constant 0 : index
    %get3A_4 = vector.load %arg1[%get3A_2, %get3A_3] : memref<400x64xf32, #tpu.memory_space<vmem>>, vector<400x64xf32>
    %mul3A = vector.broadcast %get3A_1 : vector<400x1xf32> to vector<400x64xf32>
    %mul3A_5 = arith.mulf %get3A_4, %mul3A : vector<400x64xf32>
    %mul3A_6 = arith.constant 400 : i32
    %mul3A_7 = arith.muli %arg0, %mul3A_6 : i32
    %iota3A = tpu.iota {dimensions = array<i32: 0>} : vector<400x64xi32>
    %add3A = vector.broadcast %mul3A_7 : i32 to vector<400x64xi32>
    %add3A_8 = arith.addi %add3A, %iota3A : vector<400x64xi32>
    %lt3A = arith.constant 12500 : i32
    %lt3A_9 = vector.broadcast %lt3A : i32 to vector<400x64xi32>
    %lt3A_10 = arith.cmpi slt, %add3A_8, %lt3A_9 : vector<400x64xi32>
    %jit3A = arith.constant 0xFF800000 : f32
    %broadcast_in_dim3A = vector.broadcast %jit3A : f32 to vector<400x64xf32>
    %select_n3A = arith.select %lt3A_10, %mul3A_5, %broadcast_in_dim3A : vector<400x64xi1>, vector<400x64xf32>
    %jit3A_11 = arith.constant 0.000000e+00 : f32
    %broadcast_in_dim3A_12 = vector.broadcast %jit3A_11 : f32 to vector<400x64xf32>
    %select_n3A_13 = arith.select %lt3A_10, %mul3A_5, %broadcast_in_dim3A_12 : vector<400x64xi1>, vector<400x64xf32>
    %eq3A = arith.constant 0 : i32
    %eq3A_14 = arith.cmpi eq, %arg0, %eq3A : i32
    %convert_element_type3A = arith.extui %eq3A_14 : i1 to i32
    %cond3A = arith.constant 0 : i32
    %cond3A_15 = arith.cmpi ne, %convert_element_type3A, %cond3A : i32
    scf.if %cond3A_15 {
      %broadcast_in_dim3A_47 = arith.constant 0xFF800000 : f32
      %broadcast_in_dim3A_48 = vector.broadcast %broadcast_in_dim3A_47 : f32 to vector<1x64xf32>
      %swap3A_49 = arith.constant 0 : index
      %swap3A_50 = arith.constant 0 : index
      %swap3A_51 = vector.load %arg5[%swap3A_49, %swap3A_50] : memref<1x64xf32, #tpu.memory_space<vmem>>, vector<1x64xf32>
      tpu.vector_store %arg5[%swap3A_49, %swap3A_50], %broadcast_in_dim3A_48 {strides = array<i32>} : memref<1x64xf32, #tpu.memory_space<vmem>>, vector<1x64xf32>,
      %broadcast_in_dim3A_52 = arith.constant 0.000000e+00 : f32
      %broadcast_in_dim3A_53 = vector.broadcast %broadcast_in_dim3A_52 : f32 to vector<1x64xf32>
      %swap3A_54 = arith.constant 0 : index
      %swap3A_55 = arith.constant 0 : index
      %swap3A_56 = vector.load %arg6[%swap3A_54, %swap3A_55] : memref<1x64xf32, #tpu.memory_space<vmem>>, vector<1x64xf32>
      tpu.vector_store %arg6[%swap3A_54, %swap3A_55], %broadcast_in_dim3A_53 {strides = array<i32>} : memref<1x64xf32, #tpu.memory_space<vmem>>, vector<1x64xf32>,
    } else {
    }
    %get3A_16 = arith.constant 0 : index
    %get3A_17 = arith.constant 0 : index
    %get3A_18 = vector.load %arg5[%get3A_16, %get3A_17] : memref<1x64xf32, #tpu.memory_space<vmem>>, vector<1x64xf32>
    %reduce_max3A = arith.constant dense<0xFF800000> : vector<64xf32>
    %reduce_max3A_19 = vector.multi_reduction <maximumf>, %select_n3A, %reduce_max3A [0] : vector<400x64xf32> to vector<64xf32>
    %broadcast_in_dim3A_20 = vector.shape_cast %reduce_max3A_19 : vector<64xf32> to vector<1x64xf32>
    %max3A = arith.maximumf %get3A_18, %broadcast_in_dim3A_20 : vector<1x64xf32>
    %swap3A = arith.constant 0 : index
    %swap3A_21 = arith.constant 0 : index
    %swap3A_22 = vector.load %arg5[%swap3A, %swap3A_21] : memref<1x64xf32, #tpu.memory_space<vmem>>, vector<1x64xf32>
    tpu.vector_store %arg5[%swap3A, %swap3A_21], %max3A {strides = array<i32>} : memref<1x64xf32, #tpu.memory_space<vmem>>, vector<1x64xf32>,
    %get3A_23 = arith.constant 0 : index
    %get3A_24 = arith.constant 0 : index
    %get3A_25 = vector.load %arg6[%get3A_23, %get3A_24] : memref<1x64xf32, #tpu.memory_space<vmem>>, vector<1x64xf32>
    %reduce_sum3A = arith.constant dense<0.000000e+00> : vector<64xf32>
    %reduce_sum3A_26 = vector.multi_reduction <add>, %select_n3A_13, %reduce_sum3A [0] : vector<400x64xf32> to vector<64xf32>
    %broadcast_in_dim3A_27 = vector.shape_cast %reduce_sum3A_26 : vector<64xf32> to vector<1x64xf32>
    %add3A_28 = arith.addf %get3A_25, %broadcast_in_dim3A_27 : vector<1x64xf32>
    %swap3A_29 = arith.constant 0 : index
    %swap3A_30 = arith.constant 0 : index
    %swap3A_31 = vector.load %arg6[%swap3A_29, %swap3A_30] : memref<1x64xf32, #tpu.memory_space<vmem>>, vector<1x64xf32>
    tpu.vector_store %arg6[%swap3A_29, %swap3A_30], %add3A_28 {strides = array<i32>} : memref<1x64xf32, #tpu.memory_space<vmem>>, vector<1x64xf32>,
    %neg3A = arith.constant 0.000000e+00 : f32
    %neg3A_32 = vector.broadcast %neg3A : f32 to vector<400x1xf32>
    %neg3A_33 = arith.subf %neg3A_32, %get3A_1 : vector<400x1xf32>
    %exp3A = math.exp %neg3A_33 : vector<400x1xf32>
    %add3A_34 = arith.constant 1.000000e+00 : f32
    %add3A_35 = vector.broadcast %add3A_34 : f32 to vector<400x1xf32>
    %add3A_36 = arith.addf %add3A_35, %exp3A : vector<400x1xf32>
    %div3A = arith.constant 1.000000e+00 : f32
    %div3A_37 = vector.broadcast %div3A : f32 to vector<400x1xf32>
    %div3A_38 = arith.divf %div3A_37, %add3A_36 : vector<400x1xf32>
    %swap3A_39 = arith.constant 0 : index
    %swap3A_40 = arith.constant 0 : index
    %swap3A_41 = vector.load %arg4[%swap3A_39, %swap3A_40] : memref<400x1xf32, #tpu.memory_space<vmem>>, vector<400x1xf32>
    tpu.vector_store %arg4[%swap3A_39, %swap3A_40], %div3A_38 {strides = array<i32>} : memref<400x1xf32, #tpu.memory_space<vmem>>, vector<400x1xf32>,
    %eq3A_42 = arith.constant 31 : i32
    %eq3A_43 = arith.cmpi eq, %arg0, %eq3A_42 : i32
    %convert_element_type3A_44 = arith.extui %eq3A_43 : i1 to i32
    %cond3A_45 = arith.constant 0 : i32
    %cond3A_46 = arith.cmpi ne, %convert_element_type3A_44, %cond3A_45 : i32
    scf.if %cond3A_46 {
      %get3A_47 = arith.constant 0 : index
      %get3A_48 = arith.constant 0 : index
      %get3A_49 = vector.load %arg5[%get3A_47, %get3A_48] : memref<1x64xf32, #tpu.memory_space<vmem>>, vector<1x64xf32>
      %get3A_50 = arith.constant 0 : index
      %get3A_51 = arith.constant 0 : index
      %get3A_52 = vector.load %arg6[%get3A_50, %get3A_51] : memref<1x64xf32, #tpu.memory_space<vmem>>, vector<1x64xf32>
      %mul3A_53 = arith.constant 8.000000e-05 : f32
      %mul3A_54 = vector.broadcast %mul3A_53 : f32 to vector<1x64xf32>
      %mul3A_55 = arith.mulf %get3A_52, %mul3A_54 : vector<1x64xf32>
      %concatenate3A = tpu.concatenate %get3A_49, %mul3A_55 in 1 : vector<1x64xf32>, vector<1x64xf32> -> vector<1x128xf32>
      %swap3A_56 = arith.constant 0 : index
      %swap3A_57 = arith.constant 0 : index
      %swap3A_58 = vector.load %arg3[%swap3A_56, %swap3A_57] : memref<1x128xf32, #tpu.memory_space<vmem>>, vector<1x128xf32>
      tpu.vector_store %arg3[%swap3A_56, %swap3A_57], %concatenate3A {strides = array<i32>} : memref<1x128xf32, #tpu.memory_space<vmem>>, vector<1x128xf32>,
    } else {
    }
    return
  }
  func.func @transform_0(%arg0: i32) -> (i32, i32) {
    %c0_i32 = arith.constant 0 : i32
    %c0_i32_0 = arith.constant 0 : i32
    return %arg0, %c0_i32 : i32, i32
  }
  func.func @transform_1(%arg0: i32) -> (i32, i32) {
    %c0_i32 = arith.constant 0 : i32
    %c0_i32_0 = arith.constant 0 : i32
    return %arg0, %c0_i32 : i32, i32
  }
  func.func @transform_2(%arg0: i32) -> (i32, i32) {
    %c0_i32 = arith.constant 0 : i32
    %c0_i32_0 = arith.constant 0 : i32
    %c0_i32_1 = arith.constant 0 : i32
    return %c0_i32, %c0_i32_0 : i32, i32
  }
  func.func @transform_3(%arg0: i32) -> (i32, i32) {
    %c0_i32 = arith.constant 0 : i32
    %c0_i32_0 = arith.constant 0 : i32
    return %arg0, %c0_i32 : i32, i32
  }
}

module attributes {stable_mosaic.version = 14 : i64} {
  func.func @_head_body(%arg0: memref<1x128xf32, #tpu.memory_space<vmem>>, %arg1: memref<1x128xf32, #tpu.memory_space<vmem>>, %arg2: memref<128x256xf32, #tpu.memory_space<vmem>>, %arg3: memref<1x256xf32, #tpu.memory_space<vmem>>, %arg4: memref<1x256xf32, #tpu.memory_space<vmem>>, %arg5: memref<1x256xf32, #tpu.memory_space<vmem>>, %arg6: memref<256x512xf32, #tpu.memory_space<vmem>>, %arg7: memref<1x512xf32, #tpu.memory_space<vmem>>, %arg8: memref<1x512xf32, #tpu.memory_space<vmem>>, %arg9: memref<1x512xf32, #tpu.memory_space<vmem>>, %arg10: memref<512x128xf32, #tpu.memory_space<vmem>>, %arg11: memref<1x128xf32, #tpu.memory_space<vmem>>, %arg12: memref<128x128xf32, #tpu.memory_space<vmem>>, %arg13: memref<1x128xf32, #tpu.memory_space<vmem>>, %arg14: memref<1x128xf32, #tpu.memory_space<vmem>>, %arg15: memref<1x128xf32, #tpu.memory_space<vmem>>) attributes {dimension_semantics = [], scalar_prefetch = 0 : i64, scratch_operands = 0 : i64, tpu.core_type = #tpu.core_type<tc>} {
    %get3A = arith.constant 0 : index
    %get3A_0 = arith.constant 0 : index
    %get3A_1 = vector.load %arg0[%get3A, %get3A_0] : memref<1x128xf32, #tpu.memory_space<vmem>>, vector<1x128xf32>
    %get3A_2 = arith.constant 0 : index
    %get3A_3 = arith.constant 0 : index
    %get3A_4 = vector.load %arg1[%get3A_2, %get3A_3] : memref<1x128xf32, #tpu.memory_space<vmem>>, vector<1x128xf32>
    %add3A = arith.addf %get3A_1, %get3A_4 : vector<1x128xf32>
    %get3A_5 = arith.constant 0 : index
    %get3A_6 = arith.constant 0 : index
    %get3A_7 = vector.load %arg2[%get3A_5, %get3A_6] : memref<128x256xf32, #tpu.memory_space<vmem>>, vector<128x256xf32>
    %dot_general3A = arith.constant dense<0.000000e+00> : vector<1x256xf32>
    %dot_general3A_8 = tpu.matmul %add3A, %get3A_7, %dot_general3A {dimension_numbers = #tpu.dot_dimension_numbers<[1], [0], [0], [1], [0, 0, 1, 1], [], []>, transpose_lhs_hint = false} : vector<1x128xf32>, vector<128x256xf32>, vector<1x256xf32> -> vector<1x256xf32>
    %get3A_9 = arith.constant 0 : index
    %get3A_10 = arith.constant 0 : index
    %get3A_11 = vector.load %arg3[%get3A_9, %get3A_10] : memref<1x256xf32, #tpu.memory_space<vmem>>, vector<1x256xf32>
    %add3A_12 = arith.addf %dot_general3A_8, %get3A_11 : vector<1x256xf32>
    %max3A = arith.constant 0.000000e+00 : f32
    %max3A_13 = vector.broadcast %max3A : f32 to vector<1x256xf32>
    %max3A_14 = arith.maximumf %add3A_12, %max3A_13 : vector<1x256xf32>
    %get3A_15 = arith.constant 0 : index
    %get3A_16 = arith.constant 0 : index
    %get3A_17 = vector.load %arg4[%get3A_15, %get3A_16] : memref<1x256xf32, #tpu.memory_space<vmem>>, vector<1x256xf32>
    %mul3A = arith.mulf %get3A_17, %max3A_14 : vector<1x256xf32>
    %mul3A_18 = arith.constant 0.999994993 : f32
    %mul3A_19 = vector.broadcast %mul3A_18 : f32 to vector<1x256xf32>
    %mul3A_20 = arith.mulf %mul3A, %mul3A_19 : vector<1x256xf32>
    %get3A_21 = arith.constant 0 : index
    %get3A_22 = arith.constant 0 : index
    %get3A_23 = vector.load %arg5[%get3A_21, %get3A_22] : memref<1x256xf32, #tpu.memory_space<vmem>>, vector<1x256xf32>
    %add3A_24 = arith.addf %mul3A_20, %get3A_23 : vector<1x256xf32>
    %get3A_25 = arith.constant 0 : index
    %get3A_26 = arith.constant 0 : index
    %get3A_27 = vector.load %arg6[%get3A_25, %get3A_26] : memref<256x512xf32, #tpu.memory_space<vmem>>, vector<256x512xf32>
    %dot_general3A_28 = arith.constant dense<0.000000e+00> : vector<1x512xf32>
    %dot_general3A_29 = tpu.matmul %add3A_24, %get3A_27, %dot_general3A_28 {dimension_numbers = #tpu.dot_dimension_numbers<[1], [0], [0], [1], [0, 0, 1, 1], [], []>, transpose_lhs_hint = false} : vector<1x256xf32>, vector<256x512xf32>, vector<1x512xf32> -> vector<1x512xf32>
    %get3A_30 = arith.constant 0 : index
    %get3A_31 = arith.constant 0 : index
    %get3A_32 = vector.load %arg7[%get3A_30, %get3A_31] : memref<1x512xf32, #tpu.memory_space<vmem>>, vector<1x512xf32>
    %add3A_33 = arith.addf %dot_general3A_29, %get3A_32 : vector<1x512xf32>
    %max3A_34 = arith.constant 0.000000e+00 : f32
    %max3A_35 = vector.broadcast %max3A_34 : f32 to vector<1x512xf32>
    %max3A_36 = arith.maximumf %add3A_33, %max3A_35 : vector<1x512xf32>
    %get3A_37 = arith.constant 0 : index
    %get3A_38 = arith.constant 0 : index
    %get3A_39 = vector.load %arg8[%get3A_37, %get3A_38] : memref<1x512xf32, #tpu.memory_space<vmem>>, vector<1x512xf32>
    %mul3A_40 = arith.mulf %get3A_39, %max3A_36 : vector<1x512xf32>
    %mul3A_41 = arith.constant 0.999994993 : f32
    %mul3A_42 = vector.broadcast %mul3A_41 : f32 to vector<1x512xf32>
    %mul3A_43 = arith.mulf %mul3A_40, %mul3A_42 : vector<1x512xf32>
    %get3A_44 = arith.constant 0 : index
    %get3A_45 = arith.constant 0 : index
    %get3A_46 = vector.load %arg9[%get3A_44, %get3A_45] : memref<1x512xf32, #tpu.memory_space<vmem>>, vector<1x512xf32>
    %add3A_47 = arith.addf %mul3A_43, %get3A_46 : vector<1x512xf32>
    %get3A_48 = arith.constant 0 : index
    %get3A_49 = arith.constant 0 : index
    %get3A_50 = vector.load %arg10[%get3A_48, %get3A_49] : memref<512x128xf32, #tpu.memory_space<vmem>>, vector<512x128xf32>
    %dot_general3A_51 = arith.constant dense<0.000000e+00> : vector<1x128xf32>
    %dot_general3A_52 = tpu.matmul %add3A_47, %get3A_50, %dot_general3A_51 {dimension_numbers = #tpu.dot_dimension_numbers<[1], [0], [0], [1], [0, 0, 1, 1], [], []>, transpose_lhs_hint = false} : vector<1x512xf32>, vector<512x128xf32>, vector<1x128xf32> -> vector<1x128xf32>
    %get3A_53 = arith.constant 0 : index
    %get3A_54 = arith.constant 0 : index
    %get3A_55 = vector.load %arg11[%get3A_53, %get3A_54] : memref<1x128xf32, #tpu.memory_space<vmem>>, vector<1x128xf32>
    %add3A_56 = arith.addf %dot_general3A_52, %get3A_55 : vector<1x128xf32>
    %reduce_max3A = arith.constant dense<0xFF800000> : vector<1xf32>
    %reduce_max3A_57 = vector.multi_reduction <maximumf>, %add3A_56, %reduce_max3A [1] : vector<1x128xf32> to vector<1xf32>
    %broadcast_in_dim3A = vector.shape_cast %reduce_max3A_57 : vector<1xf32> to vector<1x1xf32>
    %sub3A = vector.broadcast %broadcast_in_dim3A : vector<1x1xf32> to vector<1x128xf32>
    %sub3A_58 = arith.subf %add3A_56, %sub3A : vector<1x128xf32>
    %exp3A = math.exp %sub3A_58 : vector<1x128xf32>
    %sub3A_59 = vector.broadcast %broadcast_in_dim3A : vector<1x1xf32> to vector<1x128xf32>
    %sub3A_60 = arith.subf %add3A_56, %sub3A_59 : vector<1x128xf32>
    %reduce_sum3A = arith.constant dense<0.000000e+00> : vector<1xf32>
    %reduce_sum3A_61 = vector.multi_reduction <add>, %exp3A, %reduce_sum3A [1] : vector<1x128xf32> to vector<1xf32>
    %broadcast_in_dim3A_62 = vector.shape_cast %reduce_sum3A_61 : vector<1xf32> to vector<1x1xf32>
    %log3A = math.log %broadcast_in_dim3A_62 : vector<1x1xf32>
    %sub3A_63 = vector.broadcast %log3A : vector<1x1xf32> to vector<1x128xf32>
    %sub3A_64 = arith.subf %sub3A_60, %sub3A_63 : vector<1x128xf32>
    %swap3A = arith.constant 0 : index
    %swap3A_65 = arith.constant 0 : index
    %swap3A_66 = vector.load %arg14[%swap3A, %swap3A_65] : memref<1x128xf32, #tpu.memory_space<vmem>>, vector<1x128xf32>
    tpu.vector_store %arg14[%swap3A, %swap3A_65], %sub3A_64 {strides = array<i32>} : memref<1x128xf32, #tpu.memory_space<vmem>>, vector<1x128xf32>,
    %get3A_67 = arith.constant 0 : index
    %get3A_68 = arith.constant 0 : index
    %get3A_69 = vector.load %arg12[%get3A_67, %get3A_68] : memref<128x128xf32, #tpu.memory_space<vmem>>, vector<128x128xf32>
    %dot_general3A_70 = arith.constant dense<0.000000e+00> : vector<1x128xf32>
    %dot_general3A_71 = tpu.matmul %add3A, %get3A_69, %dot_general3A_70 {dimension_numbers = #tpu.dot_dimension_numbers<[1], [0], [0], [1], [0, 0, 1, 1], [], []>, transpose_lhs_hint = false} : vector<1x128xf32>, vector<128x128xf32>, vector<1x128xf32> -> vector<1x128xf32>
    %get3A_72 = arith.constant 0 : index
    %get3A_73 = arith.constant 0 : index
    %get3A_74 = vector.load %arg13[%get3A_72, %get3A_73] : memref<1x128xf32, #tpu.memory_space<vmem>>, vector<1x128xf32>
    %add3A_75 = arith.addf %dot_general3A_71, %get3A_74 : vector<1x128xf32>
    %reduce_max3A_76 = arith.constant dense<0xFF800000> : vector<1xf32>
    %reduce_max3A_77 = vector.multi_reduction <maximumf>, %add3A_75, %reduce_max3A_76 [1] : vector<1x128xf32> to vector<1xf32>
    %broadcast_in_dim3A_78 = vector.shape_cast %reduce_max3A_77 : vector<1xf32> to vector<1x1xf32>
    %sub3A_79 = vector.broadcast %broadcast_in_dim3A_78 : vector<1x1xf32> to vector<1x128xf32>
    %sub3A_80 = arith.subf %add3A_75, %sub3A_79 : vector<1x128xf32>
    %exp3A_81 = math.exp %sub3A_80 : vector<1x128xf32>
    %sub3A_82 = vector.broadcast %broadcast_in_dim3A_78 : vector<1x1xf32> to vector<1x128xf32>
    %sub3A_83 = arith.subf %add3A_75, %sub3A_82 : vector<1x128xf32>
    %reduce_sum3A_84 = arith.constant dense<0.000000e+00> : vector<1xf32>
    %reduce_sum3A_85 = vector.multi_reduction <add>, %exp3A_81, %reduce_sum3A_84 [1] : vector<1x128xf32> to vector<1xf32>
    %broadcast_in_dim3A_86 = vector.shape_cast %reduce_sum3A_85 : vector<1xf32> to vector<1x1xf32>
    %log3A_87 = math.log %broadcast_in_dim3A_86 : vector<1x1xf32>
    %sub3A_88 = vector.broadcast %log3A_87 : vector<1x1xf32> to vector<1x128xf32>
    %sub3A_89 = arith.subf %sub3A_83, %sub3A_88 : vector<1x128xf32>
    %swap3A_90 = arith.constant 0 : index
    %swap3A_91 = arith.constant 0 : index
    %swap3A_92 = vector.load %arg15[%swap3A_90, %swap3A_91] : memref<1x128xf32, #tpu.memory_space<vmem>>, vector<1x128xf32>
    tpu.vector_store %arg15[%swap3A_90, %swap3A_91], %sub3A_89 {strides = array<i32>} : memref<1x128xf32, #tpu.memory_space<vmem>>, vector<1x128xf32>,
    return
  }
}

</mosaic_0001>

<sc_bundles>
// kernel: kernel.14.cloned.1.call-start
scs
__scs_entry_jumppad:
0x0: {  	(pc) =	sbr.rel $0x88, $3  }
0x1: {  	(tag) =	ssettag $0x0;
	lr =	simm.s32 $0x1  }
0x2: {  	[smem:$0x3F8D] =	sst lr;
	_ =	strace $0xD0000000  }
0x3: {  	_ = 	snop  }
0x4: {  	_ = 	snop  }
0x5: {  	_ = 	snop  }
0x6: {  	_ = 	snop  }
0x7: {  	_ = 	snop  }
__scs_overlays_trampoline_lowered:
0x8: {  	[smem:$0x3F9C] =	sst s0  }
0x9: {  	[smem:$0x3F9D] =	sst s1  }
0xa: {  	[smem:$0x3F9E] =	sst s2  }
0xb: {  	[smem:$0x3F9F] =	sst s3  }
0xc: {  	[smem:$0x3FA0] =	sst s4  }
0xd: {  	[smem:$0x3FA1] =	sst s5  }
0xe: {  	[smem:$0x3FA2] =	sst s6  }
0xf: {  	[smem:$0x3FA3] =	sst s7  }
0x10: {  	[smem:$0x3FA4] =	sst s8  }
0x11: {  	[smem:$0x3FA5] =	sst s9;
	s0 =	simm.s32 @!p0 $0x0  }
0x12: {  	s1 =	sld [smem:$0x3F8B];
	s0 =	simm.s32 @p0 $0x1  }
0x13: {  	[smem:$0x3FA6] =	sst s0;
	s0 =	simm.s32 @!p1 $0x0  }
0x14: {  	s2 =	sld [smem:$0x3F8A];
	s0 =	simm.s32 @p1 $0x1  }
0x15: {  	[smem:$0x3FA7] =	sst s0;
	s0 =	simm.s32 @!p2 $0x0  }
0x16: {  	s3 =	sld [smem:$0x3FDB];
	s0 =	simm.s32 @p2 $0x1  }
0x17: {  	s4 =	simm.s32 $0x1BF5;
	[smem:$0x3FA9] =	sst s0  }
0x18: {  	s0 =	sld [smem:$0x3F8C];
	_ =	swait.ge [sflag:s4], $0x0  }
0x19: {  	s7 =	sld [smem:$0x3F8D]  }
0x1a: {  	s8 =	sadd.s32 $0xFFFFE003, lr  }
0x1b: {  	s9 =	sadd.s32 $0xFFFFFEF7, lr;
	s5 =	simm.s32 $0xFFFFFFFF;
	p2 =	slt.u32 s8, $0xFFFFF086  }
0x1c: {  	p1 =	slt.u32 s9, $0xF7A;
	s5 =	simm.s32 @!p2 $0x0  }
0x1d: {  	s5 =	simm.s32 @p1 $0x1;
	p0 =	seq.s32 s7, s2  }
0x1e: {  	s7 =	smul.u32 @!p0 $0xF7A, s2;
	p2 =	seq.s32 @!p0 s5, $0x0  }
0x1f: {  	s9 =	smul.u32 $0xF7A, s1;
	s8 =	simm.s32 @!p0 $0x1BF5;
	p2 =	por !p2, p0  }
0x20: {  	[sflag:s8] =	ssyncset.s32 @!p0 $0xFFFFF086;
	s6 =	sadd.s32 @!p0 s3, s7;
	s7 =	simm.s32 @!p0 $0x108  }
0x21: {  	s3 =	sadd.s32 s3, s9;
	s6 =	sadd.s32 @!p0 $0x88, s6;
	s7 =	simm.s32 @p2 $0x1082  }
0x22: {  	[simem:s7], [sflag:s8] =	dma.local @!p0 [hbm:s6], $0xF7A  }
0x23: {  	s9 =	sor.u32 $0xD0000000, s2;
	s6 =	simm.s32 $0x108;
	_ =	swait.ge @!p0 [sflag:s8], $0x0  }
0x24: {  	s3 =	sadd.s32 $0x88, s3;
	s6 =	simm.s32 @!p1 $0x1082;
	[sflag:s4] =	ssyncset.s32 $0xFFFFF086  }
0x25: {  	[simem:s6], [sflag:s4] =	dma.local [hbm:s3], $0xF7A  }
0x26: {  	[smem:$0x3F8D] =	sst s1;
	(tag) =	ssettag s2;
	_ =	strace s9  }
0x27: {  	s1 =	sld [smem:$0x3F9D]  }
0x28: {  	s2 =	sld [smem:$0x3F9E]  }
0x29: {  	s4 =	sld [smem:$0x3FA0]  }
0x2a: {  	p0 =	seq.s32 s5, $0x0;
	s5 =	sld [smem:$0x3FA1]  }
0x2b: {  	s6 =	sld [smem:$0x3FA2]  }
0x2c: {  	s7 =	sld [smem:$0x3FA3]  }
0x2d: {  	s3 =	simm.s32 $0x108;
	s8 =	sld [smem:$0x3FA4]  }
0x2e: {  	s3 =	simm.s32 @!p0 $0x1082;
	s9 =	sld [smem:$0x3FA5]  }
0x2f: {  	lr =	sadd.s32 s0, s3;
	s0 =	sld [smem:$0x3F9C]  }
0x30: {  	s3 =	sld [smem:$0x3F9F]  }
0x31: {  	[smem:$0x3FA8] =	sst s10  }
0x32: {  	s10 =	sld [smem:$0x3FA6];
	_ =	sdelay $0x3  }
0x33: {  	p0 =	seq.s32 s10, $0x1;
	s10 =	sld [smem:$0x3FA8];
	_ =	sdelay $0x3  }
0x34: {  	[smem:$0x3FA8] =	sst s10  }
0x35: {  	s10 =	sld [smem:$0x3FA7];
	_ =	sdelay $0x3  }
0x36: {  	p1 =	seq.s32 s10, $0x1;
	s10 =	sld [smem:$0x3FA8];
	_ =	sdelay $0x3  }
0x37: {  	[smem:$0x3FA8] =	sst s10  }
0x38: {  	s10 =	sld [smem:$0x3FA9]  }
0x39: {  	_ = 	snop;
	(pc) =	sbr.ind lr, $3  }
0x3a: {  	_ = 	snop  }
0x3b: {  	_ = 	snop  }
0x3c: {  	p2 =	seq.s32 s10, $0x1;
	s10 =	sld [smem:$0x3FA8]  }
0x3d: {  	_ =	shalt  }
0x3e: {  	_ =	shalt  }
0x3f: {  	_ =	shalt  }
0x40: {  	_ =	shalt  }
0x41: {  	_ =	shalt  }
0x42: {  	_ =	shalt  }
0x43: {  	_ =	shalt  }
0x44: {  	_ =	shalt  }
0x45: {  	_ =	shalt  }
0x46: {  	_ =	shalt  }
0x47: {  	_ =	shalt  }
0x48: {  	_ =	shalt  }
0x49: {  	_ =	shalt  }
0x4a: {  	_ =	shalt  }
0x4b: {  	_ =	shalt  }
0x4c: {  	_ =	shalt  }
0x4d: {  	_ =	shalt  }
0x4e: {  	_ =	shalt  }
0x4f: {  	_ =	shalt  }
0x50: {  	_ =	shalt  }
0x51: {  	_ =	shalt  }
0x52: {  	_ =	shalt  }
0x53: {  	_ =	shalt  }
0x54: {  	_ =	shalt  }
0x55: {  	_ =	shalt  }
0x56: {  	_ =	shalt  }
0x57: {  	_ =	shalt  }
0x58: {  	_ =	shalt  }
0x59: {  	_ =	shalt  }
0x5a: {  	_ =	shalt  }
0x5b: {  	_ =	shalt  }
0x5c: {  	_ =	shalt  }
0x5d: {  	_ =	shalt  }
0x5e: {  	_ =	shalt  }
0x5f: {  	_ =	shalt  }
0x60: {  	_ =	shalt  }
0x61: {  	_ =	shalt  }
0x62: {  	_ =	shalt  }
0x63: {  	_ =	shalt  }
0x64: {  	_ =	shalt  }
0x65: {  	_ =	shalt  }
0x66: {  	_ =	shalt  }
0x67: {  	_ =	shalt  }
0x68: {  	_ =	shalt  }
0x69: {  	_ =	shalt  }
0x6a: {  	_ =	shalt  }
0x6b: {  	_ =	shalt  }
0x6c: {  	_ =	shalt  }
0x6d: {  	_ =	shalt  }
0x6e: {  	_ =	shalt  }
0x6f: {  	_ =	shalt  }
0x70: {  	_ =	shalt  }
0x71: {  	_ =	shalt  }
0x72: {  	_ =	shalt  }
0x73: {  	_ =	shalt  }
0x74: {  	_ =	shalt  }
0x75: {  	_ =	shalt  }
0x76: {  	_ =	shalt  }
0x77: {  	_ =	shalt  }
0x78: {  	_ =	shalt  }
0x79: {  	_ =	shalt  }
0x7a: {  	_ =	shalt  }
0x7b: {  	_ =	shalt  }
0x7c: {  	_ =	shalt  }
0x7d: {  	_ =	shalt  }
0x7e: {  	_ =	shalt  }
0x7f: {  	_ =	shalt  }
0x80: {  	_ =	shalt  }
0x81: {  	_ =	shalt  }
0x82: {  	_ =	shalt  }
0x83: {  	_ =	shalt  }
0x84: {  	_ =	shalt  }
0x85: {  	_ =	shalt  }
0x86: {  	_ =	shalt  }
0x87: {  	_ =	shalt  }
.Lfunc_end0:
.L_simem_size_0:
called_computation_lowered:
.L_overlay_start_0:
0x88: {  	s2 =	sld [smem:$0x3FD9]  }
0x89: {  	s3 =	sld [smem:$0x3FFE];
	_ =	sdelay $0x1  }
0x8a: {  	s1 =	srdreg.scid  }
0x8b: {  	s0 =	sand.u32 $0x1, s1  }
0x8c: {  	s16 =	sshll.u32 s0, $0xA;
	s2 =	sadd.s32 s3, s2  }
0x8d: {  	s2 =	sadd.s32 s2, s16  }
0x8e: {  	[smem:$0x3FB4] =	sst s2  }
0x8f: {  	_ = 	snop  }
0x90: {  	(tm) =	ssettm $0x1  }
0x91: {  	s17 =	sld [smem:$0x3FFB];
	_ =	sdelay $0x3  }
0x92: {  	_ =	strace s17  }
0x93: {  	s2 =	sld [smem:$0x3FFC];
	_ =	sdelay $0x3  }
0x94: {  	_ =	strace s2  }
0x95: {  	s2 =	sld [smem:$0x3FFD];
	_ =	sdelay $0x3  }
0x96: {  	_ =	strace s2  }
0x97: {  	_ =	strace $0x8FFFFFFF  }
0x98: {  	s18 =	sld [smem:$0x3FDB];
	_ =	sdelay $0x1  }
0x99: {  	s19 =	simm.s32 $_scs_section_size  }
0x9a: {  	s4 =	simm.s32 $_size__tile_overlayer_lowered;
	s5 =	simm.s32 $_tile_overlayer_lowered  }
0x9b: {  	s22 =	simm.s32 $0x1BFF;
	s21 =	sshll.u32 s5, $0x1;
	s2 =	sadd.s32 s19, s18  }
0x9c: {  	s6 =	simm.s32 $0x0;
	s20 =	sshll.u32 s4, $0x1;
	s4 =	sadd.s32 s21, s2  }
0x9d: {  	[timem:s6], [sflag:s22] =	dma.local [hbm:s4], s20  }
0x9e: {  	_ =	swait.ge [sflag:s22], s20  }
0x9f: {  	s3 =	ssub.s32 $0x0, s20;
	[sflag:s22] =	ssyncset.done $0x0  }
0xa0: {  	[sflag:s22] =	ssyncadd.s32 s3;
	_ =	sdelay $0x1  }
0xa1: {  	s23 =	simm.s32 $0x1B8B  }
0xa2: {  	_ =	swait.ge [sflag:s23], $0x1  }
0xa3: {  	[sflag:s23] =	ssyncset.done $0x0  }
0xa4: {  	s25 =	simm.s32 $0x1B8E;
	s24 =	sld [smem:$0x3FFE];
	[sflag:s23] =	ssyncadd.s32 $0xFFFFFFFF  }
0xa5: {  	s26 =	simm.s32 $execute0_lowered;
	[smem:$0x3FD2] =	sst s25  }
0xa6: {  	s4 =	sshll.u32 s26, $0x1;
	_ =	strace $0x80000046;
	[dreg:$0x1] =	wrdreg $0xFFFFFFFF  }
0xa7: {  	s28 =	simm.s32 $_size_execute0_lowered;
	s2 =	sadd.s32 s2, s4;
	[dreg:$0x0] =	wrdreg $0x0  }
0xa8: {  	s4 =	sshll.u32 s28, $0x1;
	[dreg:$0x2] =	wrdreg s2  }
0xa9: {  	[dreg:$0x3] =	wrdreg s4  }
0xaa: {  	[dreg:$0x4] =	wrdreg $0xC0  }
0xab: {  	_ =	task [dreg:s6], $0x5FFFF  }
0xac: {  	[dreg:$0x1] =	wrdreg $0xFFFFFFFF  }
0xad: {  	[dreg:$0x0] =	wrdreg $0x60  }
0xae: {  	[dreg:$0x2] =	wrdreg s24  }
0xaf: {  	[dreg:$0x3] =	wrdreg $0x35200  }
0xb0: {  	[dreg:$0x4] =	wrdreg $0x9  }
0xb1: {  	_ =	task.clear_ibuf [dreg:s6], $0x5FFFF;
	_ =	strace $0x90000046  }
0xb2: {  	s29 =	simm.s32 $0x9;
	_ =	strace $0x80000048  }
0xb3: {  	_ =	swait.ge [sflag:s29], $0x1  }
0xb4: {  	[sflag:s29] =	ssyncadd.s32 $0xFFFFFFFF  }
0xb5: {  	_ =	strace $0x90000048  }
0xb6: {  	_ =	sfence  }
0xb7: {  	s30 =	sld [smem:$0x0];
	_ =	sdelay $0x2  }
0xb8: {  	s31 =	sshll.u32 s1, $0xD;
	s1 =	sshrl.u32 s1, $0x2  }
0xb9: {  	s3 =	sand.u32 $0x4000, s31;
	s1 =	sadd.s32 s1, s30  }
0xba: {  	s0 =	sor.u32 s3, s0;
	s1 =	sshll.u32 s1, $0x11  }
0xbb: {  	s0 =	sor.u32 s1, s0  }
0xbc: {  	s0 =	sadd.s32 $0x8F2B, s0  }
0xbd: {  	[sflag:s0] =	ssyncadd.remote.s32 $0x1  }
0xbe: {  	_ =	sfence.sel $0xFFFF  }
0xbf: {  	[dreg:$0x0] =	wrdreg $0xFFFFFFFF;
	(pc) =	sbr.abs _section_cstart, $3  }
0xc0: {  	[dreg:$0x1] =	wrdreg $0xFFFFFFFF  }
0xc1: {  	_ =	task.clear_ibuf [dreg:s6], $0x2FFFF;
	_ =	strace $0x9FFFFFFF  }
0xc2: {  	(tm) =	ssettm $0x7FFFFFFF  }
0xc3: {  	_ =	shalt  }
tec
execute0_lowered:
.L_overlay_start_1:
0x0: {  	(tag) =	ssettag $0x1  }
0x1: {  	s6 =	rddreg [dreg:$0x0]  }
0x2: {  	s2 =	rddreg [dreg:$0x1]  }
0x3: {  	s0 =	rddreg [dreg:$0x2]  }
0x4: {  	s1 =	stileid.u32;
	s3 =	simm.s32 $0x0;
	s5 =	srdreg.scid  }
0x5: {  	s12 =	simm.s32 $0x2;
	s13 =	simm.s32 $0x190;
	s4 =	smul.u32 $0x186A, s1  }
0x6: {  	s15 =	simm.s32 $0x1;
	s16 =	simm.s32 $0x0;
	s8 =	smul.u32 $0x3100, s1  }
0x7: {  	[smem:$0x7FF] =	sst s3;
	s7 =	sand.u32 $0x1, s5;
	s11 =	smul.u32 $0x62000, s1  }
0x8: {  	s5 =	sadd.s32 $0x93E00, s6;
	s31 =	sshll.u32 s1, $0x6;
	s9 =	smul.u32 $0x31000, s7  }
0x9: {  	_ =	strace $0x80000047;
	s29 =	ssub.s32 $0x2, s7;
	s14 =	smul.u32 $0xC350, s7  }
0xa: {  	s10 =	sadd.s32 s4, s6;
	s4 =	sadd.s32 $0x1200, s6;
	s30 =	sshrl.u32 s29, $0x1  }
0xb: {  	s11 =	sshrl.u32 s11, $0x2;
	s8 =	sadd.s32 s8, s9;
	s9 =	ssub.s32 s29, s30  }
0xc: {  	s11 =	sadd.s32 s11, s2;
	v0 =	vmov s14;
	s14 =	simm.s32 $0x320;
	s8 =	sadd.s32 s8, s6  }
0xd: {  	s6 =	sor.u32 $0x1C02, s31;
	s11 =	sshrl.u32 s11, $0x3;
	s7 =	sadd.s32 $0x97000, s8  }
0xe: {  	s8 =	smax.u32 s9, $0x1;
	s9 =	sadd.s32 $0x62E00, s10;
	s10 =	sadd.s32 $0x7B600, s10  }
.LBB2_1:
0xf: {  	[spmem:s11], [sflag:s6] =	dma.local [hbm:s5], $0x3100  }
0x10: {  	_ =	swait.ge [sflag:s12], $0x3100  }
0x11: {  	[sflag:s12] =	ssyncset.done $0x0  }
0x12: {  	[sflag:s12] =	ssyncadd.s32 $0xFFFFCF00  }
0x13: {  	s17 =	sadd.s32 $0x0, s10;
	[bflag:$0x0] =	sbarrier.arrive $0xFFFF  }
0x14: {  	[tilespmem:s3], [sflag:$0x2] =	stream.linear.gather [hbm4b:s17+s3], $0x190, $0x38;
	[tilespmem:$0x1BD20] =	vst v63  }
0x15: {  	_ =	swait.ge [sflag:s12], $0x190  }
0x16: {  	[sflag:s12] =	ssyncset.done $0x0  }
0x17: {  	s31 =	sadd.s32 $0x0, s9;
	[sflag:s12] =	ssyncadd.s32 $0xFFFFFE70  }
0x18: {  	[tilespmem:s13], [sflag:$0x2] =	stream.linear.gather [hbm4b:s31+s3], $0x190, $0x38;
	[tilespmem:$0x1BD20] =	vst v63  }
0x19: {  	_ =	swait.ge [sflag:s12], $0x190  }
0x1a: {  	[sflag:s12] =	ssyncset.done $0x0  }
0x1b: {  	[sflag:s12] =	ssyncadd.s32 $0xFFFFFE70  }
0x1c: {  	v1 =	vld [tilespmem:$0x10]  }
0x1d: {  	v2 =	vld [tilespmem:$0xA0]  }
0x1e: {  	v4 =	vld [tilespmem:$0x50]  }
0x1f: {  	v3 =	vld [tilespmem:$0xB0]  }
0x20: {  	v5 =	vld [tilespmem:$0xC0]  }
0x21: {  	v6 =	vld [tilespmem:$0x0]  }
0x22: {  	v7 =	vld [tilespmem:$0x40];
	v1 =	vadd.s32 v0, v1  }
0x23: {  	v4 =	vadd.s32 v0, v4;
	[tilespmem:$0x10] =	vst v1;
	v1 =	vadd.s32 v0, v2;
	v2 =	vld [tilespmem:$0xD0]  }
0x24: {  	v53 =	vld [tilespmem:$0x100];
	[tilespmem:$0x50] =	vst v4  }
0x25: {  	[tilespmem:$0xA0] =	vst v1;
	v1 =	vadd.s32 v0, v3;
	v3 =	vld [tilespmem:$0x180]  }
0x26: {  	v5 =	vadd.s32 v0, v5;
	[tilespmem:$0xB0] =	vst v1;
	v1 =	vld [tilespmem:$0x90]  }
0x27: {  	v54 =	vld [tilespmem:$0x110];
	v52 =	vadd.s32 v0, v6;
	[tilespmem:$0xC0] =	vst v5  }
0x28: {  	v56 =	vld [tilespmem:$0x130];
	[tilespmem:$0x0] =	vst v52;
	v2 =	vadd.s32 v0, v2  }
0x29: {  	v55 =	vadd.s32 v0, v7;
	[tilespmem:$0xD0] =	vst v2;
	v2 =	vld [tilespmem:$0x120]  }
0x2a: {  	v57 =	vld [tilespmem:$0x140];
	[tilespmem:$0x40] =	vst v55;
	v3 =	vadd.s32 v0, v3  }
0x2b: {  	v1 =	vadd.s32 v0, v1;
	[tilespmem:$0x180] =	vst v3;
	v3 =	vld [tilespmem:$0x60]  }
0x2c: {  	v58 =	vld [tilespmem:$0x70];
	[tilespmem:$0x90] =	vst v1;
	v1 =	vadd.s32 v0, v53  }
0x2d: {  	v59 =	vld [tilespmem:$0x80];
	[tilespmem:$0x100] =	vst v1;
	v1 =	vadd.s32 v0, v54  }
0x2e: {  	v60 =	vld [tilespmem:$0x20];
	[tilespmem:$0x110] =	vst v1;
	v1 =	vadd.s32 v0, v2  }
0x2f: {  	v2 =	vld [tilespmem:$0xE0];
	[tilespmem:$0x120] =	vst v1;
	v1 =	vadd.s32 v0, v56  }
0x30: {  	v3 =	vadd.s32 v0, v3;
	[tilespmem:$0x130] =	vst v1  }
0x31: {  	v61 =	vld [tilespmem:$0xF0];
	v1 =	vadd.s32 v0, v57;
	[tilespmem:$0x60] =	vst v3  }
0x32: {  	v3 =	vld [tilespmem:$0x150];
	[tilespmem:$0x140] =	vst v1;
	v1 =	vadd.s32 v0, v58  }
0x33: {  	v62 =	vld [tilespmem:$0x30];
	[tilespmem:$0x70] =	vst v1;
	v1 =	vadd.s32 v0, v59  }
0x34: {  	v6 =	vadd.s32 v0, v60;
	[tilespmem:$0x80] =	vst v1;
	v1 =	vadd.s32 v0, v2;
	v2 =	vld [tilespmem:$0x170]  }
0x35: {  	v63 =	vld [tilespmem:$0x160];
	[tilespmem:$0x20] =	vst v6  }
0x36: {  	[tilespmem:$0xE0] =	vst v1;
	v1 =	vadd.s32 v0, v61  }
0x37: {  	[tilespmem:$0xF0] =	vst v1;
	v1 =	vadd.s32 v0, v3  }
0x38: {  	v3 =	vadd.s32 v0, v62;
	[tilespmem:$0x150] =	vst v1  }
0x39: {  	[tilespmem:$0x30] =	vst v3;
	v2 =	vadd.s32 v0, v2  }
0x3a: {  	s18 =	simm.s32 $0x64;
	s17 =	simm.s32 $0x32;
	v1 =	vadd.s32 v0, v63;
	[tilespmem:$0x170] =	vst v2  }
.LBB2_2:
0x3b: {  	p0 =	sne.s32 s18, $0x1838;
	[tilespmem:$0x160] =	vst v1;
	s19 =	smov.u32 s18;
	s18 =	sadd.s32 $0x32, s18  }
0x3c: {  	[tilespmem:s14], [sflag:$0x1] =	stream.indirect.gather [hbm4b:s4+s13], $0x20, s3, s13, $0xb8;
	[tilespmem:$0x1BD20] =	vst v63  }
0x3d: {  	_ =	swait.ge [sflag:s15], $0x3200  }
0x3e: {  	[sflag:s15] =	ssyncset.done $0x0  }
0x3f: {  	[sflag:s15] =	ssyncadd.s32 $0xFFFFCE00  }
0x40: {  	[spmem:s2] =	stream.indirect.scatter.add.f32 [tilespmem:s14], [sflag:$0x2], $0x20, s13, s13, $0xb8;
	[tilespmem:$0x1BD20] =	vst v63  }
0x41: {  	_ =	swait.ge [sflag:s12], $0x3200  }
0x42: {  	[sflag:s12] =	ssyncset.done $0x0  }
0x43: {  	s20 =	sadd.s32 s17, s10;
	[sflag:s12] =	ssyncadd.s32 $0xFFFFCE00  }
0x44: {  	[tilespmem:s3], [sflag:$0x2] =	stream.linear.gather [hbm4b:s20+s3], $0x190, $0x38;
	[tilespmem:$0x1BD20] =	vst v63  }
0x45: {  	_ =	swait.ge [sflag:s12], $0x190  }
0x46: {  	[sflag:s12] =	ssyncset.done $0x0  }
0x47: {  	s20 =	sadd.s32 s17, s9;
	s17 =	smov.u32 s19;
	[sflag:s12] =	ssyncadd.s32 $0xFFFFFE70  }
0x48: {  	[tilespmem:s13], [sflag:$0x2] =	stream.linear.gather [hbm4b:s20+s3], $0x190, $0x38;
	[tilespmem:$0x1BD20] =	vst v63  }
0x49: {  	_ =	swait.ge [sflag:s12], $0x190  }
0x4a: {  	[sflag:s12] =	ssyncset.done $0x0  }
0x4b: {  	[sflag:s12] =	ssyncadd.s32 $0xFFFFFE70  }
0x4c: {  	v1 =	vld [tilespmem:$0xA0]  }
0x4d: {  	v2 =	vld [tilespmem:$0x10]  }
0x4e: {  	v3 =	vld [tilespmem:$0x50]  }
0x4f: {  	v4 =	vld [tilespmem:$0xB0]  }
0x50: {  	v5 =	vld [tilespmem:$0xC0]  }
0x51: {  	v6 =	vld [tilespmem:$0x180]  }
0x52: {  	v7 =	vld [tilespmem:$0x0];
	v2 =	vadd.s32 v0, v2  }
0x53: {  	v1 =	vadd.s32 v0, v1;
	[tilespmem:$0x10] =	vst v2;
	v2 =	vadd.s32 v0, v3;
	v3 =	vld [tilespmem:$0xD0]  }
0x54: {  	v8 =	vld [tilespmem:$0x40];
	[tilespmem:$0xA0] =	vst v1;
	v1 =	vadd.s32 v0, v4  }
0x55: {  	v4 =	vld [tilespmem:$0x90];
	[tilespmem:$0xB0] =	vst v1;
	v1 =	vadd.s32 v0, v5  }
0x56: {  	[tilespmem:$0x50] =	vst v2;
	v2 =	vld [tilespmem:$0xF0];
	v5 =	vadd.s32 v0, v6  }
0x57: {  	v6 =	vadd.s32 v0, v7;
	[tilespmem:$0xC0] =	vst v1;
	v1 =	vld [tilespmem:$0x100]  }
0x58: {  	[tilespmem:$0x0] =	vst v6;
	v3 =	vadd.s32 v0, v3;
	v6 =	vld [tilespmem:$0x110]  }
0x59: {  	v7 =	vadd.s32 v0, v8;
	[tilespmem:$0xD0] =	vst v3;
	v3 =	vld [tilespmem:$0x120]  }
0x5a: {  	[tilespmem:$0x40] =	vst v7;
	v4 =	vadd.s32 v0, v4;
	v7 =	vld [tilespmem:$0x130]  }
0x5b: {  	v2 =	vadd.s32 v0, v2;
	v8 =	vld [tilespmem:$0x140];
	[tilespmem:$0x180] =	vst v5  }
0x5c: {  	v5 =	vld [tilespmem:$0x60];
	[tilespmem:$0x90] =	vst v4;
	v1 =	vadd.s32 v0, v1  }
0x5d: {  	v4 =	vld [tilespmem:$0x70];
	[tilespmem:$0x100] =	vst v1;
	v1 =	vadd.s32 v0, v6  }
0x5e: {  	v6 =	vld [tilespmem:$0x80];
	[tilespmem:$0x110] =	vst v1;
	v1 =	vadd.s32 v0, v3  }
0x5f: {  	v3 =	vld [tilespmem:$0xE0];
	[tilespmem:$0x120] =	vst v1;
	v1 =	vadd.s32 v0, v7  }
0x60: {  	v7 =	vld [tilespmem:$0x20];
	[tilespmem:$0x130] =	vst v1;
	v1 =	vadd.s32 v0, v8  }
0x61: {  	v5 =	vadd.s32 v0, v5;
	[tilespmem:$0x140] =	vst v1;
	v1 =	vld [tilespmem:$0x160]  }
0x62: {  	[tilespmem:$0x60] =	vst v5;
	v4 =	vadd.s32 v0, v4;
	v5 =	vld [tilespmem:$0x150]  }
0x63: {  	v8 =	vld [tilespmem:$0x30];
	[tilespmem:$0x70] =	vst v4;
	v4 =	vadd.s32 v0, v6  }
0x64: {  	[tilespmem:$0x80] =	vst v4;
	v3 =	vadd.s32 v0, v3;
	v4 =	vld [tilespmem:$0x170]  }
0x65: {  	v6 =	vadd.s32 v0, v7;
	[tilespmem:$0xE0] =	vst v3  }
.Ltmp0:
0x66: {  	[tilespmem:$0x20] =	vst v6;
	v1 =	vadd.s32 v0, v1;
	(pc) =	sbr.rel @p0 .LBB2_2-.Ltmp0, $4  }
0x67: {  	[tilespmem:$0xF0] =	vst v2;
	v2 =	vadd.s32 v0, v5  }
0x68: {  	v3 =	vadd.s32 v0, v8;
	[tilespmem:$0x150] =	vst v2  }
0x69: {  	[tilespmem:$0x30] =	vst v3;
	v2 =	vadd.s32 v0, v4  }
0x6a: {  	[tilespmem:$0x170] =	vst v2  }
0x6b: {  	[tilespmem:$0x160] =	vst v1  }
0x6c: {  	[tilespmem:s14], [sflag:$0x1] =	stream.indirect.gather [hbm4b:s4+s13], $0x20, s3, s13, $0xb8;
	[tilespmem:$0x1BD20] =	vst v63  }
0x6d: {  	_ =	swait.ge [sflag:s15], $0x3200  }
0x6e: {  	[sflag:s15] =	ssyncset.done $0x0  }
0x6f: {  	[sflag:s15] =	ssyncadd.s32 $0xFFFFCE00  }
0x70: {  	[spmem:s2] =	stream.indirect.scatter.add.f32 [tilespmem:s14], [sflag:$0x2], $0x20, s13, s13, $0xb8;
	[tilespmem:$0x1BD20] =	vst v63  }
0x71: {  	_ =	swait.ge [sflag:s12], $0x3200  }
0x72: {  	[sflag:s12] =	ssyncset.done $0x0  }
0x73: {  	s18 =	sadd.s32 s17, s10;
	[sflag:s12] =	ssyncadd.s32 $0xFFFFCE00  }
0x74: {  	[tilespmem:s3], [sflag:$0x2] =	stream.linear.gather [hbm4b:s18+s3], $0x190, $0x38;
	[tilespmem:$0x1BD20] =	vst v63  }
0x75: {  	_ =	swait.ge [sflag:s12], $0x190  }
0x76: {  	[sflag:s12] =	ssyncset.done $0x0  }
0x77: {  	s31 =	sadd.s32 s17, s9;
	[sflag:s12] =	ssyncadd.s32 $0xFFFFFE70  }
0x78: {  	[tilespmem:s13], [sflag:$0x2] =	stream.linear.gather [hbm4b:s31+s3], $0x190, $0x38;
	[tilespmem:$0x1BD20] =	vst v63  }
0x79: {  	_ =	swait.ge [sflag:s12], $0x190  }
0x7a: {  	[sflag:s12] =	ssyncset.done $0x0  }
0x7b: {  	[sflag:s12] =	ssyncadd.s32 $0xFFFFFE70  }
0x7c: {  	v1 =	vld [tilespmem:$0x10]  }
0x7d: {  	v2 =	vld [tilespmem:$0xA0]  }
0x7e: {  	v4 =	vld [tilespmem:$0x50]  }
0x7f: {  	v3 =	vld [tilespmem:$0xB0]  }
0x80: {  	v5 =	vld [tilespmem:$0xC0]  }
0x81: {  	v6 =	vld [tilespmem:$0x0]  }
0x82: {  	v7 =	vld [tilespmem:$0x40];
	v1 =	vadd.s32 v0, v1  }
0x83: {  	v4 =	vadd.s32 v0, v4;
	[tilespmem:$0x10] =	vst v1;
	v1 =	vadd.s32 v0, v2;
	v2 =	vld [tilespmem:$0xD0]  }
0x84: {  	v53 =	vld [tilespmem:$0x100];
	[tilespmem:$0x50] =	vst v4  }
0x85: {  	[tilespmem:$0xA0] =	vst v1;
	v1 =	vadd.s32 v0, v3;
	v3 =	vld [tilespmem:$0x180]  }
0x86: {  	v5 =	vadd.s32 v0, v5;
	[tilespmem:$0xB0] =	vst v1;
	v1 =	vld [tilespmem:$0x90]  }
0x87: {  	v54 =	vld [tilespmem:$0x110];
	v52 =	vadd.s32 v0, v6;
	[tilespmem:$0xC0] =	vst v5  }
0x88: {  	v56 =	vld [tilespmem:$0x130];
	[tilespmem:$0x0] =	vst v52;
	v2 =	vadd.s32 v0, v2  }
0x89: {  	v55 =	vadd.s32 v0, v7;
	[tilespmem:$0xD0] =	vst v2;
	v2 =	vld [tilespmem:$0x120]  }
0x8a: {  	v57 =	vld [tilespmem:$0x140];
	[tilespmem:$0x40] =	vst v55;
	v3 =	vadd.s32 v0, v3  }
0x8b: {  	v1 =	vadd.s32 v0, v1;
	[tilespmem:$0x180] =	vst v3;
	v3 =	vld [tilespmem:$0x60]  }
0x8c: {  	v58 =	vld [tilespmem:$0x70];
	[tilespmem:$0x90] =	vst v1;
	v1 =	vadd.s32 v0, v53  }
0x8d: {  	v59 =	vld [tilespmem:$0x80];
	[tilespmem:$0x100] =	vst v1;
	v1 =	vadd.s32 v0, v54  }
0x8e: {  	v60 =	vld [tilespmem:$0x20];
	[tilespmem:$0x110] =	vst v1;
	v1 =	vadd.s32 v0, v2  }
0x8f: {  	v2 =	vld [tilespmem:$0xE0];
	[tilespmem:$0x120] =	vst v1;
	v1 =	vadd.s32 v0, v56  }
0x90: {  	v3 =	vadd.s32 v0, v3;
	[tilespmem:$0x130] =	vst v1  }
0x91: {  	v61 =	vld [tilespmem:$0xF0];
	v1 =	vadd.s32 v0, v57;
	[tilespmem:$0x60] =	vst v3  }
0x92: {  	v3 =	vld [tilespmem:$0x150];
	[tilespmem:$0x140] =	vst v1;
	v1 =	vadd.s32 v0, v58  }
0x93: {  	v62 =	vld [tilespmem:$0x30];
	[tilespmem:$0x70] =	vst v1;
	v1 =	vadd.s32 v0, v59  }
0x94: {  	v6 =	vadd.s32 v0, v60;
	[tilespmem:$0x80] =	vst v1;
	v1 =	vadd.s32 v0, v2;
	v2 =	vld [tilespmem:$0x170]  }
0x95: {  	v63 =	vld [tilespmem:$0x160];
	[tilespmem:$0x20] =	vst v6  }
0x96: {  	[tilespmem:$0xE0] =	vst v1;
	v1 =	vadd.s32 v0, v61  }
0x97: {  	[tilespmem:$0xF0] =	vst v1;
	v1 =	vadd.s32 v0, v3  }
0x98: {  	v3 =	vadd.s32 v0, v62;
	[tilespmem:$0x150] =	vst v1  }
0x99: {  	[tilespmem:$0x30] =	vst v3;
	v1 =	vadd.s32 v0, v2  }
0x9a: {  	v2 =	vadd.s32 v0, v63;
	[tilespmem:$0x170] =	vst v1  }
0x9b: {  	[tilespmem:$0x160] =	vst v2  }
0x9c: {  	[tilespmem:s14], [sflag:$0x1] =	stream.indirect.gather [hbm4b:s4+s13], $0x20, s3, s13, $0xb8;
	[tilespmem:$0x1BD20] =	vst v63  }
0x9d: {  	_ =	swait.ge [sflag:s15], $0x3200  }
0x9e: {  	[sflag:s15] =	ssyncset.done $0x0  }
0x9f: {  	[sflag:s15] =	ssyncadd.s32 $0xFFFFCE00  }
0xa0: {  	[spmem:s2] =	stream.indirect.scatter.add.f32 [tilespmem:s14], [sflag:$0x2], $0x20, s13, s13, $0xb8;
	[tilespmem:$0x1BD20] =	vst v63  }
0xa1: {  	_ =	swait.ge [sflag:s12], $0x3200  }
0xa2: {  	s16 =	sadd.s32 $0x1, s16;
	[sflag:s12] =	ssyncset.done $0x0  }
0xa3: {  	p0 =	sne.s32 s16, s8;
	[sflag:s12] =	ssyncadd.s32 $0xFFFFCE00  }
.Ltmp1:
0xa4: {  	[bflag:$0x0] =	sbarrier.arrive $0xFFFF;
	(pc) =	sbr.rel @p0 .LBB2_1-.Ltmp1, $4  }
0xa5: {  	[hbm:s7], [sflag:s6] =	dma.local [spmem:s11], $0x3100  }
0xa6: {  	_ =	swait.ge [sflag:s12], $0x3100  }
0xa7: {  	[sflag:s12] =	ssyncset.done $0x0  }
0xa8: {  	[sflag:s12] =	ssyncadd.s32 $0xFFFFCF00  }
0xa9: {  	_ =	sfence.sel $0x180000  }
0xaa: {  	[bflag:$0x0] =	sbarrier.arrive $0xFFFF  }
0xab: {  	p0 =	sne.s32 s1, $0x0;
	_ =	strace $0x90000047  }
0xac: {  	s0 =	sadd.s32 @!p0 $0x100000, s0;
	[bflag:$0x2] =	sbarrier.arrive $0xFFFF  }
0xad: {  	[sflag:s0] =	ssyncadd.tile.s32 @!p0 $0x1;
	_ =	shalt  }
.Lfunc_end2:
_tile_overlayer_lowered:
.L_overlay_start_2:
0xae: {  	(tag) =	ssettag $0x2  }
0xaf: {  	s0 =	rddreg [dreg:$0x0];
	s2 =	stileid.u32  }
0xb0: {  	s1 =	rddreg [dreg:$0x1];
	p0 =	sne.s32 s2, $0x0  }
0xb1: {  	s3 =	rddreg [dreg:$0x2];
	[bflag:$0x3] =	sbarrier.arrive $0xFFFF;
	s2 =	simm.s32 @!p0 $0x1C02  }
0xb2: {  	[timem:s3], [sflag:s2] =	dma.local @!p0 [hbm:s0], s1  }
0xb3: {  	s0 =	simm.s32 @!p0 $0x2  }
0xb4: {  	_ =	swait.ge @!p0 [sflag:s0], s1  }
0xb5: {  	s1 =	ssub.s32 @!p0 $0x0, s1;
	[sflag:s0] =	ssyncset.done @!p0 $0x0  }
0xb6: {  	[sflag:s0] =	ssyncadd.s32 @!p0 s1  }
0xb7: {  	[bflag:$0x3] =	sbarrier.arrive $0xFFFF  }
0xb8: {  	_ =	shalt  }

// kernel: kernel.17.cloned.1.call-start
scs
__scs_entry_jumppad:
0x0: {  	(pc) =	sbr.rel $0x88, $3  }
0x1: {  	(tag) =	ssettag $0x0;
	lr =	simm.s32 $0x1  }
0x2: {  	[smem:$0x3F8D] =	sst lr;
	_ =	strace $0xD0000000  }
0x3: {  	_ = 	snop  }
0x4: {  	_ = 	snop  }
0x5: {  	_ = 	snop  }
0x6: {  	_ = 	snop  }
0x7: {  	_ = 	snop  }
__scs_overlays_trampoline_lowered:
0x8: {  	[smem:$0x3F9C] =	sst s0  }
0x9: {  	[smem:$0x3F9D] =	sst s1  }
0xa: {  	[smem:$0x3F9E] =	sst s2  }
0xb: {  	[smem:$0x3F9F] =	sst s3  }
0xc: {  	[smem:$0x3FA0] =	sst s4  }
0xd: {  	[smem:$0x3FA1] =	sst s5  }
0xe: {  	[smem:$0x3FA2] =	sst s6  }
0xf: {  	[smem:$0x3FA3] =	sst s7  }
0x10: {  	[smem:$0x3FA4] =	sst s8  }
0x11: {  	[smem:$0x3FA5] =	sst s9;
	s0 =	simm.s32 @!p0 $0x0  }
0x12: {  	s1 =	sld [smem:$0x3F8B];
	s0 =	simm.s32 @p0 $0x1  }
0x13: {  	[smem:$0x3FA6] =	sst s0;
	s0 =	simm.s32 @!p1 $0x0  }
0x14: {  	s2 =	sld [smem:$0x3F8A];
	s0 =	simm.s32 @p1 $0x1  }
0x15: {  	[smem:$0x3FA7] =	sst s0;
	s0 =	simm.s32 @!p2 $0x0  }
0x16: {  	s3 =	sld [smem:$0x3FDB];
	s0 =	simm.s32 @p2 $0x1  }
0x17: {  	s4 =	simm.s32 $0x1BF5;
	[smem:$0x3FA9] =	sst s0  }
0x18: {  	s0 =	sld [smem:$0x3F8C];
	_ =	swait.ge [sflag:s4], $0x0  }
0x19: {  	s7 =	sld [smem:$0x3F8D]  }
0x1a: {  	s8 =	sadd.s32 $0xFFFFE003, lr  }
0x1b: {  	s9 =	sadd.s32 $0xFFFFFEF7, lr;
	s5 =	simm.s32 $0xFFFFFFFF;
	p2 =	slt.u32 s8, $0xFFFFF086  }
0x1c: {  	p1 =	slt.u32 s9, $0xF7A;
	s5 =	simm.s32 @!p2 $0x0  }
0x1d: {  	s5 =	simm.s32 @p1 $0x1;
	p0 =	seq.s32 s7, s2  }
0x1e: {  	s7 =	smul.u32 @!p0 $0xF7A, s2;
	p2 =	seq.s32 @!p0 s5, $0x0  }
0x1f: {  	s9 =	smul.u32 $0xF7A, s1;
	s8 =	simm.s32 @!p0 $0x1BF5;
	p2 =	por !p2, p0  }
0x20: {  	[sflag:s8] =	ssyncset.s32 @!p0 $0xFFFFF086;
	s6 =	sadd.s32 @!p0 s3, s7;
	s7 =	simm.s32 @!p0 $0x108  }
0x21: {  	s3 =	sadd.s32 s3, s9;
	s6 =	sadd.s32 @!p0 $0x88, s6;
	s7 =	simm.s32 @p2 $0x1082  }
0x22: {  	[simem:s7], [sflag:s8] =	dma.local @!p0 [hbm:s6], $0xF7A  }
0x23: {  	s9 =	sor.u32 $0xD0000000, s2;
	s6 =	simm.s32 $0x108;
	_ =	swait.ge @!p0 [sflag:s8], $0x0  }
0x24: {  	s3 =	sadd.s32 $0x88, s3;
	s6 =	simm.s32 @!p1 $0x1082;
	[sflag:s4] =	ssyncset.s32 $0xFFFFF086  }
0x25: {  	[simem:s6], [sflag:s4] =	dma.local [hbm:s3], $0xF7A  }
0x26: {  	[smem:$0x3F8D] =	sst s1;
	(tag) =	ssettag s2;
	_ =	strace s9  }
0x27: {  	s1 =	sld [smem:$0x3F9D]  }
0x28: {  	s2 =	sld [smem:$0x3F9E]  }
0x29: {  	s4 =	sld [smem:$0x3FA0]  }
0x2a: {  	p0 =	seq.s32 s5, $0x0;
	s5 =	sld [smem:$0x3FA1]  }
0x2b: {  	s6 =	sld [smem:$0x3FA2]  }
0x2c: {  	s7 =	sld [smem:$0x3FA3]  }
0x2d: {  	s3 =	simm.s32 $0x108;
	s8 =	sld [smem:$0x3FA4]  }
0x2e: {  	s3 =	simm.s32 @!p0 $0x1082;
	s9 =	sld [smem:$0x3FA5]  }
0x2f: {  	lr =	sadd.s32 s0, s3;
	s0 =	sld [smem:$0x3F9C]  }
0x30: {  	s3 =	sld [smem:$0x3F9F]  }
0x31: {  	[smem:$0x3FA8] =	sst s10  }
0x32: {  	s10 =	sld [smem:$0x3FA6];
	_ =	sdelay $0x3  }
0x33: {  	p0 =	seq.s32 s10, $0x1;
	s10 =	sld [smem:$0x3FA8];
	_ =	sdelay $0x3  }
0x34: {  	[smem:$0x3FA8] =	sst s10  }
0x35: {  	s10 =	sld [smem:$0x3FA7];
	_ =	sdelay $0x3  }
0x36: {  	p1 =	seq.s32 s10, $0x1;
	s10 =	sld [smem:$0x3FA8];
	_ =	sdelay $0x3  }
0x37: {  	[smem:$0x3FA8] =	sst s10  }
0x38: {  	s10 =	sld [smem:$0x3FA9]  }
0x39: {  	_ = 	snop;
	(pc) =	sbr.ind lr, $3  }
0x3a: {  	_ = 	snop  }
0x3b: {  	_ = 	snop  }
0x3c: {  	p2 =	seq.s32 s10, $0x1;
	s10 =	sld [smem:$0x3FA8]  }
0x3d: {  	_ =	shalt  }
0x3e: {  	_ =	shalt  }
0x3f: {  	_ =	shalt  }
0x40: {  	_ =	shalt  }
0x41: {  	_ =	shalt  }
0x42: {  	_ =	shalt  }
0x43: {  	_ =	shalt  }
0x44: {  	_ =	shalt  }
0x45: {  	_ =	shalt  }
0x46: {  	_ =	shalt  }
0x47: {  	_ =	shalt  }
0x48: {  	_ =	shalt  }
0x49: {  	_ =	shalt  }
0x4a: {  	_ =	shalt  }
0x4b: {  	_ =	shalt  }
0x4c: {  	_ =	shalt  }
0x4d: {  	_ =	shalt  }
0x4e: {  	_ =	shalt  }
0x4f: {  	_ =	shalt  }
0x50: {  	_ =	shalt  }
0x51: {  	_ =	shalt  }
0x52: {  	_ =	shalt  }
0x53: {  	_ =	shalt  }
0x54: {  	_ =	shalt  }
0x55: {  	_ =	shalt  }
0x56: {  	_ =	shalt  }
0x57: {  	_ =	shalt  }
0x58: {  	_ =	shalt  }
0x59: {  	_ =	shalt  }
0x5a: {  	_ =	shalt  }
0x5b: {  	_ =	shalt  }
0x5c: {  	_ =	shalt  }
0x5d: {  	_ =	shalt  }
0x5e: {  	_ =	shalt  }
0x5f: {  	_ =	shalt  }
0x60: {  	_ =	shalt  }
0x61: {  	_ =	shalt  }
0x62: {  	_ =	shalt  }
0x63: {  	_ =	shalt  }
0x64: {  	_ =	shalt  }
0x65: {  	_ =	shalt  }
0x66: {  	_ =	shalt  }
0x67: {  	_ =	shalt  }
0x68: {  	_ =	shalt  }
0x69: {  	_ =	shalt  }
0x6a: {  	_ =	shalt  }
0x6b: {  	_ =	shalt  }
0x6c: {  	_ =	shalt  }
0x6d: {  	_ =	shalt  }
0x6e: {  	_ =	shalt  }
0x6f: {  	_ =	shalt  }
0x70: {  	_ =	shalt  }
0x71: {  	_ =	shalt  }
0x72: {  	_ =	shalt  }
0x73: {  	_ =	shalt  }
0x74: {  	_ =	shalt  }
0x75: {  	_ =	shalt  }
0x76: {  	_ =	shalt  }
0x77: {  	_ =	shalt  }
0x78: {  	_ =	shalt  }
0x79: {  	_ =	shalt  }
0x7a: {  	_ =	shalt  }
0x7b: {  	_ =	shalt  }
0x7c: {  	_ =	shalt  }
0x7d: {  	_ =	shalt  }
0x7e: {  	_ =	shalt  }
0x7f: {  	_ =	shalt  }
0x80: {  	_ =	shalt  }
0x81: {  	_ =	shalt  }
0x82: {  	_ =	shalt  }
0x83: {  	_ =	shalt  }
0x84: {  	_ =	shalt  }
0x85: {  	_ =	shalt  }
0x86: {  	_ =	shalt  }
0x87: {  	_ =	shalt  }
.Lfunc_end0:
.L_simem_size_0:
called_computation.1_lowered:
.L_overlay_start_0:
0x88: {  	s2 =	sld [smem:$0x3FD9]  }
0x89: {  	s3 =	sld [smem:$0x3FFE];
	_ =	sdelay $0x1  }
0x8a: {  	s1 =	srdreg.scid  }
0x8b: {  	s0 =	sand.u32 $0x1, s1  }
0x8c: {  	s16 =	sshll.u32 s0, $0xA;
	s2 =	sadd.s32 s3, s2  }
0x8d: {  	s2 =	sadd.s32 s2, s16  }
0x8e: {  	[smem:$0x3FB4] =	sst s2  }
0x8f: {  	_ = 	snop  }
0x90: {  	(tm) =	ssettm $0x1  }
0x91: {  	s17 =	sld [smem:$0x3FFB];
	_ =	sdelay $0x3  }
0x92: {  	_ =	strace s17  }
0x93: {  	s2 =	sld [smem:$0x3FFC];
	_ =	sdelay $0x3  }
0x94: {  	_ =	strace s2  }
0x95: {  	s2 =	sld [smem:$0x3FFD];
	_ =	sdelay $0x3  }
0x96: {  	_ =	strace s2  }
0x97: {  	_ =	strace $0x8FFFFFFF  }
0x98: {  	s18 =	sld [smem:$0x3FDB];
	_ =	sdelay $0x1  }
0x99: {  	s19 =	simm.s32 $_scs_section_size  }
0x9a: {  	s4 =	simm.s32 $_size__tile_overlayer_lowered;
	s5 =	simm.s32 $_tile_overlayer_lowered  }
0x9b: {  	s22 =	simm.s32 $0x1BFF;
	s21 =	sshll.u32 s5, $0x1;
	s2 =	sadd.s32 s19, s18  }
0x9c: {  	s6 =	simm.s32 $0x0;
	s20 =	sshll.u32 s4, $0x1;
	s4 =	sadd.s32 s21, s2  }
0x9d: {  	[timem:s6], [sflag:s22] =	dma.local [hbm:s4], s20  }
0x9e: {  	_ =	swait.ge [sflag:s22], s20  }
0x9f: {  	s3 =	ssub.s32 $0x0, s20;
	[sflag:s22] =	ssyncset.done $0x0  }
0xa0: {  	[sflag:s22] =	ssyncadd.s32 s3;
	_ =	sdelay $0x1  }
0xa1: {  	s23 =	simm.s32 $0x1B8B  }
0xa2: {  	_ =	swait.ge [sflag:s23], $0x1  }
0xa3: {  	[sflag:s23] =	ssyncset.done $0x0  }
0xa4: {  	s25 =	simm.s32 $0x1B8E;
	s24 =	sld [smem:$0x3FFE];
	[sflag:s23] =	ssyncadd.s32 $0xFFFFFFFF  }
0xa5: {  	s26 =	simm.s32 $execute0_lowered;
	[smem:$0x3FD2] =	sst s25  }
0xa6: {  	s4 =	sshll.u32 s26, $0x1;
	_ =	strace $0x80000049;
	[dreg:$0x1] =	wrdreg $0xFFFFFFFF  }
0xa7: {  	s28 =	simm.s32 $_size_execute0_lowered;
	s2 =	sadd.s32 s2, s4;
	[dreg:$0x0] =	wrdreg $0x0  }
0xa8: {  	s4 =	sshll.u32 s28, $0x1;
	[dreg:$0x2] =	wrdreg s2  }
0xa9: {  	[dreg:$0x3] =	wrdreg s4  }
0xaa: {  	[dreg:$0x4] =	wrdreg $0xC0  }
0xab: {  	_ =	task [dreg:s6], $0x5FFFF  }
0xac: {  	[dreg:$0x1] =	wrdreg $0xFFFFFFFF  }
0xad: {  	[dreg:$0x0] =	wrdreg $0x60  }
0xae: {  	[dreg:$0x2] =	wrdreg s24  }
0xaf: {  	[dreg:$0x3] =	wrdreg $0x9  }
0xb0: {  	_ =	task.clear_ibuf [dreg:s6], $0x4FFFF;
	_ =	strace $0x90000049  }
0xb1: {  	s29 =	simm.s32 $0x9;
	_ =	strace $0x8000004B  }
0xb2: {  	_ =	swait.ge [sflag:s29], $0x1  }
0xb3: {  	[sflag:s29] =	ssyncadd.s32 $0xFFFFFFFF  }
0xb4: {  	_ =	strace $0x9000004B  }
0xb5: {  	_ =	sfence  }
0xb6: {  	s30 =	sld [smem:$0x0];
	_ =	sdelay $0x2  }
0xb7: {  	s31 =	sshll.u32 s1, $0xD;
	s1 =	sshrl.u32 s1, $0x2  }
0xb8: {  	s3 =	sand.u32 $0x4000, s31;
	s1 =	sadd.s32 s1, s30  }
0xb9: {  	s0 =	sor.u32 s3, s0;
	s1 =	sshll.u32 s1, $0x11  }
0xba: {  	s0 =	sor.u32 s1, s0  }
0xbb: {  	s0 =	sadd.s32 $0x8F2B, s0  }
0xbc: {  	[sflag:s0] =	ssyncadd.remote.s32 $0x1  }
0xbd: {  	_ =	sfence.sel $0xFFFF  }
0xbe: {  	[dreg:$0x0] =	wrdreg $0xFFFFFFFF;
	(pc) =	sbr.abs _section_cstart, $3  }
0xbf: {  	[dreg:$0x1] =	wrdreg $0xFFFFFFFF  }
0xc0: {  	_ =	task.clear_ibuf [dreg:s6], $0x2FFFF;
	_ =	strace $0x9FFFFFFF  }
0xc1: {  	(tm) =	ssettm $0x7FFFFFFF  }
tec
execute0_lowered:
.L_overlay_start_1:
0x0: {  	(tag) =	ssettag $0x1  }
0x1: {  	s1 =	srdreg.scid;
	s0 =	stileid.u32  }
0x2: {  	s6 =	sand.u32 $0x1, s1;
	s30 =	sshll.u32 s0, $0x1  }
0x3: {  	s8 =	rddreg [dreg:$0x0];
	s7 =	sor.u32 s6, s30  }
0x4: {  	s2 =	simm.s32 $0x0;
	s1 =	rddreg [dreg:$0x1];
	s3 =	smul.u32 $0x64, s7  }
0x5: {  	[smem:$0x7FF] =	sst s2;
	s5 =	sadd.s32 $0x97000, s8  }
0x6: {  	_ =	strace $0x8000004A;
	s10 =	ssub.s32 $0x2, s6;
	s3 =	sadd.s32 s3, s8  }
0x7: {  	s6 =	simm.s32 $0x320;
	s4 =	sadd.s32 $0x1200, s3;
	s3 =	simm.s32 $0x2  }
0x8: {  	[tilespmem:s2], [sflag:$0x2] =	stream.linear.gather [hbm4b:s4+s2], $0x320, $0x38;
	[tilespmem:$0xCB20] =	vst v63  }
0x9: {  	s9 =	smul.u32 $0x1900, s7;
	s11 =	sshrl.u32 s10, $0x1;
	_ =	swait.ge [sflag:s3], $0x320  }
0xa: {  	s7 =	simm.s32 $0x1;
	s31 =	ssub.s32 s10, s11;
	[sflag:s3] =	ssyncset.done $0x0  }
0xb: {  	s8 =	sadd.s32 s9, s8;
	s9 =	smax.u32 s31, $0x1;
	[sflag:s3] =	ssyncadd.s32 $0xFFFFFCE0  }
0xc: {  	[tilespmem:s6], [sflag:$0x1] =	stream.indirect.gather [hbm4b:s5+s6], $0x40, s2, s6, $0xb8;
	[tilespmem:$0xCB20] =	vst v63  }
0xd: {  	p0 =	sne.s32 s9, $0x1;
	_ =	swait.ge [sflag:s7], $0xC800  }
.Ltmp0:
0xe: {  	[sflag:s7] =	ssyncset.done $0x0;
	(pc) =	sbr.rel @!p0 .LBB2_2-.Ltmp0, $4  }
0xf: {  	s8 =	sadd.s32 $0x2000, s8;
	[sflag:s7] =	ssyncadd.s32 $0xFFFF3800  }
0x10: {  	[hbm4b:s8+s2] =	stream.linear.scatter [tilespmem:s6], [sflag:$0x2], $0xC800, $0x38;
	[tilespmem:$0xCB20] =	vst v63  }
0x11: {  	_ =	swait.ge [sflag:s3], $0xC800  }
0x12: {  	s9 =	sadd.s32 $0xFFFFFFFF, s9;
	[sflag:s3] =	ssyncset.done $0x0  }
.LBB2_1:
0x13: {  	p0 =	sne.s32 s9, $0x1;
	s9 =	sadd.s32 $0xFFFFFFFF, s9;
	[sflag:s3] =	ssyncadd.s32 $0xFFFF3800  }
0x14: {  	[tilespmem:s2], [sflag:$0x2] =	stream.linear.gather [hbm4b:s4+s2], $0x320, $0x38;
	[tilespmem:$0xCB20] =	vst v63  }
0x15: {  	_ =	swait.ge [sflag:s3], $0x320  }
0x16: {  	[sflag:s3] =	ssyncset.done $0x0  }
0x17: {  	[sflag:s3] =	ssyncadd.s32 $0xFFFFFCE0  }
0x18: {  	[tilespmem:s6], [sflag:$0x1] =	stream.indirect.gather [hbm4b:s5+s6], $0x40, s2, s6, $0xb8;
	[tilespmem:$0xCB20] =	vst v63  }
0x19: {  	_ =	swait.ge [sflag:s7], $0xC800  }
.Ltmp1:
0x1a: {  	[sflag:s7] =	ssyncset.done $0x0;
	(pc) =	sbr.rel @p0 .LBB2_1-.Ltmp1, $4  }
0x1b: {  	[sflag:s7] =	ssyncadd.s32 $0xFFFF3800  }
0x1c: {  	[hbm4b:s8+s2] =	stream.linear.scatter [tilespmem:s6], [sflag:$0x2], $0xC800, $0x38;
	[tilespmem:$0xCB20] =	vst v63  }
0x1d: {  	_ =	swait.ge [sflag:s3], $0xC800  }
0x1e: {  	[sflag:s3] =	ssyncset.done $0x0  }
.LBB2_2:
0x1f: {  	[sflag:s3] =	ssyncadd.s32 $0xFFFF3800  }
0x20: {  	_ =	sfence.sel $0x180000  }
0x21: {  	[bflag:$0x0] =	sbarrier.arrive $0xFFFF  }
0x22: {  	p0 =	sne.s32 s0, $0x0;
	_ =	strace $0x9000004A  }
0x23: {  	s0 =	sadd.s32 @!p0 $0x100000, s1;
	[bflag:$0x2] =	sbarrier.arrive $0xFFFF  }
0x24: {  	[sflag:s0] =	ssyncadd.tile.s32 @!p0 $0x1;
	_ =	shalt  }
.Lfunc_end2:
_tile_overlayer_lowered:
.L_overlay_start_2:
0x25: {  	(tag) =	ssettag $0x2  }
0x26: {  	s0 =	rddreg [dreg:$0x0];
	s2 =	stileid.u32  }
0x27: {  	s1 =	rddreg [dreg:$0x1];
	p0 =	sne.s32 s2, $0x0  }
0x28: {  	s3 =	rddreg [dreg:$0x2];
	[bflag:$0x3] =	sbarrier.arrive $0xFFFF;
	s2 =	simm.s32 @!p0 $0x1C02  }
0x29: {  	[timem:s3], [sflag:s2] =	dma.local @!p0 [hbm:s0], s1  }
0x2a: {  	s0 =	simm.s32 @!p0 $0x2  }
0x2b: {  	_ =	swait.ge @!p0 [sflag:s0], s1  }
0x2c: {  	s1 =	ssub.s32 @!p0 $0x0, s1;
	[sflag:s0] =	ssyncset.done @!p0 $0x0  }
0x2d: {  	[sflag:s0] =	ssyncadd.s32 @!p0 s1  }
0x2e: {  	[bflag:$0x3] =	sbarrier.arrive $0xFFFF  }
0x2f: {  	_ =	shalt  }

// kernel: kernel.20.cloned.1.call-start
scs
__scs_entry_jumppad:
0x0: {  	(pc) =	sbr.rel $0x88, $3  }
0x1: {  	(tag) =	ssettag $0x0;
	lr =	simm.s32 $0x1  }
0x2: {  	[smem:$0x3F8D] =	sst lr;
	_ =	strace $0xD0000000  }
0x3: {  	_ = 	snop  }
0x4: {  	_ = 	snop  }
0x5: {  	_ = 	snop  }
0x6: {  	_ = 	snop  }
0x7: {  	_ = 	snop  }
__scs_overlays_trampoline_lowered:
0x8: {  	[smem:$0x3F9C] =	sst s0  }
0x9: {  	[smem:$0x3F9D] =	sst s1  }
0xa: {  	[smem:$0x3F9E] =	sst s2  }
0xb: {  	[smem:$0x3F9F] =	sst s3  }
0xc: {  	[smem:$0x3FA0] =	sst s4  }
0xd: {  	[smem:$0x3FA1] =	sst s5  }
0xe: {  	[smem:$0x3FA2] =	sst s6  }
0xf: {  	[smem:$0x3FA3] =	sst s7  }
0x10: {  	[smem:$0x3FA4] =	sst s8  }
0x11: {  	[smem:$0x3FA5] =	sst s9;
	s0 =	simm.s32 @!p0 $0x0  }
0x12: {  	s1 =	sld [smem:$0x3F8B];
	s0 =	simm.s32 @p0 $0x1  }
0x13: {  	[smem:$0x3FA6] =	sst s0;
	s0 =	simm.s32 @!p1 $0x0  }
0x14: {  	s2 =	sld [smem:$0x3F8A];
	s0 =	simm.s32 @p1 $0x1  }
0x15: {  	[smem:$0x3FA7] =	sst s0;
	s0 =	simm.s32 @!p2 $0x0  }
0x16: {  	s3 =	sld [smem:$0x3FDB];
	s0 =	simm.s32 @p2 $0x1  }
0x17: {  	s4 =	simm.s32 $0x1BF5;
	[smem:$0x3FA9] =	sst s0  }
0x18: {  	s0 =	sld [smem:$0x3F8C];
	_ =	swait.ge [sflag:s4], $0x0  }
0x19: {  	s7 =	sld [smem:$0x3F8D]  }
0x1a: {  	s8 =	sadd.s32 $0xFFFFE003, lr  }
0x1b: {  	s9 =	sadd.s32 $0xFFFFFEF7, lr;
	s5 =	simm.s32 $0xFFFFFFFF;
	p2 =	slt.u32 s8, $0xFFFFF086  }
0x1c: {  	p1 =	slt.u32 s9, $0xF7A;
	s5 =	simm.s32 @!p2 $0x0  }
0x1d: {  	s5 =	simm.s32 @p1 $0x1;
	p0 =	seq.s32 s7, s2  }
0x1e: {  	s7 =	smul.u32 @!p0 $0xF7A, s2;
	p2 =	seq.s32 @!p0 s5, $0x0  }
0x1f: {  	s9 =	smul.u32 $0xF7A, s1;
	s8 =	simm.s32 @!p0 $0x1BF5;
	p2 =	por !p2, p0  }
0x20: {  	[sflag:s8] =	ssyncset.s32 @!p0 $0xFFFFF086;
	s6 =	sadd.s32 @!p0 s3, s7;
	s7 =	simm.s32 @!p0 $0x108  }
0x21: {  	s3 =	sadd.s32 s3, s9;
	s6 =	sadd.s32 @!p0 $0x88, s6;
	s7 =	simm.s32 @p2 $0x1082  }
0x22: {  	[simem:s7], [sflag:s8] =	dma.local @!p0 [hbm:s6], $0xF7A  }
0x23: {  	s9 =	sor.u32 $0xD0000000, s2;
	s6 =	simm.s32 $0x108;
	_ =	swait.ge @!p0 [sflag:s8], $0x0  }
0x24: {  	s3 =	sadd.s32 $0x88, s3;
	s6 =	simm.s32 @!p1 $0x1082;
	[sflag:s4] =	ssyncset.s32 $0xFFFFF086  }
0x25: {  	[simem:s6], [sflag:s4] =	dma.local [hbm:s3], $0xF7A  }
0x26: {  	[smem:$0x3F8D] =	sst s1;
	(tag) =	ssettag s2;
	_ =	strace s9  }
0x27: {  	s1 =	sld [smem:$0x3F9D]  }
0x28: {  	s2 =	sld [smem:$0x3F9E]  }
0x29: {  	s4 =	sld [smem:$0x3FA0]  }
0x2a: {  	p0 =	seq.s32 s5, $0x0;
	s5 =	sld [smem:$0x3FA1]  }
0x2b: {  	s6 =	sld [smem:$0x3FA2]  }
0x2c: {  	s7 =	sld [smem:$0x3FA3]  }
0x2d: {  	s3 =	simm.s32 $0x108;
	s8 =	sld [smem:$0x3FA4]  }
0x2e: {  	s3 =	simm.s32 @!p0 $0x1082;
	s9 =	sld [smem:$0x3FA5]  }
0x2f: {  	lr =	sadd.s32 s0, s3;
	s0 =	sld [smem:$0x3F9C]  }
0x30: {  	s3 =	sld [smem:$0x3F9F]  }
0x31: {  	[smem:$0x3FA8] =	sst s10  }
0x32: {  	s10 =	sld [smem:$0x3FA6];
	_ =	sdelay $0x3  }
0x33: {  	p0 =	seq.s32 s10, $0x1;
	s10 =	sld [smem:$0x3FA8];
	_ =	sdelay $0x3  }
0x34: {  	[smem:$0x3FA8] =	sst s10  }
0x35: {  	s10 =	sld [smem:$0x3FA7];
	_ =	sdelay $0x3  }
0x36: {  	p1 =	seq.s32 s10, $0x1;
	s10 =	sld [smem:$0x3FA8];
	_ =	sdelay $0x3  }
0x37: {  	[smem:$0x3FA8] =	sst s10  }
0x38: {  	s10 =	sld [smem:$0x3FA9]  }
0x39: {  	_ = 	snop;
	(pc) =	sbr.ind lr, $3  }
0x3a: {  	_ = 	snop  }
0x3b: {  	_ = 	snop  }
0x3c: {  	p2 =	seq.s32 s10, $0x1;
	s10 =	sld [smem:$0x3FA8]  }
0x3d: {  	_ =	shalt  }
0x3e: {  	_ =	shalt  }
0x3f: {  	_ =	shalt  }
0x40: {  	_ =	shalt  }
0x41: {  	_ =	shalt  }
0x42: {  	_ =	shalt  }
0x43: {  	_ =	shalt  }
0x44: {  	_ =	shalt  }
0x45: {  	_ =	shalt  }
0x46: {  	_ =	shalt  }
0x47: {  	_ =	shalt  }
0x48: {  	_ =	shalt  }
0x49: {  	_ =	shalt  }
0x4a: {  	_ =	shalt  }
0x4b: {  	_ =	shalt  }
0x4c: {  	_ =	shalt  }
0x4d: {  	_ =	shalt  }
0x4e: {  	_ =	shalt  }
0x4f: {  	_ =	shalt  }
0x50: {  	_ =	shalt  }
0x51: {  	_ =	shalt  }
0x52: {  	_ =	shalt  }
0x53: {  	_ =	shalt  }
0x54: {  	_ =	shalt  }
0x55: {  	_ =	shalt  }
0x56: {  	_ =	shalt  }
0x57: {  	_ =	shalt  }
0x58: {  	_ =	shalt  }
0x59: {  	_ =	shalt  }
0x5a: {  	_ =	shalt  }
0x5b: {  	_ =	shalt  }
0x5c: {  	_ =	shalt  }
0x5d: {  	_ =	shalt  }
0x5e: {  	_ =	shalt  }
0x5f: {  	_ =	shalt  }
0x60: {  	_ =	shalt  }
0x61: {  	_ =	shalt  }
0x62: {  	_ =	shalt  }
0x63: {  	_ =	shalt  }
0x64: {  	_ =	shalt  }
0x65: {  	_ =	shalt  }
0x66: {  	_ =	shalt  }
0x67: {  	_ =	shalt  }
0x68: {  	_ =	shalt  }
0x69: {  	_ =	shalt  }
0x6a: {  	_ =	shalt  }
0x6b: {  	_ =	shalt  }
0x6c: {  	_ =	shalt  }
0x6d: {  	_ =	shalt  }
0x6e: {  	_ =	shalt  }
0x6f: {  	_ =	shalt  }
0x70: {  	_ =	shalt  }
0x71: {  	_ =	shalt  }
0x72: {  	_ =	shalt  }
0x73: {  	_ =	shalt  }
0x74: {  	_ =	shalt  }
0x75: {  	_ =	shalt  }
0x76: {  	_ =	shalt  }
0x77: {  	_ =	shalt  }
0x78: {  	_ =	shalt  }
0x79: {  	_ =	shalt  }
0x7a: {  	_ =	shalt  }
0x7b: {  	_ =	shalt  }
0x7c: {  	_ =	shalt  }
0x7d: {  	_ =	shalt  }
0x7e: {  	_ =	shalt  }
0x7f: {  	_ =	shalt  }
0x80: {  	_ =	shalt  }
0x81: {  	_ =	shalt  }
0x82: {  	_ =	shalt  }
0x83: {  	_ =	shalt  }
0x84: {  	_ =	shalt  }
0x85: {  	_ =	shalt  }
0x86: {  	_ =	shalt  }
0x87: {  	_ =	shalt  }
.Lfunc_end0:
.L_simem_size_0:
called_computation.2_lowered:
.L_overlay_start_0:
0x88: {  	s2 =	sld [smem:$0x3FD9]  }
0x89: {  	s3 =	sld [smem:$0x3FFE];
	_ =	sdelay $0x1  }
0x8a: {  	s1 =	srdreg.scid  }
0x8b: {  	s0 =	sand.u32 $0x1, s1  }
0x8c: {  	s16 =	sshll.u32 s0, $0xA;
	s2 =	sadd.s32 s3, s2  }
0x8d: {  	s2 =	sadd.s32 s2, s16  }
0x8e: {  	[smem:$0x3FB4] =	sst s2  }
0x8f: {  	_ = 	snop  }
0x90: {  	(tm) =	ssettm $0x1  }
0x91: {  	s17 =	sld [smem:$0x3FFB];
	_ =	sdelay $0x3  }
0x92: {  	_ =	strace s17  }
0x93: {  	s2 =	sld [smem:$0x3FFC];
	_ =	sdelay $0x3  }
0x94: {  	_ =	strace s2  }
0x95: {  	s2 =	sld [smem:$0x3FFD];
	_ =	sdelay $0x3  }
0x96: {  	_ =	strace s2  }
0x97: {  	_ =	strace $0x8FFFFFFF  }
0x98: {  	s18 =	sld [smem:$0x3FDB];
	_ =	sdelay $0x1  }
0x99: {  	s19 =	simm.s32 $_scs_section_size  }
0x9a: {  	s4 =	simm.s32 $_size__tile_overlayer_lowered;
	s5 =	simm.s32 $_tile_overlayer_lowered  }
0x9b: {  	s22 =	simm.s32 $0x1BFF;
	s21 =	sshll.u32 s5, $0x1;
	s2 =	sadd.s32 s19, s18  }
0x9c: {  	s6 =	simm.s32 $0x0;
	s20 =	sshll.u32 s4, $0x1;
	s4 =	sadd.s32 s21, s2  }
0x9d: {  	[timem:s6], [sflag:s22] =	dma.local [hbm:s4], s20  }
0x9e: {  	_ =	swait.ge [sflag:s22], s20  }
0x9f: {  	s3 =	ssub.s32 $0x0, s20;
	[sflag:s22] =	ssyncset.done $0x0  }
0xa0: {  	[sflag:s22] =	ssyncadd.s32 s3;
	_ =	sdelay $0x1  }
0xa1: {  	s23 =	simm.s32 $0x1B8B  }
0xa2: {  	_ =	swait.ge [sflag:s23], $0x1  }
0xa3: {  	[sflag:s23] =	ssyncset.done $0x0  }
0xa4: {  	s25 =	simm.s32 $0x1B8E;
	s24 =	sld [smem:$0x3FFE];
	[sflag:s23] =	ssyncadd.s32 $0xFFFFFFFF  }
0xa5: {  	s26 =	simm.s32 $execute0_lowered;
	[smem:$0x3FD2] =	sst s25  }
0xa6: {  	s4 =	sshll.u32 s26, $0x1;
	_ =	strace $0x8000004C;
	[dreg:$0x1] =	wrdreg $0xFFFFFFFF  }
0xa7: {  	s28 =	simm.s32 $_size_execute0_lowered;
	s2 =	sadd.s32 s2, s4;
	[dreg:$0x0] =	wrdreg $0x0  }
0xa8: {  	s4 =	sshll.u32 s28, $0x1;
	[dreg:$0x2] =	wrdreg s2  }
0xa9: {  	[dreg:$0x3] =	wrdreg s4  }
0xaa: {  	[dreg:$0x4] =	wrdreg $0xC0  }
0xab: {  	_ =	task [dreg:s6], $0x5FFFF  }
0xac: {  	[dreg:$0x1] =	wrdreg $0xFFFFFFFF  }
0xad: {  	[dreg:$0x0] =	wrdreg $0x60  }
0xae: {  	[dreg:$0x2] =	wrdreg s24  }
0xaf: {  	[dreg:$0x3] =	wrdreg $0x33900  }
0xb0: {  	[dreg:$0x4] =	wrdreg $0x9  }
0xb1: {  	_ =	task.clear_ibuf [dreg:s6], $0x5FFFF;
	_ =	strace $0x9000004C  }
0xb2: {  	s29 =	simm.s32 $0x9;
	_ =	strace $0x8000004E  }
0xb3: {  	_ =	swait.ge [sflag:s29], $0x1  }
0xb4: {  	[sflag:s29] =	ssyncadd.s32 $0xFFFFFFFF  }
0xb5: {  	_ =	strace $0x9000004E  }
0xb6: {  	_ =	sfence  }
0xb7: {  	s30 =	sld [smem:$0x0];
	_ =	sdelay $0x2  }
0xb8: {  	s31 =	sshll.u32 s1, $0xD;
	s1 =	sshrl.u32 s1, $0x2  }
0xb9: {  	s3 =	sand.u32 $0x4000, s31;
	s1 =	sadd.s32 s1, s30  }
0xba: {  	s0 =	sor.u32 s3, s0;
	s1 =	sshll.u32 s1, $0x11  }
0xbb: {  	s0 =	sor.u32 s1, s0  }
0xbc: {  	s0 =	sadd.s32 $0x8F2B, s0  }
0xbd: {  	[sflag:s0] =	ssyncadd.remote.s32 $0x1  }
0xbe: {  	_ =	sfence.sel $0xFFFF  }
0xbf: {  	[dreg:$0x0] =	wrdreg $0xFFFFFFFF;
	(pc) =	sbr.abs _section_cstart, $3  }
0xc0: {  	[dreg:$0x1] =	wrdreg $0xFFFFFFFF  }
0xc1: {  	_ =	task.clear_ibuf [dreg:s6], $0x2FFFF;
	_ =	strace $0x9FFFFFFF  }
0xc2: {  	(tm) =	ssettm $0x7FFFFFFF  }
0xc3: {  	_ =	shalt  }
tec
execute0_lowered:
.L_overlay_start_1:
0x0: {  	(tag) =	ssettag $0x1  }
0x1: {  	s17 =	rddreg [dreg:$0x0];
	s1 =	stileid.u32  }
0x2: {  	s2 =	rddreg [dreg:$0x1];
	s4 =	smul.u32 $0x62000, s1  }
0x3: {  	s0 =	rddreg [dreg:$0x2];
	s3 =	simm.s32 $0x0  }
0x4: {  	[smem:$0x7FF] =	sst s3;
	s26 =	sshll.u32 s1, $0x6;
	s5 =	sshrl.u32 s4, $0x2  }
0x5: {  	_ =	strace $0x8000004D;
	s4 =	sadd.s32 $0x93E00, s17;
	s6 =	sadd.s32 s5, s2  }
0x6: {  	s5 =	sor.u32 $0x1C01, s26;
	s7 =	sshrl.u32 s6, $0x3;
	s6 =	simm.s32 $0x1  }
0x7: {  	[spmem:s7], [sflag:s5] =	dma.local [hbm:s4], $0x3100  }
0x8: {  	s16 =	smul.u32 $0x640, s1;
	_ =	swait.ge [sflag:s6], $0x3100  }
0x9: {  	s8 =	srdreg.scid;
	s15 =	sadd.s32 $0x1200, s17;
	[sflag:s6] =	ssyncset.done $0x0  }
0xa: {  	s18 =	sand.u32 $0x1, s8;
	s28 =	sshrl.u32 s16, $0x3;
	[sflag:s6] =	ssyncadd.s32 $0xFFFFCF00  }
0xb: {  	s19 =	smul.u32 $0x6400, s18;
	s8 =	sadd.s32 s15, s28;
	[bflag:$0x0] =	sbarrier.arrive $0xFFFF  }
0xc: {  	[tilespmem:s3], [sflag:$0x1] =	stream.linear.gather [hbm4b:s8+s3], $0x190, $0x38;
	[tilespmem:$0x1BB90] =	vst v63  }
0xd: {  	s9 =	sadd.s32 s19, s16;
	_ =	swait.ge [sflag:s6], $0x190  }
0xe: {  	s20 =	sadd.s32 $0x2000, s17;
	s9 =	sshll.u32 s9, $0x2;
	[sflag:s6] =	ssyncset.done $0x0  }
0xf: {  	s10 =	simm.s32 $0x190;
	s9 =	sadd.s32 s20, s9;
	[sflag:s6] =	ssyncadd.s32 $0xFFFFFE70  }
0x10: {  	[tilespmem:s10], [sflag:$0x1] =	stream.linear.gather [hbm4b:s9+s3], $0x3200, $0x38;
	[tilespmem:$0x1BB90] =	vst v63  }
0x11: {  	_ =	swait.ge [sflag:s6], $0x3200  }
0x12: {  	[sflag:s6] =	ssyncset.done $0x0  }
0x13: {  	[sflag:s6] =	ssyncadd.s32 $0xFFFFCE00  }
0x14: {  	[spmem:s2] =	stream.indirect.scatter.add.f32 [tilespmem:s10], [sflag:$0x1], $0x20, s3, s10, $0xb8;
	[tilespmem:$0x1BB90] =	vst v63  }
0x15: {  	s12 =	sadd.s32 $0x190, s16;
	_ =	swait.ge [sflag:s6], $0x3200  }
0x16: {  	s11 =	sshrl.u32 s12, $0x3;
	[sflag:s6] =	ssyncset.done $0x0  }
0x17: {  	s11 =	sadd.s32 s15, s11;
	[sflag:s6] =	ssyncadd.s32 $0xFFFFCE00  }
0x18: {  	[tilespmem:s3], [sflag:$0x1] =	stream.linear.gather [hbm4b:s11+s3], $0x190, $0x38;
	[tilespmem:$0x1BB90] =	vst v63  }
0x19: {  	s12 =	sadd.s32 s19, s12;
	_ =	swait.ge [sflag:s6], $0x190  }
0x1a: {  	s12 =	sshll.u32 s12, $0x2;
	[sflag:s6] =	ssyncset.done $0x0  }
0x1b: {  	s12 =	sadd.s32 s20, s12;
	[sflag:s6] =	ssyncadd.s32 $0xFFFFFE70  }
0x1c: {  	[tilespmem:s10], [sflag:$0x1] =	stream.linear.gather [hbm4b:s12+s3], $0x3200, $0x38;
	[tilespmem:$0x1BB90] =	vst v63  }
0x1d: {  	_ =	swait.ge [sflag:s6], $0x3200  }
0x1e: {  	[sflag:s6] =	ssyncset.done $0x0  }
0x1f: {  	[sflag:s6] =	ssyncadd.s32 $0xFFFFCE00  }
0x20: {  	[spmem:s2] =	stream.indirect.scatter.add.f32 [tilespmem:s10], [sflag:$0x1], $0x20, s3, s10, $0xb8;
	[tilespmem:$0x1BB90] =	vst v63  }
0x21: {  	s14 =	sadd.s32 $0x320, s16;
	_ =	swait.ge [sflag:s6], $0x3200  }
0x22: {  	s13 =	sshrl.u32 s14, $0x3;
	[sflag:s6] =	ssyncset.done $0x0  }
0x23: {  	s13 =	sadd.s32 s15, s13;
	[sflag:s6] =	ssyncadd.s32 $0xFFFFCE00  }
0x24: {  	[tilespmem:s3], [sflag:$0x1] =	stream.linear.gather [hbm4b:s13+s3], $0x190, $0x38;
	[tilespmem:$0x1BB90] =	vst v63  }
0x25: {  	s14 =	sadd.s32 s19, s14;
	_ =	swait.ge [sflag:s6], $0x190  }
0x26: {  	s14 =	sshll.u32 s14, $0x2;
	[sflag:s6] =	ssyncset.done $0x0  }
0x27: {  	s14 =	sadd.s32 s20, s14;
	[sflag:s6] =	ssyncadd.s32 $0xFFFFFE70  }
0x28: {  	[tilespmem:s10], [sflag:$0x1] =	stream.linear.gather [hbm4b:s14+s3], $0x3200, $0x38;
	[tilespmem:$0x1BB90] =	vst v63  }
0x29: {  	_ =	swait.ge [sflag:s6], $0x3200  }
0x2a: {  	[sflag:s6] =	ssyncset.done $0x0  }
0x2b: {  	[sflag:s6] =	ssyncadd.s32 $0xFFFFCE00  }
0x2c: {  	[spmem:s2] =	stream.indirect.scatter.add.f32 [tilespmem:s10], [sflag:$0x1], $0x20, s3, s10, $0xb8;
	[tilespmem:$0x1BB90] =	vst v63  }
0x2d: {  	s16 =	sadd.s32 $0x4B0, s16;
	_ =	swait.ge [sflag:s6], $0x3200  }
0x2e: {  	s21 =	sshrl.u32 s16, $0x3;
	[sflag:s6] =	ssyncset.done $0x0  }
0x2f: {  	s15 =	sadd.s32 s15, s21;
	[sflag:s6] =	ssyncadd.s32 $0xFFFFCE00  }
0x30: {  	[tilespmem:s3], [sflag:$0x1] =	stream.linear.gather [hbm4b:s15+s3], $0x190, $0x38;
	[tilespmem:$0x1BB90] =	vst v63  }
0x31: {  	s16 =	sadd.s32 s19, s16;
	_ =	swait.ge [sflag:s6], $0x190  }
0x32: {  	s16 =	sshll.u32 s16, $0x2;
	[sflag:s6] =	ssyncset.done $0x0  }
0x33: {  	s16 =	sadd.s32 s20, s16;
	[sflag:s6] =	ssyncadd.s32 $0xFFFFFE70  }
0x34: {  	[tilespmem:s10], [sflag:$0x1] =	stream.linear.gather [hbm4b:s16+s3], $0x3200, $0x38;
	[tilespmem:$0x1BB90] =	vst v63  }
0x35: {  	s30 =	smul.u32 $0x31000, s18;
	s18 =	ssub.s32 $0x2, s18;
	_ =	swait.ge [sflag:s6], $0x3200  }
0x36: {  	s31 =	sshrl.u32 s18, $0x1;
	[sflag:s6] =	ssyncset.done $0x0  }
0x37: {  	s29 =	smul.u32 $0x3100, s1;
	s18 =	ssub.s32 s18, s31;
	[sflag:s6] =	ssyncadd.s32 $0xFFFFCE00  }
0x38: {  	[spmem:s2] =	stream.indirect.scatter.add.f32 [tilespmem:s10], [sflag:$0x1], $0x20, s3, s10, $0xb8;
	[tilespmem:$0x1BB90] =	vst v63  }
0x39: {  	s18 =	smax.u32 s18, $0x1;
	_ =	swait.ge [sflag:s6], $0x3200  }
0x3a: {  	s19 =	sadd.s32 s29, s30;
	p0 =	sne.s32 s18, $0x1;
	[sflag:s6] =	ssyncset.done $0x0  }
.Ltmp0:
0x3b: {  	s17 =	sadd.s32 s19, s17;
	[sflag:s6] =	ssyncadd.s32 $0xFFFFCE00;
	(pc) =	sbr.rel @!p0 .LBB2_2-.Ltmp0, $4  }
0x3c: {  	s17 =	sadd.s32 $0x97000, s17;
	[bflag:$0x0] =	sbarrier.arrive $0xFFFF  }
0x3d: {  	[hbm:s17], [sflag:s5] =	dma.local [spmem:s7], $0x3100  }
0x3e: {  	_ =	swait.ge [sflag:s6], $0x3100  }
0x3f: {  	s18 =	sadd.s32 $0xFFFFFFFF, s18;
	[sflag:s6] =	ssyncset.done $0x0  }
.LBB2_1:
0x40: {  	p0 =	sne.s32 s18, $0x1;
	s18 =	sadd.s32 $0xFFFFFFFF, s18;
	[sflag:s6] =	ssyncadd.s32 $0xFFFFCF00  }
0x41: {  	[spmem:s7], [sflag:s5] =	dma.local [hbm:s4], $0x3100  }
0x42: {  	_ =	swait.ge [sflag:s6], $0x3100  }
0x43: {  	[sflag:s6] =	ssyncset.done $0x0  }
0x44: {  	[sflag:s6] =	ssyncadd.s32 $0xFFFFCF00  }
0x45: {  	[bflag:$0x0] =	sbarrier.arrive $0xFFFF  }
0x46: {  	[tilespmem:s3], [sflag:$0x1] =	stream.linear.gather [hbm4b:s8+s3], $0x190, $0x38;
	[tilespmem:$0x1BB90] =	vst v63  }
0x47: {  	_ =	swait.ge [sflag:s6], $0x190  }
0x48: {  	[sflag:s6] =	ssyncset.done $0x0  }
0x49: {  	[sflag:s6] =	ssyncadd.s32 $0xFFFFFE70  }
0x4a: {  	[tilespmem:s10], [sflag:$0x1] =	stream.linear.gather [hbm4b:s9+s3], $0x3200, $0x38;
	[tilespmem:$0x1BB90] =	vst v63  }
0x4b: {  	_ =	swait.ge [sflag:s6], $0x3200  }
0x4c: {  	[sflag:s6] =	ssyncset.done $0x0  }
0x4d: {  	[sflag:s6] =	ssyncadd.s32 $0xFFFFCE00  }
0x4e: {  	[spmem:s2] =	stream.indirect.scatter.add.f32 [tilespmem:s10], [sflag:$0x1], $0x20, s3, s10, $0xb8;
	[tilespmem:$0x1BB90] =	vst v63  }
0x4f: {  	_ =	swait.ge [sflag:s6], $0x3200  }
0x50: {  	[sflag:s6] =	ssyncset.done $0x0  }
0x51: {  	[sflag:s6] =	ssyncadd.s32 $0xFFFFCE00  }
0x52: {  	[tilespmem:s3], [sflag:$0x1] =	stream.linear.gather [hbm4b:s11+s3], $0x190, $0x38;
	[tilespmem:$0x1BB90] =	vst v63  }
0x53: {  	_ =	swait.ge [sflag:s6], $0x190  }
0x54: {  	[sflag:s6] =	ssyncset.done $0x0  }
0x55: {  	[sflag:s6] =	ssyncadd.s32 $0xFFFFFE70  }
0x56: {  	[tilespmem:s10], [sflag:$0x1] =	stream.linear.gather [hbm4b:s12+s3], $0x3200, $0x38;
	[tilespmem:$0x1BB90] =	vst v63  }
0x57: {  	_ =	swait.ge [sflag:s6], $0x3200  }
0x58: {  	[sflag:s6] =	ssyncset.done $0x0  }
0x59: {  	[sflag:s6] =	ssyncadd.s32 $0xFFFFCE00  }
0x5a: {  	[spmem:s2] =	stream.indirect.scatter.add.f32 [tilespmem:s10], [sflag:$0x1], $0x20, s3, s10, $0xb8;
	[tilespmem:$0x1BB90] =	vst v63  }
0x5b: {  	_ =	swait.ge [sflag:s6], $0x3200  }
0x5c: {  	[sflag:s6] =	ssyncset.done $0x0  }
0x5d: {  	[sflag:s6] =	ssyncadd.s32 $0xFFFFCE00  }
0x5e: {  	[tilespmem:s3], [sflag:$0x1] =	stream.linear.gather [hbm4b:s13+s3], $0x190, $0x38;
	[tilespmem:$0x1BB90] =	vst v63  }
0x5f: {  	_ =	swait.ge [sflag:s6], $0x190  }
0x60: {  	[sflag:s6] =	ssyncset.done $0x0  }
0x61: {  	[sflag:s6] =	ssyncadd.s32 $0xFFFFFE70  }
0x62: {  	[tilespmem:s10], [sflag:$0x1] =	stream.linear.gather [hbm4b:s14+s3], $0x3200, $0x38;
	[tilespmem:$0x1BB90] =	vst v63  }
0x63: {  	_ =	swait.ge [sflag:s6], $0x3200  }
0x64: {  	[sflag:s6] =	ssyncset.done $0x0  }
0x65: {  	[sflag:s6] =	ssyncadd.s32 $0xFFFFCE00  }
0x66: {  	[spmem:s2] =	stream.indirect.scatter.add.f32 [tilespmem:s10], [sflag:$0x1], $0x20, s3, s10, $0xb8;
	[tilespmem:$0x1BB90] =	vst v63  }
0x67: {  	_ =	swait.ge [sflag:s6], $0x3200  }
0x68: {  	[sflag:s6] =	ssyncset.done $0x0  }
0x69: {  	[sflag:s6] =	ssyncadd.s32 $0xFFFFCE00  }
0x6a: {  	[tilespmem:s3], [sflag:$0x1] =	stream.linear.gather [hbm4b:s15+s3], $0x190, $0x38;
	[tilespmem:$0x1BB90] =	vst v63  }
0x6b: {  	_ =	swait.ge [sflag:s6], $0x190  }
0x6c: {  	[sflag:s6] =	ssyncset.done $0x0  }
0x6d: {  	[sflag:s6] =	ssyncadd.s32 $0xFFFFFE70  }
0x6e: {  	[tilespmem:s10], [sflag:$0x1] =	stream.linear.gather [hbm4b:s16+s3], $0x3200, $0x38;
	[tilespmem:$0x1BB90] =	vst v63  }
0x6f: {  	_ =	swait.ge [sflag:s6], $0x3200  }
0x70: {  	[sflag:s6] =	ssyncset.done $0x0  }
0x71: {  	[sflag:s6] =	ssyncadd.s32 $0xFFFFCE00  }
0x72: {  	[spmem:s2] =	stream.indirect.scatter.add.f32 [tilespmem:s10], [sflag:$0x1], $0x20, s3, s10, $0xb8;
	[tilespmem:$0x1BB90] =	vst v63  }
0x73: {  	_ =	swait.ge [sflag:s6], $0x3200  }
0x74: {  	[sflag:s6] =	ssyncset.done $0x0  }
.Ltmp1:
0x75: {  	[sflag:s6] =	ssyncadd.s32 $0xFFFFCE00;
	(pc) =	sbr.rel @p0 .LBB2_1-.Ltmp1, $4  }
0x76: {  	[bflag:$0x0] =	sbarrier.arrive $0xFFFF  }
0x77: {  	[hbm:s17], [sflag:s5] =	dma.local [spmem:s7], $0x3100  }
0x78: {  	_ =	swait.ge [sflag:s6], $0x3100  }
0x79: {  	[sflag:s6] =	ssyncset.done $0x0  }
.LBB2_2:
0x7a: {  	[sflag:s6] =	ssyncadd.s32 $0xFFFFCF00  }
0x7b: {  	_ =	sfence.sel $0x180000  }
0x7c: {  	[bflag:$0x0] =	sbarrier.arrive $0xFFFF  }
0x7d: {  	p0 =	sne.s32 s1, $0x0;
	_ =	strace $0x9000004D  }
0x7e: {  	s0 =	sadd.s32 @!p0 $0x100000, s0;
	[bflag:$0x2] =	sbarrier.arrive $0xFFFF  }
0x7f: {  	[sflag:s0] =	ssyncadd.tile.s32 @!p0 $0x1;
	_ =	shalt  }
.Lfunc_end2:
_tile_overlayer_lowered:
.L_overlay_start_2:
0x80: {  	(tag) =	ssettag $0x2  }
0x81: {  	s0 =	rddreg [dreg:$0x0];
	s2 =	stileid.u32  }
0x82: {  	s1 =	rddreg [dreg:$0x1];
	p0 =	sne.s32 s2, $0x0  }
0x83: {  	s3 =	rddreg [dreg:$0x2];
	[bflag:$0x3] =	sbarrier.arrive $0xFFFF;
	s2 =	simm.s32 @!p0 $0x1C01  }
0x84: {  	[timem:s3], [sflag:s2] =	dma.local @!p0 [hbm:s0], s1  }
0x85: {  	s0 =	simm.s32 @!p0 $0x1  }
0x86: {  	_ =	swait.ge @!p0 [sflag:s0], s1  }
0x87: {  	s1 =	ssub.s32 @!p0 $0x0, s1;
	[sflag:s0] =	ssyncset.done @!p0 $0x0  }
0x88: {  	[sflag:s0] =	ssyncadd.s32 @!p0 s1  }
0x89: {  	[bflag:$0x3] =	sbarrier.arrive $0xFFFF  }
0x8a: {  	_ =	shalt  }

// kernel: kernel.23.cloned.1.call-start
scs
__scs_entry_jumppad:
0x0: {  	(pc) =	sbr.rel $0x88, $3  }
0x1: {  	(tag) =	ssettag $0x0;
	lr =	simm.s32 $0x1  }
0x2: {  	[smem:$0x3F8D] =	sst lr;
	_ =	strace $0xD0000000  }
0x3: {  	_ = 	snop  }
0x4: {  	_ = 	snop  }
0x5: {  	_ = 	snop  }
0x6: {  	_ = 	snop  }
0x7: {  	_ = 	snop  }
__scs_overlays_trampoline_lowered:
0x8: {  	[smem:$0x3F9C] =	sst s0  }
0x9: {  	[smem:$0x3F9D] =	sst s1  }
0xa: {  	[smem:$0x3F9E] =	sst s2  }
0xb: {  	[smem:$0x3F9F] =	sst s3  }
0xc: {  	[smem:$0x3FA0] =	sst s4  }
0xd: {  	[smem:$0x3FA1] =	sst s5  }
0xe: {  	[smem:$0x3FA2] =	sst s6  }
0xf: {  	[smem:$0x3FA3] =	sst s7  }
0x10: {  	[smem:$0x3FA4] =	sst s8  }
0x11: {  	[smem:$0x3FA5] =	sst s9;
	s0 =	simm.s32 @!p0 $0x0  }
0x12: {  	s1 =	sld [smem:$0x3F8B];
	s0 =	simm.s32 @p0 $0x1  }
0x13: {  	[smem:$0x3FA6] =	sst s0;
	s0 =	simm.s32 @!p1 $0x0  }
0x14: {  	s2 =	sld [smem:$0x3F8A];
	s0 =	simm.s32 @p1 $0x1  }
0x15: {  	[smem:$0x3FA7] =	sst s0;
	s0 =	simm.s32 @!p2 $0x0  }
0x16: {  	s3 =	sld [smem:$0x3FDB];
	s0 =	simm.s32 @p2 $0x1  }
0x17: {  	s4 =	simm.s32 $0x1BF5;
	[smem:$0x3FA9] =	sst s0  }
0x18: {  	s0 =	sld [smem:$0x3F8C];
	_ =	swait.ge [sflag:s4], $0x0  }
0x19: {  	s7 =	sld [smem:$0x3F8D]  }
0x1a: {  	s8 =	sadd.s32 $0xFFFFE003, lr  }
0x1b: {  	s9 =	sadd.s32 $0xFFFFFEF7, lr;
	s5 =	simm.s32 $0xFFFFFFFF;
	p2 =	slt.u32 s8, $0xFFFFF086  }
0x1c: {  	p1 =	slt.u32 s9, $0xF7A;
	s5 =	simm.s32 @!p2 $0x0  }
0x1d: {  	s5 =	simm.s32 @p1 $0x1;
	p0 =	seq.s32 s7, s2  }
0x1e: {  	s7 =	smul.u32 @!p0 $0xF7A, s2;
	p2 =	seq.s32 @!p0 s5, $0x0  }
0x1f: {  	s9 =	smul.u32 $0xF7A, s1;
	s8 =	simm.s32 @!p0 $0x1BF5;
	p2 =	por !p2, p0  }
0x20: {  	[sflag:s8] =	ssyncset.s32 @!p0 $0xFFFFF086;
	s6 =	sadd.s32 @!p0 s3, s7;
	s7 =	simm.s32 @!p0 $0x108  }
0x21: {  	s3 =	sadd.s32 s3, s9;
	s6 =	sadd.s32 @!p0 $0x88, s6;
	s7 =	simm.s32 @p2 $0x1082  }
0x22: {  	[simem:s7], [sflag:s8] =	dma.local @!p0 [hbm:s6], $0xF7A  }
0x23: {  	s9 =	sor.u32 $0xD0000000, s2;
	s6 =	simm.s32 $0x108;
	_ =	swait.ge @!p0 [sflag:s8], $0x0  }
0x24: {  	s3 =	sadd.s32 $0x88, s3;
	s6 =	simm.s32 @!p1 $0x1082;
	[sflag:s4] =	ssyncset.s32 $0xFFFFF086  }
0x25: {  	[simem:s6], [sflag:s4] =	dma.local [hbm:s3], $0xF7A  }
0x26: {  	[smem:$0x3F8D] =	sst s1;
	(tag) =	ssettag s2;
	_ =	strace s9  }
0x27: {  	s1 =	sld [smem:$0x3F9D]  }
0x28: {  	s2 =	sld [smem:$0x3F9E]  }
0x29: {  	s4 =	sld [smem:$0x3FA0]  }
0x2a: {  	p0 =	seq.s32 s5, $0x0;
	s5 =	sld [smem:$0x3FA1]  }
0x2b: {  	s6 =	sld [smem:$0x3FA2]  }
0x2c: {  	s7 =	sld [smem:$0x3FA3]  }
0x2d: {  	s3 =	simm.s32 $0x108;
	s8 =	sld [smem:$0x3FA4]  }
0x2e: {  	s3 =	simm.s32 @!p0 $0x1082;
	s9 =	sld [smem:$0x3FA5]  }
0x2f: {  	lr =	sadd.s32 s0, s3;
	s0 =	sld [smem:$0x3F9C]  }
0x30: {  	s3 =	sld [smem:$0x3F9F]  }
0x31: {  	[smem:$0x3FA8] =	sst s10  }
0x32: {  	s10 =	sld [smem:$0x3FA6];
	_ =	sdelay $0x3  }
0x33: {  	p0 =	seq.s32 s10, $0x1;
	s10 =	sld [smem:$0x3FA8];
	_ =	sdelay $0x3  }
0x34: {  	[smem:$0x3FA8] =	sst s10  }
0x35: {  	s10 =	sld [smem:$0x3FA7];
	_ =	sdelay $0x3  }
0x36: {  	p1 =	seq.s32 s10, $0x1;
	s10 =	sld [smem:$0x3FA8];
	_ =	sdelay $0x3  }
0x37: {  	[smem:$0x3FA8] =	sst s10  }
0x38: {  	s10 =	sld [smem:$0x3FA9]  }
0x39: {  	_ = 	snop;
	(pc) =	sbr.ind lr, $3  }
0x3a: {  	_ = 	snop  }
0x3b: {  	_ = 	snop  }
0x3c: {  	p2 =	seq.s32 s10, $0x1;
	s10 =	sld [smem:$0x3FA8]  }
0x3d: {  	_ =	shalt  }
0x3e: {  	_ =	shalt  }
0x3f: {  	_ =	shalt  }
0x40: {  	_ =	shalt  }
0x41: {  	_ =	shalt  }
0x42: {  	_ =	shalt  }
0x43: {  	_ =	shalt  }
0x44: {  	_ =	shalt  }
0x45: {  	_ =	shalt  }
0x46: {  	_ =	shalt  }
0x47: {  	_ =	shalt  }
0x48: {  	_ =	shalt  }
0x49: {  	_ =	shalt  }
0x4a: {  	_ =	shalt  }
0x4b: {  	_ =	shalt  }
0x4c: {  	_ =	shalt  }
0x4d: {  	_ =	shalt  }
0x4e: {  	_ =	shalt  }
0x4f: {  	_ =	shalt  }
0x50: {  	_ =	shalt  }
0x51: {  	_ =	shalt  }
0x52: {  	_ =	shalt  }
0x53: {  	_ =	shalt  }
0x54: {  	_ =	shalt  }
0x55: {  	_ =	shalt  }
0x56: {  	_ =	shalt  }
0x57: {  	_ =	shalt  }
0x58: {  	_ =	shalt  }
0x59: {  	_ =	shalt  }
0x5a: {  	_ =	shalt  }
0x5b: {  	_ =	shalt  }
0x5c: {  	_ =	shalt  }
0x5d: {  	_ =	shalt  }
0x5e: {  	_ =	shalt  }
0x5f: {  	_ =	shalt  }
0x60: {  	_ =	shalt  }
0x61: {  	_ =	shalt  }
0x62: {  	_ =	shalt  }
0x63: {  	_ =	shalt  }
0x64: {  	_ =	shalt  }
0x65: {  	_ =	shalt  }
0x66: {  	_ =	shalt  }
0x67: {  	_ =	shalt  }
0x68: {  	_ =	shalt  }
0x69: {  	_ =	shalt  }
0x6a: {  	_ =	shalt  }
0x6b: {  	_ =	shalt  }
0x6c: {  	_ =	shalt  }
0x6d: {  	_ =	shalt  }
0x6e: {  	_ =	shalt  }
0x6f: {  	_ =	shalt  }
0x70: {  	_ =	shalt  }
0x71: {  	_ =	shalt  }
0x72: {  	_ =	shalt  }
0x73: {  	_ =	shalt  }
0x74: {  	_ =	shalt  }
0x75: {  	_ =	shalt  }
0x76: {  	_ =	shalt  }
0x77: {  	_ =	shalt  }
0x78: {  	_ =	shalt  }
0x79: {  	_ =	shalt  }
0x7a: {  	_ =	shalt  }
0x7b: {  	_ =	shalt  }
0x7c: {  	_ =	shalt  }
0x7d: {  	_ =	shalt  }
0x7e: {  	_ =	shalt  }
0x7f: {  	_ =	shalt  }
0x80: {  	_ =	shalt  }
0x81: {  	_ =	shalt  }
0x82: {  	_ =	shalt  }
0x83: {  	_ =	shalt  }
0x84: {  	_ =	shalt  }
0x85: {  	_ =	shalt  }
0x86: {  	_ =	shalt  }
0x87: {  	_ =	shalt  }
.Lfunc_end0:
.L_simem_size_0:
called_computation.3_lowered:
.L_overlay_start_0:
0x88: {  	s2 =	sld [smem:$0x3FD9]  }
0x89: {  	s3 =	sld [smem:$0x3FFE];
	_ =	sdelay $0x1  }
0x8a: {  	s1 =	srdreg.scid  }
0x8b: {  	s0 =	sand.u32 $0x1, s1  }
0x8c: {  	s16 =	sshll.u32 s0, $0xA;
	s2 =	sadd.s32 s3, s2  }
0x8d: {  	s2 =	sadd.s32 s2, s16  }
0x8e: {  	[smem:$0x3FB4] =	sst s2  }
0x8f: {  	_ = 	snop  }
0x90: {  	(tm) =	ssettm $0x1  }
0x91: {  	s17 =	sld [smem:$0x3FFB];
	_ =	sdelay $0x3  }
0x92: {  	_ =	strace s17  }
0x93: {  	s2 =	sld [smem:$0x3FFC];
	_ =	sdelay $0x3  }
0x94: {  	_ =	strace s2  }
0x95: {  	s2 =	sld [smem:$0x3FFD];
	_ =	sdelay $0x3  }
0x96: {  	_ =	strace s2  }
0x97: {  	_ =	strace $0x8FFFFFFF  }
0x98: {  	s18 =	sld [smem:$0x3FDB];
	_ =	sdelay $0x1  }
0x99: {  	s19 =	simm.s32 $_scs_section_size  }
0x9a: {  	s4 =	simm.s32 $_size__tile_overlayer_lowered;
	s5 =	simm.s32 $_tile_overlayer_lowered  }
0x9b: {  	s22 =	simm.s32 $0x1BFF;
	s21 =	sshll.u32 s5, $0x1;
	s2 =	sadd.s32 s19, s18  }
0x9c: {  	s6 =	simm.s32 $0x0;
	s20 =	sshll.u32 s4, $0x1;
	s4 =	sadd.s32 s21, s2  }
0x9d: {  	[timem:s6], [sflag:s22] =	dma.local [hbm:s4], s20  }
0x9e: {  	_ =	swait.ge [sflag:s22], s20  }
0x9f: {  	s3 =	ssub.s32 $0x0, s20;
	[sflag:s22] =	ssyncset.done $0x0  }
0xa0: {  	[sflag:s22] =	ssyncadd.s32 s3;
	_ =	sdelay $0x1  }
0xa1: {  	s23 =	simm.s32 $0x1B8B  }
0xa2: {  	_ =	swait.ge [sflag:s23], $0x1  }
0xa3: {  	[sflag:s23] =	ssyncset.done $0x0  }
0xa4: {  	s25 =	simm.s32 $0x1B8E;
	s24 =	sld [smem:$0x3FFE];
	[sflag:s23] =	ssyncadd.s32 $0xFFFFFFFF  }
0xa5: {  	s26 =	simm.s32 $execute0_lowered;
	[smem:$0x3FD2] =	sst s25  }
0xa6: {  	s4 =	sshll.u32 s26, $0x1;
	_ =	strace $0x8000004F;
	[dreg:$0x1] =	wrdreg $0xFFFFFFFF  }
0xa7: {  	s28 =	simm.s32 $_size_execute0_lowered;
	s2 =	sadd.s32 s2, s4;
	[dreg:$0x0] =	wrdreg $0x0  }
0xa8: {  	s4 =	sshll.u32 s28, $0x1;
	[dreg:$0x2] =	wrdreg s2  }
0xa9: {  	[dreg:$0x3] =	wrdreg s4  }
0xaa: {  	[dreg:$0x4] =	wrdreg $0xC0  }
0xab: {  	_ =	task [dreg:s6], $0x5FFFF  }
0xac: {  	[dreg:$0x1] =	wrdreg $0xFFFFFFFF  }
0xad: {  	[dreg:$0x0] =	wrdreg $0x60  }
0xae: {  	[dreg:$0x2] =	wrdreg s24  }
0xaf: {  	[dreg:$0x3] =	wrdreg $0x35200  }
0xb0: {  	[dreg:$0x4] =	wrdreg $0x9  }
0xb1: {  	_ =	task.clear_ibuf [dreg:s6], $0x5FFFF;
	_ =	strace $0x9000004F  }
0xb2: {  	s29 =	simm.s32 $0x9;
	_ =	strace $0x80000051  }
0xb3: {  	_ =	swait.ge [sflag:s29], $0x1  }
0xb4: {  	[sflag:s29] =	ssyncadd.s32 $0xFFFFFFFF  }
0xb5: {  	_ =	strace $0x90000051  }
0xb6: {  	_ =	sfence  }
0xb7: {  	s30 =	sld [smem:$0x0];
	_ =	sdelay $0x2  }
0xb8: {  	s31 =	sshll.u32 s1, $0xD;
	s1 =	sshrl.u32 s1, $0x2  }
0xb9: {  	s3 =	sand.u32 $0x4000, s31;
	s1 =	sadd.s32 s1, s30  }
0xba: {  	s0 =	sor.u32 s3, s0;
	s1 =	sshll.u32 s1, $0x11  }
0xbb: {  	s0 =	sor.u32 s1, s0  }
0xbc: {  	s0 =	sadd.s32 $0x8F2B, s0  }
0xbd: {  	[sflag:s0] =	ssyncadd.remote.s32 $0x1  }
0xbe: {  	_ =	sfence.sel $0xFFFF  }
0xbf: {  	[dreg:$0x0] =	wrdreg $0xFFFFFFFF;
	(pc) =	sbr.abs _section_cstart, $3  }
0xc0: {  	[dreg:$0x1] =	wrdreg $0xFFFFFFFF  }
0xc1: {  	_ =	task.clear_ibuf [dreg:s6], $0x2FFFF;
	_ =	strace $0x9FFFFFFF  }
0xc2: {  	(tm) =	ssettm $0x7FFFFFFF  }
0xc3: {  	_ =	shalt  }
tec
execute0_lowered:
.L_overlay_start_1:
0x0: {  	(tag) =	ssettag $0x1  }
0x1: {  	s6 =	rddreg [dreg:$0x0]  }
0x2: {  	s2 =	rddreg [dreg:$0x1]  }
0x3: {  	s0 =	rddreg [dreg:$0x2]  }
0x4: {  	s1 =	stileid.u32;
	s5 =	srdreg.scid;
	s3 =	simm.s32 $0x0  }
0x5: {  	s12 =	simm.s32 $0x2;
	s13 =	simm.s32 $0x190;
	s4 =	smul.u32 $0x186A, s1  }
0x6: {  	s15 =	simm.s32 $0x1;
	s16 =	simm.s32 $0x0;
	s7 =	smul.u32 $0xC40, s1  }
0x7: {  	s5 =	sand.u32 $0x1, s5;
	[smem:$0x7FF] =	sst s3;
	s9 =	smul.u32 $0x62000, s1  }
0x8: {  	s31 =	sshll.u32 s1, $0x6;
	s14 =	smul.u32 $0xC400, s5;
	_ =	strace $0x80000050  }
0x9: {  	s8 =	ssub.s32 $0x2, s5;
	s5 =	sadd.s32 $0x93E00, s6;
	s10 =	sadd.s32 s4, s6  }
0xa: {  	s4 =	sadd.s32 $0x97000, s6;
	s29 =	sshrl.u32 s8, $0x1;
	s30 =	sshrl.u32 s9, $0x2  }
0xb: {  	s7 =	sadd.s32 s7, s14;
	s8 =	ssub.s32 s8, s29;
	s11 =	sadd.s32 s30, s2  }
0xc: {  	s9 =	sadd.s32 $0x62E00, s10;
	s10 =	sadd.s32 $0x7B600, s10;
	s7 =	sshll.u32 s7, $0x2  }
0xd: {  	v0 =	vmov s14;
	s14 =	simm.s32 $0x320;
	s8 =	smax.u32 s8, $0x1;
	s7 =	sadd.s32 s7, s6  }
0xe: {  	s11 =	sshrl.u32 s11, $0x3;
	s6 =	sor.u32 $0x1C02, s31;
	s7 =	sadd.s32 $0xF9000, s7  }
.LBB2_1:
0xf: {  	[spmem:s11], [sflag:s6] =	dma.local [hbm:s5], $0x3100  }
0x10: {  	_ =	swait.ge [sflag:s12], $0x3100  }
0x11: {  	[sflag:s12] =	ssyncset.done $0x0  }
0x12: {  	[sflag:s12] =	ssyncadd.s32 $0xFFFFCF00  }
0x13: {  	s17 =	sadd.s32 $0x0, s10;
	[bflag:$0x0] =	sbarrier.arrive $0xFFFF  }
0x14: {  	[tilespmem:s3], [sflag:$0x2] =	stream.linear.gather [hbm4b:s17+s3], $0x190, $0x38;
	[tilespmem:$0x1BD20] =	vst v63  }
0x15: {  	_ =	swait.ge [sflag:s12], $0x190  }
0x16: {  	[sflag:s12] =	ssyncset.done $0x0  }
0x17: {  	s31 =	sadd.s32 $0x0, s9;
	[sflag:s12] =	ssyncadd.s32 $0xFFFFFE70  }
0x18: {  	[tilespmem:s13], [sflag:$0x2] =	stream.linear.gather [hbm4b:s31+s3], $0x190, $0x38;
	[tilespmem:$0x1BD20] =	vst v63  }
0x19: {  	_ =	swait.ge [sflag:s12], $0x190  }
0x1a: {  	[sflag:s12] =	ssyncset.done $0x0  }
0x1b: {  	[sflag:s12] =	ssyncadd.s32 $0xFFFFFE70  }
0x1c: {  	v1 =	vld [tilespmem:$0x10]  }
0x1d: {  	v2 =	vld [tilespmem:$0xA0]  }
0x1e: {  	v4 =	vld [tilespmem:$0x50]  }
0x1f: {  	v3 =	vld [tilespmem:$0xB0]  }
0x20: {  	v5 =	vld [tilespmem:$0xC0]  }
0x21: {  	v6 =	vld [tilespmem:$0x0]  }
0x22: {  	v7 =	vld [tilespmem:$0x40];
	v1 =	vadd.s32 v0, v1  }
0x23: {  	v4 =	vadd.s32 v0, v4;
	[tilespmem:$0x10] =	vst v1;
	v1 =	vadd.s32 v0, v2;
	v2 =	vld [tilespmem:$0xD0]  }
0x24: {  	v53 =	vld [tilespmem:$0x100];
	[tilespmem:$0x50] =	vst v4  }
0x25: {  	[tilespmem:$0xA0] =	vst v1;
	v1 =	vadd.s32 v0, v3;
	v3 =	vld [tilespmem:$0x180]  }
0x26: {  	v5 =	vadd.s32 v0, v5;
	[tilespmem:$0xB0] =	vst v1;
	v1 =	vld [tilespmem:$0x90]  }
0x27: {  	v54 =	vld [tilespmem:$0x110];
	v52 =	vadd.s32 v0, v6;
	[tilespmem:$0xC0] =	vst v5  }
0x28: {  	v56 =	vld [tilespmem:$0x130];
	[tilespmem:$0x0] =	vst v52;
	v2 =	vadd.s32 v0, v2  }
0x29: {  	v55 =	vadd.s32 v0, v7;
	[tilespmem:$0xD0] =	vst v2;
	v2 =	vld [tilespmem:$0x120]  }
0x2a: {  	v57 =	vld [tilespmem:$0x140];
	[tilespmem:$0x40] =	vst v55;
	v3 =	vadd.s32 v0, v3  }
0x2b: {  	v1 =	vadd.s32 v0, v1;
	[tilespmem:$0x180] =	vst v3;
	v3 =	vld [tilespmem:$0x60]  }
0x2c: {  	v58 =	vld [tilespmem:$0x70];
	[tilespmem:$0x90] =	vst v1;
	v1 =	vadd.s32 v0, v53  }
0x2d: {  	v59 =	vld [tilespmem:$0x80];
	[tilespmem:$0x100] =	vst v1;
	v1 =	vadd.s32 v0, v54  }
0x2e: {  	v60 =	vld [tilespmem:$0x20];
	[tilespmem:$0x110] =	vst v1;
	v1 =	vadd.s32 v0, v2  }
0x2f: {  	v2 =	vld [tilespmem:$0xE0];
	[tilespmem:$0x120] =	vst v1;
	v1 =	vadd.s32 v0, v56  }
0x30: {  	v3 =	vadd.s32 v0, v3;
	[tilespmem:$0x130] =	vst v1  }
0x31: {  	v61 =	vld [tilespmem:$0xF0];
	v1 =	vadd.s32 v0, v57;
	[tilespmem:$0x60] =	vst v3  }
0x32: {  	v3 =	vld [tilespmem:$0x150];
	[tilespmem:$0x140] =	vst v1;
	v1 =	vadd.s32 v0, v58  }
0x33: {  	v62 =	vld [tilespmem:$0x30];
	[tilespmem:$0x70] =	vst v1;
	v1 =	vadd.s32 v0, v59  }
0x34: {  	v6 =	vadd.s32 v0, v60;
	[tilespmem:$0x80] =	vst v1;
	v1 =	vadd.s32 v0, v2;
	v2 =	vld [tilespmem:$0x170]  }
0x35: {  	v63 =	vld [tilespmem:$0x160];
	[tilespmem:$0x20] =	vst v6  }
0x36: {  	[tilespmem:$0xE0] =	vst v1;
	v1 =	vadd.s32 v0, v61  }
0x37: {  	[tilespmem:$0xF0] =	vst v1;
	v1 =	vadd.s32 v0, v3  }
0x38: {  	v3 =	vadd.s32 v0, v62;
	[tilespmem:$0x150] =	vst v1  }
0x39: {  	[tilespmem:$0x30] =	vst v3;
	v2 =	vadd.s32 v0, v2  }
0x3a: {  	s18 =	simm.s32 $0x64;
	s17 =	simm.s32 $0x32;
	v1 =	vadd.s32 v0, v63;
	[tilespmem:$0x170] =	vst v2  }
.LBB2_2:
0x3b: {  	p0 =	sne.s32 s18, $0x1838;
	[tilespmem:$0x160] =	vst v1;
	s19 =	smov.u32 s18;
	s18 =	sadd.s32 $0x32, s18  }
0x3c: {  	[tilespmem:s14], [sflag:$0x1] =	stream.indirect.gather [hbm4b:s4+s13], $0x20, s3, s13, $0xb8;
	[tilespmem:$0x1BD20] =	vst v63  }
0x3d: {  	_ =	swait.ge [sflag:s15], $0x3200  }
0x3e: {  	[sflag:s15] =	ssyncset.done $0x0  }
0x3f: {  	[sflag:s15] =	ssyncadd.s32 $0xFFFFCE00  }
0x40: {  	[spmem:s2] =	stream.indirect.scatter.add.f32 [tilespmem:s14], [sflag:$0x2], $0x20, s13, s13, $0xb8;
	[tilespmem:$0x1BD20] =	vst v63  }
0x41: {  	_ =	swait.ge [sflag:s12], $0x3200  }
0x42: {  	[sflag:s12] =	ssyncset.done $0x0  }
0x43: {  	s20 =	sadd.s32 s17, s10;
	[sflag:s12] =	ssyncadd.s32 $0xFFFFCE00  }
0x44: {  	[tilespmem:s3], [sflag:$0x2] =	stream.linear.gather [hbm4b:s20+s3], $0x190, $0x38;
	[tilespmem:$0x1BD20] =	vst v63  }
0x45: {  	_ =	swait.ge [sflag:s12], $0x190  }
0x46: {  	[sflag:s12] =	ssyncset.done $0x0  }
0x47: {  	s20 =	sadd.s32 s17, s9;
	s17 =	smov.u32 s19;
	[sflag:s12] =	ssyncadd.s32 $0xFFFFFE70  }
0x48: {  	[tilespmem:s13], [sflag:$0x2] =	stream.linear.gather [hbm4b:s20+s3], $0x190, $0x38;
	[tilespmem:$0x1BD20] =	vst v63  }
0x49: {  	_ =	swait.ge [sflag:s12], $0x190  }
0x4a: {  	[sflag:s12] =	ssyncset.done $0x0  }
0x4b: {  	[sflag:s12] =	ssyncadd.s32 $0xFFFFFE70  }
0x4c: {  	v1 =	vld [tilespmem:$0xA0]  }
0x4d: {  	v2 =	vld [tilespmem:$0x10]  }
0x4e: {  	v3 =	vld [tilespmem:$0x50]  }
0x4f: {  	v4 =	vld [tilespmem:$0xB0]  }
0x50: {  	v5 =	vld [tilespmem:$0xC0]  }
0x51: {  	v6 =	vld [tilespmem:$0x180]  }
0x52: {  	v7 =	vld [tilespmem:$0x0];
	v2 =	vadd.s32 v0, v2  }
0x53: {  	v1 =	vadd.s32 v0, v1;
	[tilespmem:$0x10] =	vst v2;
	v2 =	vadd.s32 v0, v3;
	v3 =	vld [tilespmem:$0xD0]  }
0x54: {  	v8 =	vld [tilespmem:$0x40];
	[tilespmem:$0xA0] =	vst v1;
	v1 =	vadd.s32 v0, v4  }
0x55: {  	v4 =	vld [tilespmem:$0x90];
	[tilespmem:$0xB0] =	vst v1;
	v1 =	vadd.s32 v0, v5  }
0x56: {  	[tilespmem:$0x50] =	vst v2;
	v2 =	vld [tilespmem:$0xF0];
	v5 =	vadd.s32 v0, v6  }
0x57: {  	v6 =	vadd.s32 v0, v7;
	[tilespmem:$0xC0] =	vst v1;
	v1 =	vld [tilespmem:$0x100]  }
0x58: {  	[tilespmem:$0x0] =	vst v6;
	v3 =	vadd.s32 v0, v3;
	v6 =	vld [tilespmem:$0x110]  }
0x59: {  	v7 =	vadd.s32 v0, v8;
	[tilespmem:$0xD0] =	vst v3;
	v3 =	vld [tilespmem:$0x120]  }
0x5a: {  	[tilespmem:$0x40] =	vst v7;
	v4 =	vadd.s32 v0, v4;
	v7 =	vld [tilespmem:$0x130]  }
0x5b: {  	v2 =	vadd.s32 v0, v2;
	v8 =	vld [tilespmem:$0x140];
	[tilespmem:$0x180] =	vst v5  }
0x5c: {  	v5 =	vld [tilespmem:$0x60];
	[tilespmem:$0x90] =	vst v4;
	v1 =	vadd.s32 v0, v1  }
0x5d: {  	v4 =	vld [tilespmem:$0x70];
	[tilespmem:$0x100] =	vst v1;
	v1 =	vadd.s32 v0, v6  }
0x5e: {  	v6 =	vld [tilespmem:$0x80];
	[tilespmem:$0x110] =	vst v1;
	v1 =	vadd.s32 v0, v3  }
0x5f: {  	v3 =	vld [tilespmem:$0xE0];
	[tilespmem:$0x120] =	vst v1;
	v1 =	vadd.s32 v0, v7  }
0x60: {  	v7 =	vld [tilespmem:$0x20];
	[tilespmem:$0x130] =	vst v1;
	v1 =	vadd.s32 v0, v8  }
0x61: {  	v5 =	vadd.s32 v0, v5;
	[tilespmem:$0x140] =	vst v1;
	v1 =	vld [tilespmem:$0x160]  }
0x62: {  	[tilespmem:$0x60] =	vst v5;
	v4 =	vadd.s32 v0, v4;
	v5 =	vld [tilespmem:$0x150]  }
0x63: {  	v8 =	vld [tilespmem:$0x30];
	[tilespmem:$0x70] =	vst v4;
	v4 =	vadd.s32 v0, v6  }
0x64: {  	[tilespmem:$0x80] =	vst v4;
	v3 =	vadd.s32 v0, v3;
	v4 =	vld [tilespmem:$0x170]  }
0x65: {  	v6 =	vadd.s32 v0, v7;
	[tilespmem:$0xE0] =	vst v3  }
.Ltmp0:
0x66: {  	[tilespmem:$0x20] =	vst v6;
	v1 =	vadd.s32 v0, v1;
	(pc) =	sbr.rel @p0 .LBB2_2-.Ltmp0, $4  }
0x67: {  	[tilespmem:$0xF0] =	vst v2;
	v2 =	vadd.s32 v0, v5  }
0x68: {  	v3 =	vadd.s32 v0, v8;
	[tilespmem:$0x150] =	vst v2  }
0x69: {  	[tilespmem:$0x30] =	vst v3;
	v2 =	vadd.s32 v0, v4  }
0x6a: {  	[tilespmem:$0x170] =	vst v2  }
0x6b: {  	[tilespmem:$0x160] =	vst v1  }
0x6c: {  	[tilespmem:s14], [sflag:$0x1] =	stream.indirect.gather [hbm4b:s4+s13], $0x20, s3, s13, $0xb8;
	[tilespmem:$0x1BD20] =	vst v63  }
0x6d: {  	_ =	swait.ge [sflag:s15], $0x3200  }
0x6e: {  	[sflag:s15] =	ssyncset.done $0x0  }
0x6f: {  	[sflag:s15] =	ssyncadd.s32 $0xFFFFCE00  }
0x70: {  	[spmem:s2] =	stream.indirect.scatter.add.f32 [tilespmem:s14], [sflag:$0x2], $0x20, s13, s13, $0xb8;
	[tilespmem:$0x1BD20] =	vst v63  }
0x71: {  	_ =	swait.ge [sflag:s12], $0x3200  }
0x72: {  	[sflag:s12] =	ssyncset.done $0x0  }
0x73: {  	s18 =	sadd.s32 s17, s10;
	[sflag:s12] =	ssyncadd.s32 $0xFFFFCE00  }
0x74: {  	[tilespmem:s3], [sflag:$0x2] =	stream.linear.gather [hbm4b:s18+s3], $0x190, $0x38;
	[tilespmem:$0x1BD20] =	vst v63  }
0x75: {  	_ =	swait.ge [sflag:s12], $0x190  }
0x76: {  	[sflag:s12] =	ssyncset.done $0x0  }
0x77: {  	s31 =	sadd.s32 s17, s9;
	[sflag:s12] =	ssyncadd.s32 $0xFFFFFE70  }
0x78: {  	[tilespmem:s13], [sflag:$0x2] =	stream.linear.gather [hbm4b:s31+s3], $0x190, $0x38;
	[tilespmem:$0x1BD20] =	vst v63  }
0x79: {  	_ =	swait.ge [sflag:s12], $0x190  }
0x7a: {  	[sflag:s12] =	ssyncset.done $0x0  }
0x7b: {  	[sflag:s12] =	ssyncadd.s32 $0xFFFFFE70  }
0x7c: {  	v1 =	vld [tilespmem:$0x10]  }
0x7d: {  	v2 =	vld [tilespmem:$0xA0]  }
0x7e: {  	v4 =	vld [tilespmem:$0x50]  }
0x7f: {  	v3 =	vld [tilespmem:$0xB0]  }
0x80: {  	v5 =	vld [tilespmem:$0xC0]  }
0x81: {  	v6 =	vld [tilespmem:$0x0]  }
0x82: {  	v7 =	vld [tilespmem:$0x40];
	v1 =	vadd.s32 v0, v1  }
0x83: {  	v4 =	vadd.s32 v0, v4;
	[tilespmem:$0x10] =	vst v1;
	v1 =	vadd.s32 v0, v2;
	v2 =	vld [tilespmem:$0xD0]  }
0x84: {  	v53 =	vld [tilespmem:$0x100];
	[tilespmem:$0x50] =	vst v4  }
0x85: {  	[tilespmem:$0xA0] =	vst v1;
	v1 =	vadd.s32 v0, v3;
	v3 =	vld [tilespmem:$0x180]  }
0x86: {  	v5 =	vadd.s32 v0, v5;
	[tilespmem:$0xB0] =	vst v1;
	v1 =	vld [tilespmem:$0x90]  }
0x87: {  	v54 =	vld [tilespmem:$0x110];
	v52 =	vadd.s32 v0, v6;
	[tilespmem:$0xC0] =	vst v5  }
0x88: {  	v56 =	vld [tilespmem:$0x130];
	[tilespmem:$0x0] =	vst v52;
	v2 =	vadd.s32 v0, v2  }
0x89: {  	v55 =	vadd.s32 v0, v7;
	[tilespmem:$0xD0] =	vst v2;
	v2 =	vld [tilespmem:$0x120]  }
0x8a: {  	v57 =	vld [tilespmem:$0x140];
	[tilespmem:$0x40] =	vst v55;
	v3 =	vadd.s32 v0, v3  }
0x8b: {  	v1 =	vadd.s32 v0, v1;
	[tilespmem:$0x180] =	vst v3;
	v3 =	vld [tilespmem:$0x60]  }
0x8c: {  	v58 =	vld [tilespmem:$0x70];
	[tilespmem:$0x90] =	vst v1;
	v1 =	vadd.s32 v0, v53  }
0x8d: {  	v59 =	vld [tilespmem:$0x80];
	[tilespmem:$0x100] =	vst v1;
	v1 =	vadd.s32 v0, v54  }
0x8e: {  	v60 =	vld [tilespmem:$0x20];
	[tilespmem:$0x110] =	vst v1;
	v1 =	vadd.s32 v0, v2  }
0x8f: {  	v2 =	vld [tilespmem:$0xE0];
	[tilespmem:$0x120] =	vst v1;
	v1 =	vadd.s32 v0, v56  }
0x90: {  	v3 =	vadd.s32 v0, v3;
	[tilespmem:$0x130] =	vst v1  }
0x91: {  	v61 =	vld [tilespmem:$0xF0];
	v1 =	vadd.s32 v0, v57;
	[tilespmem:$0x60] =	vst v3  }
0x92: {  	v3 =	vld [tilespmem:$0x150];
	[tilespmem:$0x140] =	vst v1;
	v1 =	vadd.s32 v0, v58  }
0x93: {  	v62 =	vld [tilespmem:$0x30];
	[tilespmem:$0x70] =	vst v1;
	v1 =	vadd.s32 v0, v59  }
0x94: {  	v6 =	vadd.s32 v0, v60;
	[tilespmem:$0x80] =	vst v1;
	v1 =	vadd.s32 v0, v2;
	v2 =	vld [tilespmem:$0x170]  }
0x95: {  	v63 =	vld [tilespmem:$0x160];
	[tilespmem:$0x20] =	vst v6  }
0x96: {  	[tilespmem:$0xE0] =	vst v1;
	v1 =	vadd.s32 v0, v61  }
0x97: {  	[tilespmem:$0xF0] =	vst v1;
	v1 =	vadd.s32 v0, v3  }
0x98: {  	v3 =	vadd.s32 v0, v62;
	[tilespmem:$0x150] =	vst v1  }
0x99: {  	[tilespmem:$0x30] =	vst v3;
	v1 =	vadd.s32 v0, v2  }
0x9a: {  	v2 =	vadd.s32 v0, v63;
	[tilespmem:$0x170] =	vst v1  }
0x9b: {  	[tilespmem:$0x160] =	vst v2  }
0x9c: {  	[tilespmem:s14], [sflag:$0x1] =	stream.indirect.gather [hbm4b:s4+s13], $0x20, s3, s13, $0xb8;
	[tilespmem:$0x1BD20] =	vst v63  }
0x9d: {  	_ =	swait.ge [sflag:s15], $0x3200  }
0x9e: {  	[sflag:s15] =	ssyncset.done $0x0  }
0x9f: {  	[sflag:s15] =	ssyncadd.s32 $0xFFFFCE00  }
0xa0: {  	[spmem:s2] =	stream.indirect.scatter.add.f32 [tilespmem:s14], [sflag:$0x2], $0x20, s13, s13, $0xb8;
	[tilespmem:$0x1BD20] =	vst v63  }
0xa1: {  	_ =	swait.ge [sflag:s12], $0x3200  }
0xa2: {  	s16 =	sadd.s32 $0x1, s16;
	[sflag:s12] =	ssyncset.done $0x0  }
0xa3: {  	p0 =	sne.s32 s16, s8;
	[sflag:s12] =	ssyncadd.s32 $0xFFFFCE00  }
.Ltmp1:
0xa4: {  	[bflag:$0x0] =	sbarrier.arrive $0xFFFF;
	(pc) =	sbr.rel @p0 .LBB2_1-.Ltmp1, $4  }
0xa5: {  	[hbm:s7], [sflag:s6] =	dma.local [spmem:s11], $0x3100  }
0xa6: {  	_ =	swait.ge [sflag:s12], $0x3100  }
0xa7: {  	[sflag:s12] =	ssyncset.done $0x0  }
0xa8: {  	[sflag:s12] =	ssyncadd.s32 $0xFFFFCF00  }
0xa9: {  	_ =	sfence.sel $0x180000  }
0xaa: {  	[bflag:$0x0] =	sbarrier.arrive $0xFFFF  }
0xab: {  	p0 =	sne.s32 s1, $0x0;
	_ =	strace $0x90000050  }
0xac: {  	s0 =	sadd.s32 @!p0 $0x100000, s0;
	[bflag:$0x2] =	sbarrier.arrive $0xFFFF  }
0xad: {  	[sflag:s0] =	ssyncadd.tile.s32 @!p0 $0x1;
	_ =	shalt  }
.Lfunc_end2:
_tile_overlayer_lowered:
.L_overlay_start_2:
0xae: {  	(tag) =	ssettag $0x2  }
0xaf: {  	s0 =	rddreg [dreg:$0x0];
	s2 =	stileid.u32  }
0xb0: {  	s1 =	rddreg [dreg:$0x1];
	p0 =	sne.s32 s2, $0x0  }
0xb1: {  	s3 =	rddreg [dreg:$0x2];
	[bflag:$0x3] =	sbarrier.arrive $0xFFFF;
	s2 =	simm.s32 @!p0 $0x1C02  }
0xb2: {  	[timem:s3], [sflag:s2] =	dma.local @!p0 [hbm:s0], s1  }
0xb3: {  	s0 =	simm.s32 @!p0 $0x2  }
0xb4: {  	_ =	swait.ge @!p0 [sflag:s0], s1  }
0xb5: {  	s1 =	ssub.s32 @!p0 $0x0, s1;
	[sflag:s0] =	ssyncset.done @!p0 $0x0  }
0xb6: {  	[sflag:s0] =	ssyncadd.s32 @!p0 s1  }
0xb7: {  	[bflag:$0x3] =	sbarrier.arrive $0xFFFF  }
0xb8: {  	_ =	shalt  }

// kernel: kernel.26.cloned.1.call-start
scs
__scs_entry_jumppad:
0x0: {  	(pc) =	sbr.rel $0x88, $3  }
0x1: {  	(tag) =	ssettag $0x0;
	lr =	simm.s32 $0x1  }
0x2: {  	[smem:$0x3F8D] =	sst lr;
	_ =	strace $0xD0000000  }
0x3: {  	_ = 	snop  }
0x4: {  	_ = 	snop  }
0x5: {  	_ = 	snop  }
0x6: {  	_ = 	snop  }
0x7: {  	_ = 	snop  }
__scs_overlays_trampoline_lowered:
0x8: {  	[smem:$0x3F9C] =	sst s0  }
0x9: {  	[smem:$0x3F9D] =	sst s1  }
0xa: {  	[smem:$0x3F9E] =	sst s2  }
0xb: {  	[smem:$0x3F9F] =	sst s3  }
0xc: {  	[smem:$0x3FA0] =	sst s4  }
0xd: {  	[smem:$0x3FA1] =	sst s5  }
0xe: {  	[smem:$0x3FA2] =	sst s6  }
0xf: {  	[smem:$0x3FA3] =	sst s7  }
0x10: {  	[smem:$0x3FA4] =	sst s8  }
0x11: {  	[smem:$0x3FA5] =	sst s9;
	s0 =	simm.s32 @!p0 $0x0  }
0x12: {  	s1 =	sld [smem:$0x3F8B];
	s0 =	simm.s32 @p0 $0x1  }
0x13: {  	[smem:$0x3FA6] =	sst s0;
	s0 =	simm.s32 @!p1 $0x0  }
0x14: {  	s2 =	sld [smem:$0x3F8A];
	s0 =	simm.s32 @p1 $0x1  }
0x15: {  	[smem:$0x3FA7] =	sst s0;
	s0 =	simm.s32 @!p2 $0x0  }
0x16: {  	s3 =	sld [smem:$0x3FDB];
	s0 =	simm.s32 @p2 $0x1  }
0x17: {  	s4 =	simm.s32 $0x1BF5;
	[smem:$0x3FA9] =	sst s0  }
0x18: {  	s0 =	sld [smem:$0x3F8C];
	_ =	swait.ge [sflag:s4], $0x0  }
0x19: {  	s7 =	sld [smem:$0x3F8D]  }
0x1a: {  	s8 =	sadd.s32 $0xFFFFE003, lr  }
0x1b: {  	s9 =	sadd.s32 $0xFFFFFEF7, lr;
	s5 =	simm.s32 $0xFFFFFFFF;
	p2 =	slt.u32 s8, $0xFFFFF086  }
0x1c: {  	p1 =	slt.u32 s9, $0xF7A;
	s5 =	simm.s32 @!p2 $0x0  }
0x1d: {  	s5 =	simm.s32 @p1 $0x1;
	p0 =	seq.s32 s7, s2  }
0x1e: {  	s7 =	smul.u32 @!p0 $0xF7A, s2;
	p2 =	seq.s32 @!p0 s5, $0x0  }
0x1f: {  	s9 =	smul.u32 $0xF7A, s1;
	s8 =	simm.s32 @!p0 $0x1BF5;
	p2 =	por !p2, p0  }
0x20: {  	[sflag:s8] =	ssyncset.s32 @!p0 $0xFFFFF086;
	s6 =	sadd.s32 @!p0 s3, s7;
	s7 =	simm.s32 @!p0 $0x108  }
0x21: {  	s3 =	sadd.s32 s3, s9;
	s6 =	sadd.s32 @!p0 $0x88, s6;
	s7 =	simm.s32 @p2 $0x1082  }
0x22: {  	[simem:s7], [sflag:s8] =	dma.local @!p0 [hbm:s6], $0xF7A  }
0x23: {  	s9 =	sor.u32 $0xD0000000, s2;
	s6 =	simm.s32 $0x108;
	_ =	swait.ge @!p0 [sflag:s8], $0x0  }
0x24: {  	s3 =	sadd.s32 $0x88, s3;
	s6 =	simm.s32 @!p1 $0x1082;
	[sflag:s4] =	ssyncset.s32 $0xFFFFF086  }
0x25: {  	[simem:s6], [sflag:s4] =	dma.local [hbm:s3], $0xF7A  }
0x26: {  	[smem:$0x3F8D] =	sst s1;
	(tag) =	ssettag s2;
	_ =	strace s9  }
0x27: {  	s1 =	sld [smem:$0x3F9D]  }
0x28: {  	s2 =	sld [smem:$0x3F9E]  }
0x29: {  	s4 =	sld [smem:$0x3FA0]  }
0x2a: {  	p0 =	seq.s32 s5, $0x0;
	s5 =	sld [smem:$0x3FA1]  }
0x2b: {  	s6 =	sld [smem:$0x3FA2]  }
0x2c: {  	s7 =	sld [smem:$0x3FA3]  }
0x2d: {  	s3 =	simm.s32 $0x108;
	s8 =	sld [smem:$0x3FA4]  }
0x2e: {  	s3 =	simm.s32 @!p0 $0x1082;
	s9 =	sld [smem:$0x3FA5]  }
0x2f: {  	lr =	sadd.s32 s0, s3;
	s0 =	sld [smem:$0x3F9C]  }
0x30: {  	s3 =	sld [smem:$0x3F9F]  }
0x31: {  	[smem:$0x3FA8] =	sst s10  }
0x32: {  	s10 =	sld [smem:$0x3FA6];
	_ =	sdelay $0x3  }
0x33: {  	p0 =	seq.s32 s10, $0x1;
	s10 =	sld [smem:$0x3FA8];
	_ =	sdelay $0x3  }
0x34: {  	[smem:$0x3FA8] =	sst s10  }
0x35: {  	s10 =	sld [smem:$0x3FA7];
	_ =	sdelay $0x3  }
0x36: {  	p1 =	seq.s32 s10, $0x1;
	s10 =	sld [smem:$0x3FA8];
	_ =	sdelay $0x3  }
0x37: {  	[smem:$0x3FA8] =	sst s10  }
0x38: {  	s10 =	sld [smem:$0x3FA9]  }
0x39: {  	_ = 	snop;
	(pc) =	sbr.ind lr, $3  }
0x3a: {  	_ = 	snop  }
0x3b: {  	_ = 	snop  }
0x3c: {  	p2 =	seq.s32 s10, $0x1;
	s10 =	sld [smem:$0x3FA8]  }
0x3d: {  	_ =	shalt  }
0x3e: {  	_ =	shalt  }
0x3f: {  	_ =	shalt  }
0x40: {  	_ =	shalt  }
0x41: {  	_ =	shalt  }
0x42: {  	_ =	shalt  }
0x43: {  	_ =	shalt  }
0x44: {  	_ =	shalt  }
0x45: {  	_ =	shalt  }
0x46: {  	_ =	shalt  }
0x47: {  	_ =	shalt  }
0x48: {  	_ =	shalt  }
0x49: {  	_ =	shalt  }
0x4a: {  	_ =	shalt  }
0x4b: {  	_ =	shalt  }
0x4c: {  	_ =	shalt  }
0x4d: {  	_ =	shalt  }
0x4e: {  	_ =	shalt  }
0x4f: {  	_ =	shalt  }
0x50: {  	_ =	shalt  }
0x51: {  	_ =	shalt  }
0x52: {  	_ =	shalt  }
0x53: {  	_ =	shalt  }
0x54: {  	_ =	shalt  }
0x55: {  	_ =	shalt  }
0x56: {  	_ =	shalt  }
0x57: {  	_ =	shalt  }
0x58: {  	_ =	shalt  }
0x59: {  	_ =	shalt  }
0x5a: {  	_ =	shalt  }
0x5b: {  	_ =	shalt  }
0x5c: {  	_ =	shalt  }
0x5d: {  	_ =	shalt  }
0x5e: {  	_ =	shalt  }
0x5f: {  	_ =	shalt  }
0x60: {  	_ =	shalt  }
0x61: {  	_ =	shalt  }
0x62: {  	_ =	shalt  }
0x63: {  	_ =	shalt  }
0x64: {  	_ =	shalt  }
0x65: {  	_ =	shalt  }
0x66: {  	_ =	shalt  }
0x67: {  	_ =	shalt  }
0x68: {  	_ =	shalt  }
0x69: {  	_ =	shalt  }
0x6a: {  	_ =	shalt  }
0x6b: {  	_ =	shalt  }
0x6c: {  	_ =	shalt  }
0x6d: {  	_ =	shalt  }
0x6e: {  	_ =	shalt  }
0x6f: {  	_ =	shalt  }
0x70: {  	_ =	shalt  }
0x71: {  	_ =	shalt  }
0x72: {  	_ =	shalt  }
0x73: {  	_ =	shalt  }
0x74: {  	_ =	shalt  }
0x75: {  	_ =	shalt  }
0x76: {  	_ =	shalt  }
0x77: {  	_ =	shalt  }
0x78: {  	_ =	shalt  }
0x79: {  	_ =	shalt  }
0x7a: {  	_ =	shalt  }
0x7b: {  	_ =	shalt  }
0x7c: {  	_ =	shalt  }
0x7d: {  	_ =	shalt  }
0x7e: {  	_ =	shalt  }
0x7f: {  	_ =	shalt  }
0x80: {  	_ =	shalt  }
0x81: {  	_ =	shalt  }
0x82: {  	_ =	shalt  }
0x83: {  	_ =	shalt  }
0x84: {  	_ =	shalt  }
0x85: {  	_ =	shalt  }
0x86: {  	_ =	shalt  }
0x87: {  	_ =	shalt  }
.Lfunc_end0:
.L_simem_size_0:
called_computation.4_lowered:
.L_overlay_start_0:
0x88: {  	s2 =	sld [smem:$0x3FD9]  }
0x89: {  	s3 =	sld [smem:$0x3FFE];
	_ =	sdelay $0x1  }
0x8a: {  	s1 =	srdreg.scid  }
0x8b: {  	s0 =	sand.u32 $0x1, s1  }
0x8c: {  	s16 =	sshll.u32 s0, $0xA;
	s2 =	sadd.s32 s3, s2  }
0x8d: {  	s2 =	sadd.s32 s2, s16  }
0x8e: {  	[smem:$0x3FB4] =	sst s2  }
0x8f: {  	_ = 	snop  }
0x90: {  	(tm) =	ssettm $0x1  }
0x91: {  	s17 =	sld [smem:$0x3FFB];
	_ =	sdelay $0x3  }
0x92: {  	_ =	strace s17  }
0x93: {  	s2 =	sld [smem:$0x3FFC];
	_ =	sdelay $0x3  }
0x94: {  	_ =	strace s2  }
0x95: {  	s2 =	sld [smem:$0x3FFD];
	_ =	sdelay $0x3  }
0x96: {  	_ =	strace s2  }
0x97: {  	_ =	strace $0x8FFFFFFF  }
0x98: {  	s18 =	sld [smem:$0x3FDB];
	_ =	sdelay $0x1  }
0x99: {  	s19 =	simm.s32 $_scs_section_size  }
0x9a: {  	s4 =	simm.s32 $_size__tile_overlayer_lowered;
	s5 =	simm.s32 $_tile_overlayer_lowered  }
0x9b: {  	s22 =	simm.s32 $0x1BFF;
	s21 =	sshll.u32 s5, $0x1;
	s2 =	sadd.s32 s19, s18  }
0x9c: {  	s6 =	simm.s32 $0x0;
	s20 =	sshll.u32 s4, $0x1;
	s4 =	sadd.s32 s21, s2  }
0x9d: {  	[timem:s6], [sflag:s22] =	dma.local [hbm:s4], s20  }
0x9e: {  	_ =	swait.ge [sflag:s22], s20  }
0x9f: {  	s3 =	ssub.s32 $0x0, s20;
	[sflag:s22] =	ssyncset.done $0x0  }
0xa0: {  	[sflag:s22] =	ssyncadd.s32 s3;
	_ =	sdelay $0x1  }
0xa1: {  	s23 =	simm.s32 $0x1B8B  }
0xa2: {  	_ =	swait.ge [sflag:s23], $0x1  }
0xa3: {  	[sflag:s23] =	ssyncset.done $0x0  }
0xa4: {  	s25 =	simm.s32 $0x1B8E;
	s24 =	sld [smem:$0x3FFE];
	[sflag:s23] =	ssyncadd.s32 $0xFFFFFFFF  }
0xa5: {  	s26 =	simm.s32 $execute0_lowered;
	[smem:$0x3FD2] =	sst s25  }
0xa6: {  	s4 =	sshll.u32 s26, $0x1;
	_ =	strace $0x80000052;
	[dreg:$0x1] =	wrdreg $0xFFFFFFFF  }
0xa7: {  	s28 =	simm.s32 $_size_execute0_lowered;
	s2 =	sadd.s32 s2, s4;
	[dreg:$0x0] =	wrdreg $0x0  }
0xa8: {  	s4 =	sshll.u32 s28, $0x1;
	[dreg:$0x2] =	wrdreg s2  }
0xa9: {  	[dreg:$0x3] =	wrdreg s4  }
0xaa: {  	[dreg:$0x4] =	wrdreg $0xC0  }
0xab: {  	_ =	task [dreg:s6], $0x5FFFF  }
0xac: {  	[dreg:$0x1] =	wrdreg $0xFFFFFFFF  }
0xad: {  	[dreg:$0x0] =	wrdreg $0x60  }
0xae: {  	[dreg:$0x2] =	wrdreg s24  }
0xaf: {  	[dreg:$0x3] =	wrdreg $0x9  }
0xb0: {  	_ =	task.clear_ibuf [dreg:s6], $0x4FFFF;
	_ =	strace $0x90000052  }
0xb1: {  	s29 =	simm.s32 $0x9;
	_ =	strace $0x80000054  }
0xb2: {  	_ =	swait.ge [sflag:s29], $0x1  }
0xb3: {  	[sflag:s29] =	ssyncadd.s32 $0xFFFFFFFF  }
0xb4: {  	_ =	strace $0x90000054  }
0xb5: {  	_ =	sfence  }
0xb6: {  	s30 =	sld [smem:$0x0];
	_ =	sdelay $0x2  }
0xb7: {  	s31 =	sshll.u32 s1, $0xD;
	s1 =	sshrl.u32 s1, $0x2  }
0xb8: {  	s3 =	sand.u32 $0x4000, s31;
	s1 =	sadd.s32 s1, s30  }
0xb9: {  	s0 =	sor.u32 s3, s0;
	s1 =	sshll.u32 s1, $0x11  }
0xba: {  	s0 =	sor.u32 s1, s0  }
0xbb: {  	s0 =	sadd.s32 $0x8F2B, s0  }
0xbc: {  	[sflag:s0] =	ssyncadd.remote.s32 $0x1  }
0xbd: {  	_ =	sfence.sel $0xFFFF  }
0xbe: {  	[dreg:$0x0] =	wrdreg $0xFFFFFFFF;
	(pc) =	sbr.abs _section_cstart, $3  }
0xbf: {  	[dreg:$0x1] =	wrdreg $0xFFFFFFFF  }
0xc0: {  	_ =	task.clear_ibuf [dreg:s6], $0x2FFFF;
	_ =	strace $0x9FFFFFFF  }
0xc1: {  	(tm) =	ssettm $0x7FFFFFFF  }
tec
execute0_lowered:
.L_overlay_start_1:
0x0: {  	(tag) =	ssettag $0x1  }
0x1: {  	s1 =	srdreg.scid  }
0x2: {  	s0 =	stileid.u32;
	s4 =	rddreg [dreg:$0x0];
	s2 =	simm.s32 $0x0  }
0x3: {  	s10 =	simm.s32 $0x640;
	s11 =	simm.s32 $0x1;
	s12 =	simm.s32 $0x6A40  }
0x4: {  	s3 =	sand.u32 $0x1, s1;
	s5 =	sshll.u32 s0, $0x1;
	s1 =	rddreg [dreg:$0x1]  }
0x5: {  	s13 =	simm.s32 $0x0;
	[smem:$0x7FF] =	sst s2;
	s5 =	sor.u32 s3, s5  }
0x6: {  	_ =	strace $0x80000053;
	s7 =	ssub.s32 $0x2, s3;
	s6 =	smul.u32 $0x64, s5  }
0x7: {  	s3 =	sadd.s32 $0xF9000, s4;
	s5 =	smul.u32 $0xC80, s5;
	s8 =	sshrl.u32 s7, $0x1  }
0x8: {  	s7 =	ssub.s32 s7, s8;
	s8 =	simm.s32 $0x2;
	s6 =	sadd.s32 s6, s4  }
0x9: {  	s9 =	sadd.s32 s5, s4;
	s7 =	smax.u32 s7, $0x1;
	s4 =	sadd.s32 $0x1200, s6  }
0xa: {  	s5 =	sadd.s32 $0x174000, s9;
	s6 =	sadd.s32 $0x15B000, s9;
	s9 =	simm.s32 $0x320  }
.LBB2_1:
0xb: {  	[tilespmem:s2], [sflag:$0x2] =	stream.linear.gather [hbm4b:s4+s2], $0x320, $0x38;
	[tilespmem:$0xCE40] =	vst v63  }
0xc: {  	_ =	swait.ge [sflag:s8], $0x320  }
0xd: {  	[sflag:s8] =	ssyncset.done $0x0  }
0xe: {  	s14 =	simm.s32 $0x0;
	[sflag:s8] =	ssyncadd.s32 $0xFFFFFCE0  }
0xf: {  	s15 =	simm.s32 $0x40;
	v0 =	vld [tilespmem:s14+$0x0]  }
.LBB2_2:
0x10: {  	p0 =	sne.s32 s15, $0xC40  }
.Ltmp0:
0x11: {  	_ = 	snop;
	(pc) =	sbr.rel @p0 .LBB2_2-.Ltmp0, $3  }
0x12: {  	_ =	sdelay $0x1  }
0x13: {  	s16 =	sshra.s32 s15, $0x2;
	s15 =	sadd.s32 $0x40, s15;
	v1 =	vadd.s32 $0xC400, v0  }
0x14: {  	v0 =	vld [tilespmem:s16+$0x0];
	[tilespmem:s14+$0x320] =	vst v1;
	s14 =	smov.u32 s16  }
0x15: {  	_ =	sdelay $0x3  }
0x16: {  	v0 =	vadd.s32 $0xC400, v0  }
0x17: {  	[tilespmem:s14+$0x320] =	vst v0  }
0x18: {  	[tilespmem:s10], [sflag:$0x1] =	stream.indirect.gather [hbm4b:s3+s9], $0x20, s2, s9, $0xb8;
	[tilespmem:$0xCE40] =	vst v63  }
0x19: {  	_ =	swait.ge [sflag:s11], $0x6400  }
0x1a: {  	[sflag:s11] =	ssyncset.done $0x0  }
0x1b: {  	[sflag:s11] =	ssyncadd.s32 $0xFFFF9C00  }
0x1c: {  	[tilespmem:s12], [sflag:$0x1] =	stream.indirect.gather [hbm4b:s3+s9], $0x20, s9, s9, $0xb8;
	[tilespmem:$0xCE40] =	vst v63  }
0x1d: {  	_ =	swait.ge [sflag:s11], $0x6400  }
0x1e: {  	[sflag:s11] =	ssyncset.done $0x0  }
0x1f: {  	[sflag:s11] =	ssyncadd.s32 $0xFFFF9C00  }
0x20: {  	[hbm4b:s5+s2] =	stream.linear.scatter [tilespmem:s10], [sflag:$0x2], $0x6400, $0x38;
	[tilespmem:$0xCE40] =	vst v63  }
0x21: {  	s13 =	sadd.s32 $0x1, s13;
	_ =	swait.ge [sflag:s8], $0x6400  }
0x22: {  	p0 =	sne.s32 s13, s7;
	[sflag:s8] =	ssyncset.done $0x0  }
.Ltmp1:
0x23: {  	[sflag:s8] =	ssyncadd.s32 $0xFFFF9C00;
	(pc) =	sbr.rel @p0 .LBB2_1-.Ltmp1, $4  }
0x24: {  	[hbm4b:s6+s2] =	stream.linear.scatter [tilespmem:s12], [sflag:$0x2], $0x6400, $0x38;
	[tilespmem:$0xCE40] =	vst v63  }
0x25: {  	_ =	swait.ge [sflag:s8], $0x6400  }
0x26: {  	[sflag:s8] =	ssyncset.done $0x0  }
0x27: {  	[sflag:s8] =	ssyncadd.s32 $0xFFFF9C00  }
0x28: {  	_ =	sfence.sel $0x180000  }
0x29: {  	[bflag:$0x0] =	sbarrier.arrive $0xFFFF  }
0x2a: {  	p0 =	sne.s32 s0, $0x0;
	_ =	strace $0x90000053  }
0x2b: {  	s0 =	sadd.s32 @!p0 $0x100000, s1;
	[bflag:$0x2] =	sbarrier.arrive $0xFFFF  }
0x2c: {  	[sflag:s0] =	ssyncadd.tile.s32 @!p0 $0x1;
	_ =	shalt  }
.Lfunc_end2:
_tile_overlayer_lowered:
.L_overlay_start_2:
0x2d: {  	(tag) =	ssettag $0x2  }
0x2e: {  	s0 =	rddreg [dreg:$0x0];
	s2 =	stileid.u32  }
0x2f: {  	s1 =	rddreg [dreg:$0x1];
	p0 =	sne.s32 s2, $0x0  }
0x30: {  	s3 =	rddreg [dreg:$0x2];
	[bflag:$0x3] =	sbarrier.arrive $0xFFFF;
	s2 =	simm.s32 @!p0 $0x1C02  }
0x31: {  	[timem:s3], [sflag:s2] =	dma.local @!p0 [hbm:s0], s1  }
0x32: {  	s0 =	simm.s32 @!p0 $0x2  }
0x33: {  	_ =	swait.ge @!p0 [sflag:s0], s1  }
0x34: {  	s1 =	ssub.s32 @!p0 $0x0, s1;
	[sflag:s0] =	ssyncset.done @!p0 $0x0  }
0x35: {  	[sflag:s0] =	ssyncadd.s32 @!p0 s1  }
0x36: {  	[bflag:$0x3] =	sbarrier.arrive $0xFFFF  }
0x37: {  	_ =	shalt  }

// kernel: kernel.29.cloned.1.call-start
scs
__scs_entry_jumppad:
0x0: {  	(pc) =	sbr.rel $0x88, $3  }
0x1: {  	(tag) =	ssettag $0x0;
	lr =	simm.s32 $0x1  }
0x2: {  	[smem:$0x3F8D] =	sst lr;
	_ =	strace $0xD0000000  }
0x3: {  	_ = 	snop  }
0x4: {  	_ = 	snop  }
0x5: {  	_ = 	snop  }
0x6: {  	_ = 	snop  }
0x7: {  	_ = 	snop  }
__scs_overlays_trampoline_lowered:
0x8: {  	[smem:$0x3F9C] =	sst s0  }
0x9: {  	[smem:$0x3F9D] =	sst s1  }
0xa: {  	[smem:$0x3F9E] =	sst s2  }
0xb: {  	[smem:$0x3F9F] =	sst s3  }
0xc: {  	[smem:$0x3FA0] =	sst s4  }
0xd: {  	[smem:$0x3FA1] =	sst s5  }
0xe: {  	[smem:$0x3FA2] =	sst s6  }
0xf: {  	[smem:$0x3FA3] =	sst s7  }
0x10: {  	[smem:$0x3FA4] =	sst s8  }
0x11: {  	[smem:$0x3FA5] =	sst s9;
	s0 =	simm.s32 @!p0 $0x0  }
0x12: {  	s1 =	sld [smem:$0x3F8B];
	s0 =	simm.s32 @p0 $0x1  }
0x13: {  	[smem:$0x3FA6] =	sst s0;
	s0 =	simm.s32 @!p1 $0x0  }
0x14: {  	s2 =	sld [smem:$0x3F8A];
	s0 =	simm.s32 @p1 $0x1  }
0x15: {  	[smem:$0x3FA7] =	sst s0;
	s0 =	simm.s32 @!p2 $0x0  }
0x16: {  	s3 =	sld [smem:$0x3FDB];
	s0 =	simm.s32 @p2 $0x1  }
0x17: {  	s4 =	simm.s32 $0x1BF5;
	[smem:$0x3FA9] =	sst s0  }
0x18: {  	s0 =	sld [smem:$0x3F8C];
	_ =	swait.ge [sflag:s4], $0x0  }
0x19: {  	s7 =	sld [smem:$0x3F8D]  }
0x1a: {  	s8 =	sadd.s32 $0xFFFFE003, lr  }
0x1b: {  	s9 =	sadd.s32 $0xFFFFFEF7, lr;
	s5 =	simm.s32 $0xFFFFFFFF;
	p2 =	slt.u32 s8, $0xFFFFF086  }
0x1c: {  	p1 =	slt.u32 s9, $0xF7A;
	s5 =	simm.s32 @!p2 $0x0  }
0x1d: {  	s5 =	simm.s32 @p1 $0x1;
	p0 =	seq.s32 s7, s2  }
0x1e: {  	s7 =	smul.u32 @!p0 $0xF7A, s2;
	p2 =	seq.s32 @!p0 s5, $0x0  }
0x1f: {  	s9 =	smul.u32 $0xF7A, s1;
	s8 =	simm.s32 @!p0 $0x1BF5;
	p2 =	por !p2, p0  }
0x20: {  	[sflag:s8] =	ssyncset.s32 @!p0 $0xFFFFF086;
	s6 =	sadd.s32 @!p0 s3, s7;
	s7 =	simm.s32 @!p0 $0x108  }
0x21: {  	s3 =	sadd.s32 s3, s9;
	s6 =	sadd.s32 @!p0 $0x88, s6;
	s7 =	simm.s32 @p2 $0x1082  }
0x22: {  	[simem:s7], [sflag:s8] =	dma.local @!p0 [hbm:s6], $0xF7A  }
0x23: {  	s9 =	sor.u32 $0xD0000000, s2;
	s6 =	simm.s32 $0x108;
	_ =	swait.ge @!p0 [sflag:s8], $0x0  }
0x24: {  	s3 =	sadd.s32 $0x88, s3;
	s6 =	simm.s32 @!p1 $0x1082;
	[sflag:s4] =	ssyncset.s32 $0xFFFFF086  }
0x25: {  	[simem:s6], [sflag:s4] =	dma.local [hbm:s3], $0xF7A  }
0x26: {  	[smem:$0x3F8D] =	sst s1;
	(tag) =	ssettag s2;
	_ =	strace s9  }
0x27: {  	s1 =	sld [smem:$0x3F9D]  }
0x28: {  	s2 =	sld [smem:$0x3F9E]  }
0x29: {  	s4 =	sld [smem:$0x3FA0]  }
0x2a: {  	p0 =	seq.s32 s5, $0x0;
	s5 =	sld [smem:$0x3FA1]  }
0x2b: {  	s6 =	sld [smem:$0x3FA2]  }
0x2c: {  	s7 =	sld [smem:$0x3FA3]  }
0x2d: {  	s3 =	simm.s32 $0x108;
	s8 =	sld [smem:$0x3FA4]  }
0x2e: {  	s3 =	simm.s32 @!p0 $0x1082;
	s9 =	sld [smem:$0x3FA5]  }
0x2f: {  	lr =	sadd.s32 s0, s3;
	s0 =	sld [smem:$0x3F9C]  }
0x30: {  	s3 =	sld [smem:$0x3F9F]  }
0x31: {  	[smem:$0x3FA8] =	sst s10  }
0x32: {  	s10 =	sld [smem:$0x3FA6];
	_ =	sdelay $0x3  }
0x33: {  	p0 =	seq.s32 s10, $0x1;
	s10 =	sld [smem:$0x3FA8];
	_ =	sdelay $0x3  }
0x34: {  	[smem:$0x3FA8] =	sst s10  }
0x35: {  	s10 =	sld [smem:$0x3FA7];
	_ =	sdelay $0x3  }
0x36: {  	p1 =	seq.s32 s10, $0x1;
	s10 =	sld [smem:$0x3FA8];
	_ =	sdelay $0x3  }
0x37: {  	[smem:$0x3FA8] =	sst s10  }
0x38: {  	s10 =	sld [smem:$0x3FA9]  }
0x39: {  	_ = 	snop;
	(pc) =	sbr.ind lr, $3  }
0x3a: {  	_ = 	snop  }
0x3b: {  	_ = 	snop  }
0x3c: {  	p2 =	seq.s32 s10, $0x1;
	s10 =	sld [smem:$0x3FA8]  }
0x3d: {  	_ =	shalt  }
0x3e: {  	_ =	shalt  }
0x3f: {  	_ =	shalt  }
0x40: {  	_ =	shalt  }
0x41: {  	_ =	shalt  }
0x42: {  	_ =	shalt  }
0x43: {  	_ =	shalt  }
0x44: {  	_ =	shalt  }
0x45: {  	_ =	shalt  }
0x46: {  	_ =	shalt  }
0x47: {  	_ =	shalt  }
0x48: {  	_ =	shalt  }
0x49: {  	_ =	shalt  }
0x4a: {  	_ =	shalt  }
0x4b: {  	_ =	shalt  }
0x4c: {  	_ =	shalt  }
0x4d: {  	_ =	shalt  }
0x4e: {  	_ =	shalt  }
0x4f: {  	_ =	shalt  }
0x50: {  	_ =	shalt  }
0x51: {  	_ =	shalt  }
0x52: {  	_ =	shalt  }
0x53: {  	_ =	shalt  }
0x54: {  	_ =	shalt  }
0x55: {  	_ =	shalt  }
0x56: {  	_ =	shalt  }
0x57: {  	_ =	shalt  }
0x58: {  	_ =	shalt  }
0x59: {  	_ =	shalt  }
0x5a: {  	_ =	shalt  }
0x5b: {  	_ =	shalt  }
0x5c: {  	_ =	shalt  }
0x5d: {  	_ =	shalt  }
0x5e: {  	_ =	shalt  }
0x5f: {  	_ =	shalt  }
0x60: {  	_ =	shalt  }
0x61: {  	_ =	shalt  }
0x62: {  	_ =	shalt  }
0x63: {  	_ =	shalt  }
0x64: {  	_ =	shalt  }
0x65: {  	_ =	shalt  }
0x66: {  	_ =	shalt  }
0x67: {  	_ =	shalt  }
0x68: {  	_ =	shalt  }
0x69: {  	_ =	shalt  }
0x6a: {  	_ =	shalt  }
0x6b: {  	_ =	shalt  }
0x6c: {  	_ =	shalt  }
0x6d: {  	_ =	shalt  }
0x6e: {  	_ =	shalt  }
0x6f: {  	_ =	shalt  }
0x70: {  	_ =	shalt  }
0x71: {  	_ =	shalt  }
0x72: {  	_ =	shalt  }
0x73: {  	_ =	shalt  }
0x74: {  	_ =	shalt  }
0x75: {  	_ =	shalt  }
0x76: {  	_ =	shalt  }
0x77: {  	_ =	shalt  }
0x78: {  	_ =	shalt  }
0x79: {  	_ =	shalt  }
0x7a: {  	_ =	shalt  }
0x7b: {  	_ =	shalt  }
0x7c: {  	_ =	shalt  }
0x7d: {  	_ =	shalt  }
0x7e: {  	_ =	shalt  }
0x7f: {  	_ =	shalt  }
0x80: {  	_ =	shalt  }
0x81: {  	_ =	shalt  }
0x82: {  	_ =	shalt  }
0x83: {  	_ =	shalt  }
0x84: {  	_ =	shalt  }
0x85: {  	_ =	shalt  }
0x86: {  	_ =	shalt  }
0x87: {  	_ =	shalt  }
.Lfunc_end0:
.L_simem_size_0:
called_computation.5_lowered:
.L_overlay_start_0:
0x88: {  	s2 =	sld [smem:$0x3FD9]  }
0x89: {  	s3 =	sld [smem:$0x3FFE];
	_ =	sdelay $0x1  }
0x8a: {  	s1 =	srdreg.scid  }
0x8b: {  	s0 =	sand.u32 $0x1, s1  }
0x8c: {  	s16 =	sshll.u32 s0, $0xA;
	s2 =	sadd.s32 s3, s2  }
0x8d: {  	s2 =	sadd.s32 s2, s16  }
0x8e: {  	[smem:$0x3FB4] =	sst s2  }
0x8f: {  	_ = 	snop  }
0x90: {  	(tm) =	ssettm $0x1  }
0x91: {  	s17 =	sld [smem:$0x3FFB];
	_ =	sdelay $0x3  }
0x92: {  	_ =	strace s17  }
0x93: {  	s2 =	sld [smem:$0x3FFC];
	_ =	sdelay $0x3  }
0x94: {  	_ =	strace s2  }
0x95: {  	s2 =	sld [smem:$0x3FFD];
	_ =	sdelay $0x3  }
0x96: {  	_ =	strace s2  }
0x97: {  	_ =	strace $0x8FFFFFFF  }
0x98: {  	s18 =	sld [smem:$0x3FDB];
	_ =	sdelay $0x1  }
0x99: {  	s19 =	simm.s32 $_scs_section_size  }
0x9a: {  	s4 =	simm.s32 $_size__tile_overlayer_lowered;
	s5 =	simm.s32 $_tile_overlayer_lowered  }
0x9b: {  	s22 =	simm.s32 $0x1BFF;
	s21 =	sshll.u32 s5, $0x1;
	s2 =	sadd.s32 s19, s18  }
0x9c: {  	s6 =	simm.s32 $0x0;
	s20 =	sshll.u32 s4, $0x1;
	s4 =	sadd.s32 s21, s2  }
0x9d: {  	[timem:s6], [sflag:s22] =	dma.local [hbm:s4], s20  }
0x9e: {  	_ =	swait.ge [sflag:s22], s20  }
0x9f: {  	s3 =	ssub.s32 $0x0, s20;
	[sflag:s22] =	ssyncset.done $0x0  }
0xa0: {  	[sflag:s22] =	ssyncadd.s32 s3;
	_ =	sdelay $0x1  }
0xa1: {  	s23 =	simm.s32 $0x1B8B  }
0xa2: {  	_ =	swait.ge [sflag:s23], $0x1  }
0xa3: {  	[sflag:s23] =	ssyncset.done $0x0  }
0xa4: {  	s25 =	simm.s32 $0x1B8E;
	s24 =	sld [smem:$0x3FFE];
	[sflag:s23] =	ssyncadd.s32 $0xFFFFFFFF  }
0xa5: {  	s26 =	simm.s32 $execute0_lowered;
	[smem:$0x3FD2] =	sst s25  }
0xa6: {  	s4 =	sshll.u32 s26, $0x1;
	_ =	strace $0x80000055;
	[dreg:$0x1] =	wrdreg $0xFFFFFFFF  }
0xa7: {  	s28 =	simm.s32 $_size_execute0_lowered;
	s2 =	sadd.s32 s2, s4;
	[dreg:$0x0] =	wrdreg $0x0  }
0xa8: {  	s4 =	sshll.u32 s28, $0x1;
	[dreg:$0x2] =	wrdreg s2  }
0xa9: {  	[dreg:$0x3] =	wrdreg s4  }
0xaa: {  	[dreg:$0x4] =	wrdreg $0xC0  }
0xab: {  	_ =	task [dreg:s6], $0x5FFFF  }
0xac: {  	[dreg:$0x1] =	wrdreg $0xFFFFFFFF  }
0xad: {  	[dreg:$0x0] =	wrdreg $0x60  }
0xae: {  	[dreg:$0x2] =	wrdreg s24  }
0xaf: {  	[dreg:$0x3] =	wrdreg $0x9  }
0xb0: {  	_ =	task.clear_ibuf [dreg:s6], $0x4FFFF;
	_ =	strace $0x90000055  }
0xb1: {  	s29 =	simm.s32 $0x9;
	_ =	strace $0x80000057  }
0xb2: {  	_ =	swait.ge [sflag:s29], $0x1  }
0xb3: {  	[sflag:s29] =	ssyncadd.s32 $0xFFFFFFFF  }
0xb4: {  	_ =	strace $0x90000057  }
0xb5: {  	_ =	sfence  }
0xb6: {  	s30 =	sld [smem:$0x0];
	_ =	sdelay $0x2  }
0xb7: {  	s31 =	sshll.u32 s1, $0xD;
	s1 =	sshrl.u32 s1, $0x2  }
0xb8: {  	s3 =	sand.u32 $0x4000, s31;
	s1 =	sadd.s32 s1, s30  }
0xb9: {  	s0 =	sor.u32 s3, s0;
	s1 =	sshll.u32 s1, $0x11  }
0xba: {  	s0 =	sor.u32 s1, s0  }
0xbb: {  	s0 =	sadd.s32 $0x8F2B, s0  }
0xbc: {  	[sflag:s0] =	ssyncadd.remote.s32 $0x1  }
0xbd: {  	_ =	sfence.sel $0xFFFF  }
0xbe: {  	[dreg:$0x0] =	wrdreg $0xFFFFFFFF;
	(pc) =	sbr.abs _section_cstart, $3  }
0xbf: {  	[dreg:$0x1] =	wrdreg $0xFFFFFFFF  }
0xc0: {  	_ =	task.clear_ibuf [dreg:s6], $0x2FFFF;
	_ =	strace $0x9FFFFFFF  }
0xc1: {  	(tm) =	ssettm $0x7FFFFFFF  }
tec
execute0_lowered:
.L_overlay_start_1:
0x0: {  	(tag) =	ssettag $0x1  }
0x1: {  	s1 =	srdreg.scid;
	s0 =	stileid.u32  }
0x2: {  	s6 =	sand.u32 $0x1, s1;
	s30 =	sshll.u32 s0, $0x1  }
0x3: {  	s8 =	rddreg [dreg:$0x0];
	s7 =	sor.u32 s6, s30  }
0x4: {  	s2 =	simm.s32 $0x0;
	s1 =	rddreg [dreg:$0x1];
	s3 =	smul.u32 $0x32, s7  }
0x5: {  	[smem:$0x7FF] =	sst s2;
	s5 =	sadd.s32 $0x1200, s8  }
0x6: {  	_ =	strace $0x80000056;
	s10 =	ssub.s32 $0x2, s6;
	s3 =	sadd.s32 s3, s8  }
0x7: {  	s6 =	simm.s32 $0x190;
	s4 =	sadd.s32 $0x33200, s3;
	s3 =	simm.s32 $0x2  }
0x8: {  	[tilespmem:s2], [sflag:$0x2] =	stream.linear.gather [hbm4b:s4+s2], $0x190, $0x38;
	[tilespmem:$0x6590] =	vst v63  }
0x9: {  	s9 =	smul.u32 $0xC80, s7;
	s11 =	sshrl.u32 s10, $0x1;
	_ =	swait.ge [sflag:s3], $0x190  }
0xa: {  	s7 =	simm.s32 $0x1;
	s31 =	ssub.s32 s10, s11;
	[sflag:s3] =	ssyncset.done $0x0  }
0xb: {  	s8 =	sadd.s32 s9, s8;
	s9 =	smax.u32 s31, $0x1;
	[sflag:s3] =	ssyncadd.s32 $0xFFFFFE70  }
0xc: {  	[tilespmem:s6], [sflag:$0x1] =	stream.indirect.gather [hbm4b:s5+s6], $0x40, s2, s6, $0xb8;
	[tilespmem:$0x6590] =	vst v63  }
0xd: {  	p0 =	sne.s32 s9, $0x1;
	_ =	swait.ge [sflag:s7], $0x6400  }
.Ltmp0:
0xe: {  	[sflag:s7] =	ssyncset.done $0x0;
	(pc) =	sbr.rel @!p0 .LBB2_2-.Ltmp0, $4  }
0xf: {  	s8 =	sadd.s32 $0x33A00, s8;
	[sflag:s7] =	ssyncadd.s32 $0xFFFF9C00  }
0x10: {  	[hbm4b:s8+s2] =	stream.linear.scatter [tilespmem:s6], [sflag:$0x2], $0x6400, $0x38;
	[tilespmem:$0x6590] =	vst v63  }
0x11: {  	_ =	swait.ge [sflag:s3], $0x6400  }
0x12: {  	s9 =	sadd.s32 $0xFFFFFFFF, s9;
	[sflag:s3] =	ssyncset.done $0x0  }
.LBB2_1:
0x13: {  	p0 =	sne.s32 s9, $0x1;
	s9 =	sadd.s32 $0xFFFFFFFF, s9;
	[sflag:s3] =	ssyncadd.s32 $0xFFFF9C00  }
0x14: {  	[tilespmem:s2], [sflag:$0x2] =	stream.linear.gather [hbm4b:s4+s2], $0x190, $0x38;
	[tilespmem:$0x6590] =	vst v63  }
0x15: {  	_ =	swait.ge [sflag:s3], $0x190  }
0x16: {  	[sflag:s3] =	ssyncset.done $0x0  }
0x17: {  	[sflag:s3] =	ssyncadd.s32 $0xFFFFFE70  }
0x18: {  	[tilespmem:s6], [sflag:$0x1] =	stream.indirect.gather [hbm4b:s5+s6], $0x40, s2, s6, $0xb8;
	[tilespmem:$0x6590] =	vst v63  }
0x19: {  	_ =	swait.ge [sflag:s7], $0x6400  }
.Ltmp1:
0x1a: {  	[sflag:s7] =	ssyncset.done $0x0;
	(pc) =	sbr.rel @p0 .LBB2_1-.Ltmp1, $4  }
0x1b: {  	[sflag:s7] =	ssyncadd.s32 $0xFFFF9C00  }
0x1c: {  	[hbm4b:s8+s2] =	stream.linear.scatter [tilespmem:s6], [sflag:$0x2], $0x6400, $0x38;
	[tilespmem:$0x6590] =	vst v63  }
0x1d: {  	_ =	swait.ge [sflag:s3], $0x6400  }
0x1e: {  	[sflag:s3] =	ssyncset.done $0x0  }
.LBB2_2:
0x1f: {  	[sflag:s3] =	ssyncadd.s32 $0xFFFF9C00  }
0x20: {  	_ =	sfence.sel $0x180000  }
0x21: {  	[bflag:$0x0] =	sbarrier.arrive $0xFFFF  }
0x22: {  	p0 =	sne.s32 s0, $0x0;
	_ =	strace $0x90000056  }
0x23: {  	s0 =	sadd.s32 @!p0 $0x100000, s1;
	[bflag:$0x2] =	sbarrier.arrive $0xFFFF  }
0x24: {  	[sflag:s0] =	ssyncadd.tile.s32 @!p0 $0x1;
	_ =	shalt  }
.Lfunc_end2:
_tile_overlayer_lowered:
.L_overlay_start_2:
0x25: {  	(tag) =	ssettag $0x2  }
0x26: {  	s0 =	rddreg [dreg:$0x0];
	s2 =	stileid.u32  }
0x27: {  	s1 =	rddreg [dreg:$0x1];
	p0 =	sne.s32 s2, $0x0  }
0x28: {  	s3 =	rddreg [dreg:$0x2];
	[bflag:$0x3] =	sbarrier.arrive $0xFFFF;
	s2 =	simm.s32 @!p0 $0x1C02  }
0x29: {  	[timem:s3], [sflag:s2] =	dma.local @!p0 [hbm:s0], s1  }
0x2a: {  	s0 =	simm.s32 @!p0 $0x2  }
0x2b: {  	_ =	swait.ge @!p0 [sflag:s0], s1  }
0x2c: {  	s1 =	ssub.s32 @!p0 $0x0, s1;
	[sflag:s0] =	ssyncset.done @!p0 $0x0  }
0x2d: {  	[sflag:s0] =	ssyncadd.s32 @!p0 s1  }
0x2e: {  	[bflag:$0x3] =	sbarrier.arrive $0xFFFF  }
0x2f: {  	_ =	shalt  }

</sc_bundles>
